<compile_context>
chip_gen: v7x
topology: tpu7x:2x2x1
jax: 0.10.2.dev20260603
libtpu: 0.0.44.dev20260713+nightly
codegen_flags: <defaults>
</compile_context>

<pallas_src>
import jax
import jax.numpy as jnp
from jax import lax
from jax.experimental import pallas as pl
from jax.experimental.pallas import tpu as pltpu
from jax.experimental.pallas import tpu_sc as plsc

N = 10000
E = 80000
H = 128
NC = 2
NT = 16
CHUNK = 128
NCHUNK = 40
EPT = NCHUNK * CHUNK
EPAD = NT * EPT
NP = 10240
RPT = NP // NT
ZR = 128
PAD_TGT = 10200

_F32 = jnp.float32


def _segsum_body(h_hbm, src_hbm, tgt_hbm, out_hbm,
                 src_v, tgt_v, rows0_v, rows1_v, acc, sem0, sem1):
    c = lax.axis_index("c")
    s = lax.axis_index("s")

    def _zrow(i, carry):
        for j in range(H // 16):
            rows0_v[i, pl.ds(j * 16, 16)] = jnp.zeros((16,), _F32)
        return carry
    lax.fori_loop(0, ZR, _zrow, 0)

    def _zacc(k, carry):
        pltpu.sync_copy(rows0_v, acc.at[pl.ds(s * RPT + k * ZR, ZR)])
        return carry
    lax.fori_loop(0, RPT // ZR, _zacc, 0)
    plsc.subcore_barrier()

    pltpu.sync_copy(src_hbm.at[c, s], src_v)
    pltpu.sync_copy(tgt_hbm.at[c, s], tgt_v)

    pltpu.async_copy(h_hbm.at[src_v.at[0]], rows0_v, sem0)

    def _edge2(i, carry):
        j0 = 2 * i
        d1 = pltpu.async_copy(h_hbm.at[src_v.at[j0 + 1]], rows1_v, sem1)
        pltpu.make_async_copy(h_hbm.at[src_v.at[0]], rows0_v, sem0).wait()
        pltpu.sync_copy(rows0_v, acc.at[tgt_v.at[j0]], add=True)

        @pl.when(i < NCHUNK // 2 - 1)
        def _():
            pltpu.async_copy(h_hbm.at[src_v.at[j0 + 2]], rows0_v, sem0)

        d1.wait()
        pltpu.sync_copy(rows1_v, acc.at[tgt_v.at[j0 + 1]], add=True)
        return carry
    lax.fori_loop(0, NCHUNK // 2, _edge2, 0)
    plsc.subcore_barrier()

    pltpu.sync_copy(acc.at[pl.ds(s * RPT, RPT)],
                    out_hbm.at[c, pl.ds(s * RPT, RPT)])


def _build_segsum():
    return pl.kernel(
        _segsum_body,
        out_type=jax.ShapeDtypeStruct((NC, NP, H), _F32),
        mesh=plsc.VectorSubcoreMesh(core_axis_name="c", subcore_axis_name="s",
                                    num_cores=NC, num_subcores=NT),
        scratch_types=[
            pltpu.VMEM((NCHUNK, CHUNK), jnp.int32),
            pltpu.VMEM((NCHUNK, CHUNK), jnp.int32),
            pltpu.VMEM((CHUNK, H), _F32),
            pltpu.VMEM((CHUNK, H), _F32),
            pltpu.VMEM_SHARED((NP, H), _F32),
            pltpu.SemaphoreType.DMA,
            pltpu.SemaphoreType.DMA,
        ],
    )


def _deg_body(tgt_hbm, out_hbm, tgt_v, val_v, dacc):
    c = lax.axis_index("c")
    s = lax.axis_index("s")

    def _fill(val):
        def _f(i, carry):
            for j in range(H // 16):
                val_v[i, pl.ds(j * 16, 16)] = jnp.full((16,), val, _F32)
            return carry
        lax.fori_loop(0, ZR, _f, 0)

    _fill(0.0)

    def _zacc(k, carry):
        pltpu.sync_copy(val_v, dacc.at[pl.ds(s * RPT + k * ZR, ZR)])
        return carry
    lax.fori_loop(0, RPT // ZR, _zacc, 0)

    _fill(1.0)
    plsc.subcore_barrier()

    pltpu.sync_copy(tgt_hbm.at[c, s], tgt_v)

    def _edge(j, carry):
        pltpu.sync_copy(val_v, dacc.at[tgt_v.at[j]], add=True)
        return carry
    lax.fori_loop(0, NCHUNK, _edge, 0)
    plsc.subcore_barrier()

    pltpu.sync_copy(dacc.at[pl.ds(s * RPT, RPT)],
                    out_hbm.at[c, pl.ds(s * RPT, RPT)])


def _build_deg():
    return pl.kernel(
        _deg_body,
        out_type=jax.ShapeDtypeStruct((NC, NP, H), _F32),
        mesh=plsc.VectorSubcoreMesh(core_axis_name="c", subcore_axis_name="s",
                                    num_cores=NC, num_subcores=NT),
        scratch_types=[
            pltpu.VMEM((NCHUNK, CHUNK), jnp.int32),
            pltpu.VMEM((ZR, H), _F32),
            pltpu.VMEM_SHARED((NP, H), _F32),
        ],
    )


BN = 1000


def _gru_body(g_ref, h_ref, d_ref,
              w0t_ref, w1t_ref, b0_ref, b1_ref,
              wiht_ref, whht_ref, bih_ref, bhh_ref, out_ref, outr_ref):
    h = h_ref[...]
    hi = lax.Precision.HIGHEST
    lo = lax.Precision.DEFAULT
    inc = jnp.dot(g_ref[0], w0t_ref[...], precision=hi,
                  preferred_element_type=_F32)
    inc += jnp.dot(g_ref[1], w1t_ref[...], precision=hi,
                   preferred_element_type=_F32)
    inc += d_ref[0] * b0_ref[...]
    inc += d_ref[1] * b1_ref[...]
    gi = jnp.dot(inc, wiht_ref[...], precision=lo,
                 preferred_element_type=_F32) + bih_ref[...]
    gh = jnp.dot(h, whht_ref[...], precision=lo,
                 preferred_element_type=_F32) + bhh_ref[...]
    r = jax.nn.sigmoid(gi[:, 0:H] + gh[:, 0:H])
    z = jax.nn.sigmoid(gi[:, H:2 * H] + gh[:, H:2 * H])
    n = jnp.tanh(gi[:, 2 * H:] + r * gh[:, 2 * H:])
    out = (1.0 - z) * n + z * h
    out_ref[...] = out
    outr_ref[...] = out.astype(jnp.bfloat16).astype(_F32)


def _row_spec(w):
    return pl.BlockSpec((BN, w), lambda i: (i, 0))


def _full_spec(r, w):
    return pl.BlockSpec((r, w), lambda i: (0, 0))


_gru = pl.pallas_call(
    _gru_body,
    grid=(N // BN,),
    in_specs=[
        pl.BlockSpec((NC, BN, H), lambda i: (0, i, 0)),
        _row_spec(H),
        pl.BlockSpec((NC, BN, H), lambda i: (0, i, 0)),
        _full_spec(H, H), _full_spec(H, H),
        _full_spec(1, H), _full_spec(1, H),
        _full_spec(H, 3 * H), _full_spec(H, 3 * H),
        _full_spec(1, 3 * H), _full_spec(1, 3 * H),
    ],
    out_specs=(_row_spec(H), _row_spec(H)),
    out_shape=(jax.ShapeDtypeStruct((N, H), _F32),
               jax.ShapeDtypeStruct((N, H), _F32)),
)


def kernel(initial_node_representation, edge_index_0, edge_index_1,
           W_msg_0_0, b_msg_0_0, W_msg_0_1, b_msg_0_1,
           W_ih_0, W_hh_0, b_ih_0, b_hh_0,
           W_msg_1_0, b_msg_1_0, W_msg_1_1, b_msg_1_1,
           W_ih_1, W_hh_1, b_ih_1, b_hh_1):
    pad_s = jnp.zeros((EPAD - E,), jnp.int32)
    pad_t = jnp.full((EPAD - E,), PAD_TGT, jnp.int32)
    src = jnp.stack([jnp.concatenate([edge_index_0[:, 0], pad_s]),
                     jnp.concatenate([edge_index_1[:, 0], pad_s])])
    src = src.reshape(NC, NT, NCHUNK, CHUNK)
    tgt = jnp.stack([jnp.concatenate([edge_index_0[:, 1], pad_t]),
                     jnp.concatenate([edge_index_1[:, 1], pad_t])])
    tgt = tgt.reshape(NC, NT, NCHUNK, CHUNK)

    segsum = _build_segsum()
    d = _build_deg()(tgt)

    def _rnd(w):
        return lax.optimization_barrier(w.astype(jnp.bfloat16)).astype(_F32)

    layers = [
        (_rnd(W_msg_0_0.T), _rnd(W_msg_0_1.T), b_msg_0_0.reshape(1, H),
         b_msg_0_1.reshape(1, H), W_ih_0.T, W_hh_0.T,
         b_ih_0.reshape(1, 3 * H), b_hh_0.reshape(1, 3 * H)),
        (_rnd(W_msg_1_0.T), _rnd(W_msg_1_1.T), b_msg_1_0.reshape(1, H),
         b_msg_1_1.reshape(1, H), W_ih_1.T, W_hh_1.T,
         b_ih_1.reshape(1, 3 * H), b_hh_1.reshape(1, 3 * H)),
    ]

    h = initial_node_representation
    hr = _rnd(h)
    for (w0t, w1t, b0, b1, wiht, whht, bih, bhh) in layers:
        for _ in range(2):
            g = segsum(hr, src, tgt)
            h, hr = _gru(g, h, d, w0t, w1t, b0, b1,
                         wiht, whht, bih, bhh)
    return h

# --- scband reference (transcript-rebuilt; emitter-appended) ---
"""Pipeline reference for scband-gated-graph-neural-network-40896678593053 (READ-ONLY COPY).

The authoritative reference and input builder live on the scoring server;
editing this copy changes nothing except your own understanding.
"""

import jax, jax.numpy as jnp
import numpy as np

N = 10000
E = 80000
H = 128
NUM_LAYERS = 2
NUM_EDGE_TYPES = 2
LAYER_TIMESTEPS = [2, 2]


def setup_inputs(seed: int = 0) -> dict:
    key = jax.random.key(seed)
    scale = 1.0 / np.sqrt(H)
    inp = {}
    inp["initial_node_representation"] = jax.random.normal(jax.random.fold_in(key, 0), (N, H), dtype=jnp.float32)
    inp["edge_index_0"] = jax.random.randint(jax.random.fold_in(key, 1), (E, 2), 0, N, dtype=jnp.int32)
    inp["edge_index_1"] = jax.random.randint(jax.random.fold_in(key, 2), (E, 2), 0, N, dtype=jnp.int32)
    c = 10
    for l in range(NUM_LAYERS):
        for et in range(NUM_EDGE_TYPES):
            inp[f"W_msg_{l}_{et}"] = jax.random.normal(jax.random.fold_in(key, c), (H, H), dtype=jnp.float32) * scale; c += 1
            inp[f"b_msg_{l}_{et}"] = jax.random.normal(jax.random.fold_in(key, c), (H,), dtype=jnp.float32) * scale; c += 1
        inp[f"W_ih_{l}"] = jax.random.normal(jax.random.fold_in(key, c), (3 * H, H), dtype=jnp.float32) * scale; c += 1
        inp[f"W_hh_{l}"] = jax.random.normal(jax.random.fold_in(key, c), (3 * H, H), dtype=jnp.float32) * scale; c += 1
        inp[f"b_ih_{l}"] = jax.random.normal(jax.random.fold_in(key, c), (3 * H,), dtype=jnp.float32) * scale; c += 1
        inp[f"b_hh_{l}"] = jax.random.normal(jax.random.fold_in(key, c), (3 * H,), dtype=jnp.float32) * scale; c += 1
    return inp


def _gru_cell(x_in, h, W_ih, W_hh, b_ih, b_hh):
    gi = x_in @ W_ih.T + b_ih
    gh = h @ W_hh.T + b_hh
    i_r, i_z, i_n = jnp.split(gi, 3, axis=1)
    h_r, h_z, h_n = jnp.split(gh, 3, axis=1)
    r = jax.nn.sigmoid(i_r + h_r)
    z = jax.nn.sigmoid(i_z + h_z)
    n = jnp.tanh(i_n + r * h_n)
    return (1.0 - z) * n + z * h


def _forward(x, params, edges):
    # Faithful GGNN: per edge type, message = Linear(h[src]); incoming messages
    # scatter-added onto dst nodes (equivalent to the dense sparse-matrix @ messages
    # in the original); GRU cell update per timestep. Dropout p=0.0 (identity).
    h = x
    for layer in range(NUM_LAYERS):
        for _t in range(LAYER_TIMESTEPS[layer]):
            incoming = jnp.zeros_like(h)
            for et in range(NUM_EDGE_TYPES):
                e = edges[et]
                src = e[:, 0]
                tgt = e[:, 1]
                msg = jnp.take(h, src, axis=0) @ params[f"W_msg_{layer}_{et}"].T + params[f"b_msg_{layer}_{et}"]
                incoming = incoming + jax.ops.segment_sum(msg, tgt, num_segments=N)
            h = _gru_cell(incoming, h,
                          params[f"W_ih_{layer}"], params[f"W_hh_{layer}"],
                          params[f"b_ih_{layer}"], params[f"b_hh_{layer}"])
    return h


def reference(initial_node_representation, edge_index_0, edge_index_1,
              W_msg_0_0, b_msg_0_0, W_msg_0_1, b_msg_0_1,
              W_ih_0, W_hh_0, b_ih_0, b_hh_0,
              W_msg_1_0, b_msg_1_0, W_msg_1_1, b_msg_1_1,
              W_ih_1, W_hh_1, b_ih_1, b_hh_1):
    kw = {
        "initial_node_representation": initial_node_representation,
        "edge_index_0": edge_index_0,
        "edge_index_1": edge_index_1,
        "W_msg_0_0": W_msg_0_0, "b_msg_0_0": b_msg_0_0,
        "W_msg_0_1": W_msg_0_1, "b_msg_0_1": b_msg_0_1,
        "W_ih_0": W_ih_0, "W_hh_0": W_hh_0,
        "b_ih_0": b_ih_0, "b_hh_0": b_hh_0,
        "W_msg_1_0": W_msg_1_0, "b_msg_1_0": b_msg_1_0,
        "W_msg_1_1": W_msg_1_1, "b_msg_1_1": b_msg_1_1,
        "W_ih_1": W_ih_1, "W_hh_1": W_hh_1,
        "b_ih_1": b_ih_1, "b_hh_1": b_hh_1,
    }
    edges = [kw["edge_index_0"], kw["edge_index_1"]]
    return _forward(kw["initial_node_representation"], kw, edges)

if __name__ == "__main__":
    import jax
    _d = setup_inputs()
    print(jax.jit(kernel)(*tuple(_d.values())))

</pallas_src>

<mosaic_0001>
#map = affine_map<(d0, d1) -> (0, 0)>
#map1 = affine_map<(d0, d1) -> (0, 0, 0, 0)>
#map2 = affine_map<(d0, d1) -> (0, 0, 0)>
module attributes {stable_mosaic.version = 14 : i64} {
  func.func @_segsum_body(%arg0: i32, %arg1: i32, %arg2: memref<10000x128xf32, #tpu.memory_space<hbm>>, %arg3: memref<2x16x40x128xi32, #tpu.memory_space<hbm>>, %arg4: memref<2x16x40x128xi32, #tpu.memory_space<hbm>>, %arg5: memref<2x10240x128xf32, #tpu.memory_space<hbm>>, %arg6: memref<40x128xi32, #tpu.memory_space<vmem>>, %arg7: memref<40x128xi32, #tpu.memory_space<vmem>>, %arg8: memref<128x128xf32, #tpu.memory_space<vmem>>, %arg9: memref<128x128xf32, #tpu.memory_space<vmem>>, %arg10: memref<10240x128xf32, #tpu.memory_space<vmem_shared>>, %arg11: memref<!tpu.dma_semaphore, #tpu.memory_space<semaphore_mem>>, %arg12: memref<!tpu.dma_semaphore, #tpu.memory_space<semaphore_mem>>) attributes {dimension_semantics = [#tpu.dimension_semantics<core_parallel>, #tpu.dimension_semantics<subcore_parallel>], iteration_bounds = array<i64: 2, 16>, scalar_prefetch = 0 : i64, scratch_operands = 7 : i64, tpu.core_type = #tpu.core_type<sc_vector_subcore>, window_params = [{transform_indices = #map}, {transform_indices = #map1}, {transform_indices = #map1}, {transform_indices = #map2}]} {
    %scan3A = arith.constant 0 : i32
    %scan3A_0 = arith.constant 0 : i32
    %scan3A_1 = arith.constant 128 : i32
    %scan3A_2 = arith.addi %scan3A_0, %scan3A_1 : i32
    %scan3A_3 = arith.constant 1 : i32
    scf.for %scan3A_27 = %scan3A_0 to %scan3A_2 step %scan3A_3  : i32 {
      %broadcast_in_dim3A = arith.constant 0.000000e+00 : f32
      %broadcast_in_dim3A_28 = vector.broadcast %broadcast_in_dim3A : f32 to vector<16xf32>
      %swap3A = arith.index_cast %scan3A_27 : i32 to index
      %swap3A_29 = arith.constant 0 : index
      %swap3A_30 = tpu.vector_load %arg8[%swap3A, %swap3A_29] {strides = array<i32>} : memref<128x128xf32, #tpu.memory_space<vmem>>, vector<1x16xf32>,
      %swap3A_31 = vector.shape_cast %swap3A_30 : vector<1x16xf32> to vector<16xf32>
      %swap3A_32 = vector.shape_cast %broadcast_in_dim3A_28 : vector<16xf32> to vector<1x16xf32>
      tpu.vector_store %arg8[%swap3A, %swap3A_29], %swap3A_32 {strides = array<i32>} : memref<128x128xf32, #tpu.memory_space<vmem>>, vector<1x16xf32>,
      %broadcast_in_dim3A_33 = arith.constant 0.000000e+00 : f32
      %broadcast_in_dim3A_34 = vector.broadcast %broadcast_in_dim3A_33 : f32 to vector<16xf32>
      %swap3A_35 = arith.index_cast %scan3A_27 : i32 to index
      %swap3A_36 = arith.constant 16 : index
      %swap3A_37 = tpu.vector_load %arg8[%swap3A_35, %swap3A_36] {strides = array<i32>} : memref<128x128xf32, #tpu.memory_space<vmem>>, vector<1x16xf32>,
      %swap3A_38 = vector.shape_cast %swap3A_37 : vector<1x16xf32> to vector<16xf32>
      %swap3A_39 = vector.shape_cast %broadcast_in_dim3A_34 : vector<16xf32> to vector<1x16xf32>
      tpu.vector_store %arg8[%swap3A_35, %swap3A_36], %swap3A_39 {strides = array<i32>} : memref<128x128xf32, #tpu.memory_space<vmem>>, vector<1x16xf32>,
      %broadcast_in_dim3A_40 = arith.constant 0.000000e+00 : f32
      %broadcast_in_dim3A_41 = vector.broadcast %broadcast_in_dim3A_40 : f32 to vector<16xf32>
      %swap3A_42 = arith.index_cast %scan3A_27 : i32 to index
      %swap3A_43 = arith.constant 32 : index
      %swap3A_44 = tpu.vector_load %arg8[%swap3A_42, %swap3A_43] {strides = array<i32>} : memref<128x128xf32, #tpu.memory_space<vmem>>, vector<1x16xf32>,
      %swap3A_45 = vector.shape_cast %swap3A_44 : vector<1x16xf32> to vector<16xf32>
      %swap3A_46 = vector.shape_cast %broadcast_in_dim3A_41 : vector<16xf32> to vector<1x16xf32>
      tpu.vector_store %arg8[%swap3A_42, %swap3A_43], %swap3A_46 {strides = array<i32>} : memref<128x128xf32, #tpu.memory_space<vmem>>, vector<1x16xf32>,
      %broadcast_in_dim3A_47 = arith.constant 0.000000e+00 : f32
      %broadcast_in_dim3A_48 = vector.broadcast %broadcast_in_dim3A_47 : f32 to vector<16xf32>
      %swap3A_49 = arith.index_cast %scan3A_27 : i32 to index
      %swap3A_50 = arith.constant 48 : index
      %swap3A_51 = tpu.vector_load %arg8[%swap3A_49, %swap3A_50] {strides = array<i32>} : memref<128x128xf32, #tpu.memory_space<vmem>>, vector<1x16xf32>,
      %swap3A_52 = vector.shape_cast %swap3A_51 : vector<1x16xf32> to vector<16xf32>
      %swap3A_53 = vector.shape_cast %broadcast_in_dim3A_48 : vector<16xf32> to vector<1x16xf32>
      tpu.vector_store %arg8[%swap3A_49, %swap3A_50], %swap3A_53 {strides = array<i32>} : memref<128x128xf32, #tpu.memory_space<vmem>>, vector<1x16xf32>,
      %broadcast_in_dim3A_54 = arith.constant 0.000000e+00 : f32
      %broadcast_in_dim3A_55 = vector.broadcast %broadcast_in_dim3A_54 : f32 to vector<16xf32>
      %swap3A_56 = arith.index_cast %scan3A_27 : i32 to index
      %swap3A_57 = arith.constant 64 : index
      %swap3A_58 = tpu.vector_load %arg8[%swap3A_56, %swap3A_57] {strides = array<i32>} : memref<128x128xf32, #tpu.memory_space<vmem>>, vector<1x16xf32>,
      %swap3A_59 = vector.shape_cast %swap3A_58 : vector<1x16xf32> to vector<16xf32>
      %swap3A_60 = vector.shape_cast %broadcast_in_dim3A_55 : vector<16xf32> to vector<1x16xf32>
      tpu.vector_store %arg8[%swap3A_56, %swap3A_57], %swap3A_60 {strides = array<i32>} : memref<128x128xf32, #tpu.memory_space<vmem>>, vector<1x16xf32>,
      %broadcast_in_dim3A_61 = arith.constant 0.000000e+00 : f32
      %broadcast_in_dim3A_62 = vector.broadcast %broadcast_in_dim3A_61 : f32 to vector<16xf32>
      %swap3A_63 = arith.index_cast %scan3A_27 : i32 to index
      %swap3A_64 = arith.constant 80 : index
      %swap3A_65 = tpu.vector_load %arg8[%swap3A_63, %swap3A_64] {strides = array<i32>} : memref<128x128xf32, #tpu.memory_space<vmem>>, vector<1x16xf32>,
      %swap3A_66 = vector.shape_cast %swap3A_65 : vector<1x16xf32> to vector<16xf32>
      %swap3A_67 = vector.shape_cast %broadcast_in_dim3A_62 : vector<16xf32> to vector<1x16xf32>
      tpu.vector_store %arg8[%swap3A_63, %swap3A_64], %swap3A_67 {strides = array<i32>} : memref<128x128xf32, #tpu.memory_space<vmem>>, vector<1x16xf32>,
      %broadcast_in_dim3A_68 = arith.constant 0.000000e+00 : f32
      %broadcast_in_dim3A_69 = vector.broadcast %broadcast_in_dim3A_68 : f32 to vector<16xf32>
      %swap3A_70 = arith.index_cast %scan3A_27 : i32 to index
      %swap3A_71 = arith.constant 96 : index
      %swap3A_72 = tpu.vector_load %arg8[%swap3A_70, %swap3A_71] {strides = array<i32>} : memref<128x128xf32, #tpu.memory_space<vmem>>, vector<1x16xf32>,
      %swap3A_73 = vector.shape_cast %swap3A_72 : vector<1x16xf32> to vector<16xf32>
      %swap3A_74 = vector.shape_cast %broadcast_in_dim3A_69 : vector<16xf32> to vector<1x16xf32>
      tpu.vector_store %arg8[%swap3A_70, %swap3A_71], %swap3A_74 {strides = array<i32>} : memref<128x128xf32, #tpu.memory_space<vmem>>, vector<1x16xf32>,
      %broadcast_in_dim3A_75 = arith.constant 0.000000e+00 : f32
      %broadcast_in_dim3A_76 = vector.broadcast %broadcast_in_dim3A_75 : f32 to vector<16xf32>
      %swap3A_77 = arith.index_cast %scan3A_27 : i32 to index
      %swap3A_78 = arith.constant 112 : index
      %swap3A_79 = tpu.vector_load %arg8[%swap3A_77, %swap3A_78] {strides = array<i32>} : memref<128x128xf32, #tpu.memory_space<vmem>>, vector<1x16xf32>,
      %swap3A_80 = vector.shape_cast %swap3A_79 : vector<1x16xf32> to vector<16xf32>
      %swap3A_81 = vector.shape_cast %broadcast_in_dim3A_76 : vector<16xf32> to vector<1x16xf32>
      tpu.vector_store %arg8[%swap3A_77, %swap3A_78], %swap3A_81 {strides = array<i32>} : memref<128x128xf32, #tpu.memory_space<vmem>>, vector<1x16xf32>,
    }
    %scan3A_4 = arith.constant 128 : i32
    %scan3A_5 = arith.constant 0 : i32
    %scan3A_6 = arith.constant 0 : i32
    %scan3A_7 = arith.constant 5 : i32
    %scan3A_8 = arith.addi %scan3A_6, %scan3A_7 : i32
    %scan3A_9 = arith.constant 1 : i32
    scf.for %scan3A_27 = %scan3A_6 to %scan3A_8 step %scan3A_9  : i32 {
      %mul3A_28 = arith.constant 640 : i32
      %mul3A_29 = arith.muli %arg1, %mul3A_28 : i32
      %mul3A_30 = arith.constant 128 : i32
      %mul3A_31 = arith.muli %scan3A_27, %mul3A_30 : i32
      %add3A = arith.addi %mul3A_29, %mul3A_31 : i32
      "tpu.region"() ({
        %run_scoped3A = tpu.sem_alloc : memref<!tpu.dma_semaphore, #tpu.memory_space<semaphore_mem>>
        %dma_start3A_32 = arith.constant 0 : i32
        %dma_start3A_33 = tpu.memref_slice %arg10[%add3A, %dma_start3A_32] : memref<10240x128xf32, #tpu.memory_space<vmem_shared>> -> memref<128x128xf32, #tpu.memory_space<vmem_shared>>
        %dma_start3A_34 = arith.constant 0 : i32
        %dma_start3A_35 = tpu.memref_slice %arg10[%add3A, %dma_start3A_34] : memref<10240x128xf32, #tpu.memory_space<vmem_shared>> -> memref<128x128xf32, #tpu.memory_space<vmem_shared>>
        tpu.enqueue_dma source(%arg8 : memref<128x128xf32, #tpu.memory_space<vmem>>) target(%dma_start3A_35 : memref<128x128xf32, #tpu.memory_space<vmem_shared>>) target_semaphore(%run_scoped3A : memref<!tpu.dma_semaphore, #tpu.memory_space<semaphore_mem>>)
        %dma_wait3A = arith.constant 0 : i32
        %dma_wait3A_36 = tpu.memref_slice %arg10[%add3A, %dma_wait3A] : memref<10240x128xf32, #tpu.memory_space<vmem_shared>> -> memref<128x128xf32, #tpu.memory_space<vmem_shared>>
        %dma_wait3A_37 = arith.constant 0 : i32
        %dma_wait3A_38 = tpu.memref_slice %arg10[%add3A, %dma_wait3A_37] : memref<10240x128xf32, #tpu.memory_space<vmem_shared>> -> memref<128x128xf32, #tpu.memory_space<vmem_shared>>
        tpu.wait_dma2 semaphore(%run_scoped3A : memref<!tpu.dma_semaphore, #tpu.memory_space<semaphore_mem>>) src(%arg8 : memref<128x128xf32, #tpu.memory_space<vmem>>) dst(%dma_wait3A_38 : memref<128x128xf32, #tpu.memory_space<vmem_shared>>)
        tpu.yield
      }) : () -> ()
    }
    %scan3A_10 = arith.constant 5 : i32
    %barrier3A = arith.constant 0 : index
    tpu.barrier barrier_id(%barrier3A)
    "tpu.region"() ({
      %run_scoped3A = tpu.sem_alloc : memref<!tpu.dma_semaphore, #tpu.memory_space<semaphore_mem>>
      %dma_start3A_27 = arith.constant 0 : i32
      %dma_start3A_28 = arith.constant 0 : i32
      %dma_start3A_29 = tpu.memref_slice %arg3[%arg0, %arg1, %dma_start3A_27, %dma_start3A_28] : memref<2x16x40x128xi32, #tpu.memory_space<hbm>> -> memref<1x1x40x128xi32, #tpu.memory_space<hbm>>
      %dma_start3A_30 = tpu.memref_squeeze %dma_start3A_29 : memref<1x1x40x128xi32, #tpu.memory_space<hbm>> -> memref<40x128xi32, #tpu.memory_space<hbm>>
      %dma_start3A_31 = arith.constant 0 : i32
      %dma_start3A_32 = arith.constant 0 : i32
      %dma_start3A_33 = tpu.memref_slice %arg3[%arg0, %arg1, %dma_start3A_31, %dma_start3A_32] : memref<2x16x40x128xi32, #tpu.memory_space<hbm>> -> memref<1x1x40x128xi32, #tpu.memory_space<hbm>>
      %dma_start3A_34 = tpu.memref_squeeze %dma_start3A_33 : memref<1x1x40x128xi32, #tpu.memory_space<hbm>> -> memref<40x128xi32, #tpu.memory_space<hbm>>
      tpu.enqueue_dma source(%dma_start3A_34 : memref<40x128xi32, #tpu.memory_space<hbm>>) target(%arg6 : memref<40x128xi32, #tpu.memory_space<vmem>>) target_semaphore(%run_scoped3A : memref<!tpu.dma_semaphore, #tpu.memory_space<semaphore_mem>>)
      %dma_wait3A = arith.constant 0 : i32
      %dma_wait3A_35 = arith.constant 0 : i32
      %dma_wait3A_36 = tpu.memref_slice %arg3[%arg0, %arg1, %dma_wait3A, %dma_wait3A_35] : memref<2x16x40x128xi32, #tpu.memory_space<hbm>> -> memref<1x1x40x128xi32, #tpu.memory_space<hbm>>
      %dma_wait3A_37 = tpu.memref_squeeze %dma_wait3A_36 : memref<1x1x40x128xi32, #tpu.memory_space<hbm>> -> memref<40x128xi32, #tpu.memory_space<hbm>>
      %dma_wait3A_38 = arith.constant 0 : i32
      %dma_wait3A_39 = arith.constant 0 : i32
      %dma_wait3A_40 = tpu.memref_slice %arg3[%arg0, %arg1, %dma_wait3A_38, %dma_wait3A_39] : memref<2x16x40x128xi32, #tpu.memory_space<hbm>> -> memref<1x1x40x128xi32, #tpu.memory_space<hbm>>
      %dma_wait3A_41 = tpu.memref_squeeze %dma_wait3A_40 : memref<1x1x40x128xi32, #tpu.memory_space<hbm>> -> memref<40x128xi32, #tpu.memory_space<hbm>>
      tpu.wait_dma2 semaphore(%run_scoped3A : memref<!tpu.dma_semaphore, #tpu.memory_space<semaphore_mem>>) src(%dma_wait3A_41 : memref<40x128xi32, #tpu.memory_space<hbm>>) dst(%arg6 : memref<40x128xi32, #tpu.memory_space<vmem>>)
      tpu.yield
    }) : () -> ()
    "tpu.region"() ({
      %run_scoped3A = tpu.sem_alloc : memref<!tpu.dma_semaphore, #tpu.memory_space<semaphore_mem>>
      %dma_start3A_27 = arith.constant 0 : i32
      %dma_start3A_28 = arith.constant 0 : i32
      %dma_start3A_29 = tpu.memref_slice %arg4[%arg0, %arg1, %dma_start3A_27, %dma_start3A_28] : memref<2x16x40x128xi32, #tpu.memory_space<hbm>> -> memref<1x1x40x128xi32, #tpu.memory_space<hbm>>
      %dma_start3A_30 = tpu.memref_squeeze %dma_start3A_29 : memref<1x1x40x128xi32, #tpu.memory_space<hbm>> -> memref<40x128xi32, #tpu.memory_space<hbm>>
      %dma_start3A_31 = arith.constant 0 : i32
      %dma_start3A_32 = arith.constant 0 : i32
      %dma_start3A_33 = tpu.memref_slice %arg4[%arg0, %arg1, %dma_start3A_31, %dma_start3A_32] : memref<2x16x40x128xi32, #tpu.memory_space<hbm>> -> memref<1x1x40x128xi32, #tpu.memory_space<hbm>>
      %dma_start3A_34 = tpu.memref_squeeze %dma_start3A_33 : memref<1x1x40x128xi32, #tpu.memory_space<hbm>> -> memref<40x128xi32, #tpu.memory_space<hbm>>
      tpu.enqueue_dma source(%dma_start3A_34 : memref<40x128xi32, #tpu.memory_space<hbm>>) target(%arg7 : memref<40x128xi32, #tpu.memory_space<vmem>>) target_semaphore(%run_scoped3A : memref<!tpu.dma_semaphore, #tpu.memory_space<semaphore_mem>>)
      %dma_wait3A = arith.constant 0 : i32
      %dma_wait3A_35 = arith.constant 0 : i32
      %dma_wait3A_36 = tpu.memref_slice %arg4[%arg0, %arg1, %dma_wait3A, %dma_wait3A_35] : memref<2x16x40x128xi32, #tpu.memory_space<hbm>> -> memref<1x1x40x128xi32, #tpu.memory_space<hbm>>
      %dma_wait3A_37 = tpu.memref_squeeze %dma_wait3A_36 : memref<1x1x40x128xi32, #tpu.memory_space<hbm>> -> memref<40x128xi32, #tpu.memory_space<hbm>>
      %dma_wait3A_38 = arith.constant 0 : i32
      %dma_wait3A_39 = arith.constant 0 : i32
      %dma_wait3A_40 = tpu.memref_slice %arg4[%arg0, %arg1, %dma_wait3A_38, %dma_wait3A_39] : memref<2x16x40x128xi32, #tpu.memory_space<hbm>> -> memref<1x1x40x128xi32, #tpu.memory_space<hbm>>
      %dma_wait3A_41 = tpu.memref_squeeze %dma_wait3A_40 : memref<1x1x40x128xi32, #tpu.memory_space<hbm>> -> memref<40x128xi32, #tpu.memory_space<hbm>>
      tpu.wait_dma2 semaphore(%run_scoped3A : memref<!tpu.dma_semaphore, #tpu.memory_space<semaphore_mem>>) src(%dma_wait3A_41 : memref<40x128xi32, #tpu.memory_space<hbm>>) dst(%arg7 : memref<40x128xi32, #tpu.memory_space<vmem>>)
      tpu.yield
    }) : () -> ()
    %dma_start3A = arith.constant 0 : i32
    %dma_start3A_11 = arith.constant 0 : i32
    %dma_start3A_12 = tpu.memref_slice %arg6[%dma_start3A, %dma_start3A_11] : memref<40x128xi32, #tpu.memory_space<vmem>> -> memref<1x128xi32, #tpu.memory_space<vmem>>
    %dma_start3A_13 = tpu.memref_squeeze %dma_start3A_12 : memref<1x128xi32, #tpu.memory_space<vmem>> -> memref<128xi32, #tpu.memory_space<vmem>>
    %dma_start3A_14 = arith.constant 0 : i32
    %dma_start3A_15 = arith.constant 0 : i32
    %dma_start3A_16 = tpu.memref_slice %arg2[%dma_start3A_14, %dma_start3A_15] : memref<10000x128xf32, #tpu.memory_space<hbm>> -> memref<10000x128xf32, #tpu.memory_space<hbm>>
    tpu.enqueue_indirect_dma source(%dma_start3A_16 : memref<10000x128xf32, #tpu.memory_space<hbm>>) target(%arg8 : memref<128x128xf32, #tpu.memory_space<vmem>>) offsets(%dma_start3A_13 : memref<128xi32, #tpu.memory_space<vmem>>) semaphore(%arg11 : memref<!tpu.dma_semaphore, #tpu.memory_space<semaphore_mem>>)
    %scan3A_17 = arith.constant 0 : i32
    %scan3A_18 = arith.constant 0 : i32
    %scan3A_19 = arith.constant 20 : i32
    %scan3A_20 = arith.addi %scan3A_18, %scan3A_19 : i32
    %scan3A_21 = arith.constant 1 : i32
    scf.for %scan3A_27 = %scan3A_18 to %scan3A_20 step %scan3A_21  : i32 {
      %mul3A_28 = arith.constant 2 : i32
      %mul3A_29 = arith.muli %mul3A_28, %scan3A_27 : i32
      %add3A = arith.constant 1 : i32
      %add3A_30 = arith.addi %mul3A_29, %add3A : i32
      %dma_start3A_31 = arith.constant 0 : i32
      %dma_start3A_32 = tpu.memref_slice %arg6[%add3A_30, %dma_start3A_31] : memref<40x128xi32, #tpu.memory_space<vmem>> -> memref<1x128xi32, #tpu.memory_space<vmem>>
      %dma_start3A_33 = tpu.memref_squeeze %dma_start3A_32 : memref<1x128xi32, #tpu.memory_space<vmem>> -> memref<128xi32, #tpu.memory_space<vmem>>
      %dma_start3A_34 = arith.constant 0 : i32
      %dma_start3A_35 = arith.constant 0 : i32
      %dma_start3A_36 = tpu.memref_slice %arg2[%dma_start3A_34, %dma_start3A_35] : memref<10000x128xf32, #tpu.memory_space<hbm>> -> memref<10000x128xf32, #tpu.memory_space<hbm>>
      tpu.enqueue_indirect_dma source(%dma_start3A_36 : memref<10000x128xf32, #tpu.memory_space<hbm>>) target(%arg9 : memref<128x128xf32, #tpu.memory_space<vmem>>) offsets(%dma_start3A_33 : memref<128xi32, #tpu.memory_space<vmem>>) semaphore(%arg12 : memref<!tpu.dma_semaphore, #tpu.memory_space<semaphore_mem>>)
      %dma_wait3A = arith.constant 0 : i32
      %dma_wait3A_37 = arith.constant 0 : i32
      %dma_wait3A_38 = tpu.memref_slice %arg6[%dma_wait3A, %dma_wait3A_37] : memref<40x128xi32, #tpu.memory_space<vmem>> -> memref<1x128xi32, #tpu.memory_space<vmem>>
      %dma_wait3A_39 = tpu.memref_squeeze %dma_wait3A_38 : memref<1x128xi32, #tpu.memory_space<vmem>> -> memref<128xi32, #tpu.memory_space<vmem>>
      %dma_wait3A_40 = arith.constant 0 : i32
      %dma_wait3A_41 = arith.constant 0 : i32
      %dma_wait3A_42 = tpu.memref_slice %arg2[%dma_wait3A_40, %dma_wait3A_41] : memref<10000x128xf32, #tpu.memory_space<hbm>> -> memref<10000x128xf32, #tpu.memory_space<hbm>>
      tpu.wait_indirect_dma semaphore(%arg11 : memref<!tpu.dma_semaphore, #tpu.memory_space<semaphore_mem>>) src(%dma_wait3A_42 : memref<10000x128xf32, #tpu.memory_space<hbm>>) dst(%arg8 : memref<128x128xf32, #tpu.memory_space<vmem>>)
      "tpu.region"() ({
        %run_scoped3A = tpu.sem_alloc : memref<!tpu.dma_semaphore, #tpu.memory_space<semaphore_mem>>
        %dma_start3A_53 = arith.constant 0 : i32
        %dma_start3A_54 = tpu.memref_slice %arg7[%mul3A_29, %dma_start3A_53] : memref<40x128xi32, #tpu.memory_space<vmem>> -> memref<1x128xi32, #tpu.memory_space<vmem>>
        %dma_start3A_55 = tpu.memref_squeeze %dma_start3A_54 : memref<1x128xi32, #tpu.memory_space<vmem>> -> memref<128xi32, #tpu.memory_space<vmem>>
        %dma_start3A_56 = arith.constant 0 : i32
        %dma_start3A_57 = arith.constant 0 : i32
        %dma_start3A_58 = tpu.memref_slice %arg10[%dma_start3A_56, %dma_start3A_57] : memref<10240x128xf32, #tpu.memory_space<vmem_shared>> -> memref<10240x128xf32, #tpu.memory_space<vmem_shared>>
        tpu.enqueue_indirect_dma source(%arg8 : memref<128x128xf32, #tpu.memory_space<vmem>>) target(%dma_start3A_58 : memref<10240x128xf32, #tpu.memory_space<vmem_shared>>) offsets(%dma_start3A_55 : memref<128xi32, #tpu.memory_space<vmem>>) semaphore(%run_scoped3A : memref<!tpu.dma_semaphore, #tpu.memory_space<semaphore_mem>>) {add = true}
        %dma_wait3A_59 = arith.constant 0 : i32
        %dma_wait3A_60 = tpu.memref_slice %arg7[%mul3A_29, %dma_wait3A_59] : memref<40x128xi32, #tpu.memory_space<vmem>> -> memref<1x128xi32, #tpu.memory_space<vmem>>
        %dma_wait3A_61 = tpu.memref_squeeze %dma_wait3A_60 : memref<1x128xi32, #tpu.memory_space<vmem>> -> memref<128xi32, #tpu.memory_space<vmem>>
        %dma_wait3A_62 = arith.constant 0 : i32
        %dma_wait3A_63 = arith.constant 0 : i32
        %dma_wait3A_64 = tpu.memref_slice %arg10[%dma_wait3A_62, %dma_wait3A_63] : memref<10240x128xf32, #tpu.memory_space<vmem_shared>> -> memref<10240x128xf32, #tpu.memory_space<vmem_shared>>
        tpu.wait_indirect_dma semaphore(%run_scoped3A : memref<!tpu.dma_semaphore, #tpu.memory_space<semaphore_mem>>) src(%arg8 : memref<128x128xf32, #tpu.memory_space<vmem>>) dst(%dma_wait3A_64 : memref<10240x128xf32, #tpu.memory_space<vmem_shared>>)
        tpu.yield
      }) : () -> ()
      %lt3A = arith.constant 19 : i32
      %lt3A_43 = arith.cmpi slt, %scan3A_27, %lt3A : i32
      %convert_element_type3A = arith.extui %lt3A_43 : i1 to i32
      %cond3A = arith.constant 0 : i32
      %cond3A_44 = arith.cmpi ne, %convert_element_type3A, %cond3A : i32
      scf.if %cond3A_44 {
        %add3A_53 = arith.constant 2 : i32
        %add3A_54 = arith.addi %mul3A_29, %add3A_53 : i32
        %dma_start3A_55 = arith.constant 0 : i32
        %dma_start3A_56 = tpu.memref_slice %arg6[%add3A_54, %dma_start3A_55] : memref<40x128xi32, #tpu.memory_space<vmem>> -> memref<1x128xi32, #tpu.memory_space<vmem>>
        %dma_start3A_57 = tpu.memref_squeeze %dma_start3A_56 : memref<1x128xi32, #tpu.memory_space<vmem>> -> memref<128xi32, #tpu.memory_space<vmem>>
        %dma_start3A_58 = arith.constant 0 : i32
        %dma_start3A_59 = arith.constant 0 : i32
        %dma_start3A_60 = tpu.memref_slice %arg2[%dma_start3A_58, %dma_start3A_59] : memref<10000x128xf32, #tpu.memory_space<hbm>> -> memref<10000x128xf32, #tpu.memory_space<hbm>>
        tpu.enqueue_indirect_dma source(%dma_start3A_60 : memref<10000x128xf32, #tpu.memory_space<hbm>>) target(%arg8 : memref<128x128xf32, #tpu.memory_space<vmem>>) offsets(%dma_start3A_57 : memref<128xi32, #tpu.memory_space<vmem>>) semaphore(%arg11 : memref<!tpu.dma_semaphore, #tpu.memory_space<semaphore_mem>>)
      } else {
      }
      %dma_wait3A_45 = arith.constant 0 : i32
      %dma_wait3A_46 = tpu.memref_slice %arg6[%add3A_30, %dma_wait3A_45] : memref<40x128xi32, #tpu.memory_space<vmem>> -> memref<1x128xi32, #tpu.memory_space<vmem>>
      %dma_wait3A_47 = tpu.memref_squeeze %dma_wait3A_46 : memref<1x128xi32, #tpu.memory_space<vmem>> -> memref<128xi32, #tpu.memory_space<vmem>>
      %dma_wait3A_48 = arith.constant 0 : i32
      %dma_wait3A_49 = arith.constant 0 : i32
      %dma_wait3A_50 = tpu.memref_slice %arg2[%dma_wait3A_48, %dma_wait3A_49] : memref<10000x128xf32, #tpu.memory_space<hbm>> -> memref<10000x128xf32, #tpu.memory_space<hbm>>
      tpu.wait_indirect_dma semaphore(%arg12 : memref<!tpu.dma_semaphore, #tpu.memory_space<semaphore_mem>>) src(%dma_wait3A_50 : memref<10000x128xf32, #tpu.memory_space<hbm>>) dst(%arg9 : memref<128x128xf32, #tpu.memory_space<vmem>>)
      %add3A_51 = arith.constant 1 : i32
      %add3A_52 = arith.addi %mul3A_29, %add3A_51 : i32
      "tpu.region"() ({
        %run_scoped3A = tpu.sem_alloc : memref<!tpu.dma_semaphore, #tpu.memory_space<semaphore_mem>>
        %dma_start3A_53 = arith.constant 0 : i32
        %dma_start3A_54 = tpu.memref_slice %arg7[%add3A_52, %dma_start3A_53] : memref<40x128xi32, #tpu.memory_space<vmem>> -> memref<1x128xi32, #tpu.memory_space<vmem>>
        %dma_start3A_55 = tpu.memref_squeeze %dma_start3A_54 : memref<1x128xi32, #tpu.memory_space<vmem>> -> memref<128xi32, #tpu.memory_space<vmem>>
        %dma_start3A_56 = arith.constant 0 : i32
        %dma_start3A_57 = arith.constant 0 : i32
        %dma_start3A_58 = tpu.memref_slice %arg10[%dma_start3A_56, %dma_start3A_57] : memref<10240x128xf32, #tpu.memory_space<vmem_shared>> -> memref<10240x128xf32, #tpu.memory_space<vmem_shared>>
        tpu.enqueue_indirect_dma source(%arg9 : memref<128x128xf32, #tpu.memory_space<vmem>>) target(%dma_start3A_58 : memref<10240x128xf32, #tpu.memory_space<vmem_shared>>) offsets(%dma_start3A_55 : memref<128xi32, #tpu.memory_space<vmem>>) semaphore(%run_scoped3A : memref<!tpu.dma_semaphore, #tpu.memory_space<semaphore_mem>>) {add = true}
        %dma_wait3A_59 = arith.constant 0 : i32
        %dma_wait3A_60 = tpu.memref_slice %arg7[%add3A_52, %dma_wait3A_59] : memref<40x128xi32, #tpu.memory_space<vmem>> -> memref<1x128xi32, #tpu.memory_space<vmem>>
        %dma_wait3A_61 = tpu.memref_squeeze %dma_wait3A_60 : memref<1x128xi32, #tpu.memory_space<vmem>> -> memref<128xi32, #tpu.memory_space<vmem>>
        %dma_wait3A_62 = arith.constant 0 : i32
        %dma_wait3A_63 = arith.constant 0 : i32
        %dma_wait3A_64 = tpu.memref_slice %arg10[%dma_wait3A_62, %dma_wait3A_63] : memref<10240x128xf32, #tpu.memory_space<vmem_shared>> -> memref<10240x128xf32, #tpu.memory_space<vmem_shared>>
        tpu.wait_indirect_dma semaphore(%run_scoped3A : memref<!tpu.dma_semaphore, #tpu.memory_space<semaphore_mem>>) src(%arg9 : memref<128x128xf32, #tpu.memory_space<vmem>>) dst(%dma_wait3A_64 : memref<10240x128xf32, #tpu.memory_space<vmem_shared>>)
        tpu.yield
      }) : () -> ()
    }
    %scan3A_22 = arith.constant 20 : i32
    %barrier3A_23 = arith.constant 0 : index
    tpu.barrier barrier_id(%barrier3A_23)
    %mul3A = arith.constant 640 : i32
    %mul3A_24 = arith.muli %arg1, %mul3A : i32
    %mul3A_25 = arith.constant 640 : i32
    %mul3A_26 = arith.muli %arg1, %mul3A_25 : i32
    "tpu.region"() ({
      %run_scoped3A = tpu.sem_alloc : memref<!tpu.dma_semaphore, #tpu.memory_space<semaphore_mem>>
      %dma_start3A_27 = arith.constant 0 : i32
      %dma_start3A_28 = tpu.memref_slice %arg5[%arg0, %mul3A_26, %dma_start3A_27] : memref<2x10240x128xf32, #tpu.memory_space<hbm>> -> memref<1x640x128xf32, #tpu.memory_space<hbm>>
      %dma_start3A_29 = tpu.memref_squeeze %dma_start3A_28 : memref<1x640x128xf32, #tpu.memory_space<hbm>> -> memref<640x128xf32, #tpu.memory_space<hbm>>
      %dma_start3A_30 = arith.constant 0 : i32
      %dma_start3A_31 = tpu.memref_slice %arg10[%mul3A_24, %dma_start3A_30] : memref<10240x128xf32, #tpu.memory_space<vmem_shared>> -> memref<640x128xf32, #tpu.memory_space<vmem_shared>>
      tpu.enqueue_dma source(%dma_start3A_31 : memref<640x128xf32, #tpu.memory_space<vmem_shared>>) target(%dma_start3A_29 : memref<640x128xf32, #tpu.memory_space<hbm>>) target_semaphore(%run_scoped3A : memref<!tpu.dma_semaphore, #tpu.memory_space<semaphore_mem>>)
      %dma_wait3A = arith.constant 0 : i32
      %dma_wait3A_32 = tpu.memref_slice %arg5[%arg0, %mul3A_26, %dma_wait3A] : memref<2x10240x128xf32, #tpu.memory_space<hbm>> -> memref<1x640x128xf32, #tpu.memory_space<hbm>>
      %dma_wait3A_33 = tpu.memref_squeeze %dma_wait3A_32 : memref<1x640x128xf32, #tpu.memory_space<hbm>> -> memref<640x128xf32, #tpu.memory_space<hbm>>
      %dma_wait3A_34 = arith.constant 0 : i32
      %dma_wait3A_35 = tpu.memref_slice %arg10[%mul3A_24, %dma_wait3A_34] : memref<10240x128xf32, #tpu.memory_space<vmem_shared>> -> memref<640x128xf32, #tpu.memory_space<vmem_shared>>
      tpu.wait_dma2 semaphore(%run_scoped3A : memref<!tpu.dma_semaphore, #tpu.memory_space<semaphore_mem>>) src(%dma_wait3A_35 : memref<640x128xf32, #tpu.memory_space<vmem_shared>>) dst(%dma_wait3A_33 : memref<640x128xf32, #tpu.memory_space<hbm>>)
      tpu.yield
    }) : () -> ()
    return
  }
}

#map = affine_map<(d0, d1) -> (0, 0, 0, 0)>
#map1 = affine_map<(d0, d1) -> (0, 0, 0)>
module attributes {stable_mosaic.version = 14 : i64} {
  func.func @_deg_body(%arg0: i32, %arg1: i32, %arg2: memref<2x16x40x128xi32, #tpu.memory_space<hbm>>, %arg3: memref<2x10240x128xf32, #tpu.memory_space<hbm>>, %arg4: memref<40x128xi32, #tpu.memory_space<vmem>>, %arg5: memref<128x128xf32, #tpu.memory_space<vmem>>, %arg6: memref<10240x128xf32, #tpu.memory_space<vmem_shared>>) attributes {dimension_semantics = [#tpu.dimension_semantics<core_parallel>, #tpu.dimension_semantics<subcore_parallel>], iteration_bounds = array<i64: 2, 16>, scalar_prefetch = 0 : i64, scratch_operands = 3 : i64, tpu.core_type = #tpu.core_type<sc_vector_subcore>, window_params = [{transform_indices = #map}, {transform_indices = #map1}]} {
    %scan3A = arith.constant 0 : i32
    %scan3A_0 = arith.constant 0 : i32
    %scan3A_1 = arith.constant 128 : i32
    %scan3A_2 = arith.addi %scan3A_0, %scan3A_1 : i32
    %scan3A_3 = arith.constant 1 : i32
    scf.for %scan3A_27 = %scan3A_0 to %scan3A_2 step %scan3A_3  : i32 {
      %broadcast_in_dim3A = arith.constant 0.000000e+00 : f32
      %broadcast_in_dim3A_28 = vector.broadcast %broadcast_in_dim3A : f32 to vector<16xf32>
      %swap3A = arith.index_cast %scan3A_27 : i32 to index
      %swap3A_29 = arith.constant 0 : index
      %swap3A_30 = tpu.vector_load %arg5[%swap3A, %swap3A_29] {strides = array<i32>} : memref<128x128xf32, #tpu.memory_space<vmem>>, vector<1x16xf32>,
      %swap3A_31 = vector.shape_cast %swap3A_30 : vector<1x16xf32> to vector<16xf32>
      %swap3A_32 = vector.shape_cast %broadcast_in_dim3A_28 : vector<16xf32> to vector<1x16xf32>
      tpu.vector_store %arg5[%swap3A, %swap3A_29], %swap3A_32 {strides = array<i32>} : memref<128x128xf32, #tpu.memory_space<vmem>>, vector<1x16xf32>,
      %broadcast_in_dim3A_33 = arith.constant 0.000000e+00 : f32
      %broadcast_in_dim3A_34 = vector.broadcast %broadcast_in_dim3A_33 : f32 to vector<16xf32>
      %swap3A_35 = arith.index_cast %scan3A_27 : i32 to index
      %swap3A_36 = arith.constant 16 : index
      %swap3A_37 = tpu.vector_load %arg5[%swap3A_35, %swap3A_36] {strides = array<i32>} : memref<128x128xf32, #tpu.memory_space<vmem>>, vector<1x16xf32>,
      %swap3A_38 = vector.shape_cast %swap3A_37 : vector<1x16xf32> to vector<16xf32>
      %swap3A_39 = vector.shape_cast %broadcast_in_dim3A_34 : vector<16xf32> to vector<1x16xf32>
      tpu.vector_store %arg5[%swap3A_35, %swap3A_36], %swap3A_39 {strides = array<i32>} : memref<128x128xf32, #tpu.memory_space<vmem>>, vector<1x16xf32>,
      %broadcast_in_dim3A_40 = arith.constant 0.000000e+00 : f32
      %broadcast_in_dim3A_41 = vector.broadcast %broadcast_in_dim3A_40 : f32 to vector<16xf32>
      %swap3A_42 = arith.index_cast %scan3A_27 : i32 to index
      %swap3A_43 = arith.constant 32 : index
      %swap3A_44 = tpu.vector_load %arg5[%swap3A_42, %swap3A_43] {strides = array<i32>} : memref<128x128xf32, #tpu.memory_space<vmem>>, vector<1x16xf32>,
      %swap3A_45 = vector.shape_cast %swap3A_44 : vector<1x16xf32> to vector<16xf32>
      %swap3A_46 = vector.shape_cast %broadcast_in_dim3A_41 : vector<16xf32> to vector<1x16xf32>
      tpu.vector_store %arg5[%swap3A_42, %swap3A_43], %swap3A_46 {strides = array<i32>} : memref<128x128xf32, #tpu.memory_space<vmem>>, vector<1x16xf32>,
      %broadcast_in_dim3A_47 = arith.constant 0.000000e+00 : f32
      %broadcast_in_dim3A_48 = vector.broadcast %broadcast_in_dim3A_47 : f32 to vector<16xf32>
      %swap3A_49 = arith.index_cast %scan3A_27 : i32 to index
      %swap3A_50 = arith.constant 48 : index
      %swap3A_51 = tpu.vector_load %arg5[%swap3A_49, %swap3A_50] {strides = array<i32>} : memref<128x128xf32, #tpu.memory_space<vmem>>, vector<1x16xf32>,
      %swap3A_52 = vector.shape_cast %swap3A_51 : vector<1x16xf32> to vector<16xf32>
      %swap3A_53 = vector.shape_cast %broadcast_in_dim3A_48 : vector<16xf32> to vector<1x16xf32>
      tpu.vector_store %arg5[%swap3A_49, %swap3A_50], %swap3A_53 {strides = array<i32>} : memref<128x128xf32, #tpu.memory_space<vmem>>, vector<1x16xf32>,
      %broadcast_in_dim3A_54 = arith.constant 0.000000e+00 : f32
      %broadcast_in_dim3A_55 = vector.broadcast %broadcast_in_dim3A_54 : f32 to vector<16xf32>
      %swap3A_56 = arith.index_cast %scan3A_27 : i32 to index
      %swap3A_57 = arith.constant 64 : index
      %swap3A_58 = tpu.vector_load %arg5[%swap3A_56, %swap3A_57] {strides = array<i32>} : memref<128x128xf32, #tpu.memory_space<vmem>>, vector<1x16xf32>,
      %swap3A_59 = vector.shape_cast %swap3A_58 : vector<1x16xf32> to vector<16xf32>
      %swap3A_60 = vector.shape_cast %broadcast_in_dim3A_55 : vector<16xf32> to vector<1x16xf32>
      tpu.vector_store %arg5[%swap3A_56, %swap3A_57], %swap3A_60 {strides = array<i32>} : memref<128x128xf32, #tpu.memory_space<vmem>>, vector<1x16xf32>,
      %broadcast_in_dim3A_61 = arith.constant 0.000000e+00 : f32
      %broadcast_in_dim3A_62 = vector.broadcast %broadcast_in_dim3A_61 : f32 to vector<16xf32>
      %swap3A_63 = arith.index_cast %scan3A_27 : i32 to index
      %swap3A_64 = arith.constant 80 : index
      %swap3A_65 = tpu.vector_load %arg5[%swap3A_63, %swap3A_64] {strides = array<i32>} : memref<128x128xf32, #tpu.memory_space<vmem>>, vector<1x16xf32>,
      %swap3A_66 = vector.shape_cast %swap3A_65 : vector<1x16xf32> to vector<16xf32>
      %swap3A_67 = vector.shape_cast %broadcast_in_dim3A_62 : vector<16xf32> to vector<1x16xf32>
      tpu.vector_store %arg5[%swap3A_63, %swap3A_64], %swap3A_67 {strides = array<i32>} : memref<128x128xf32, #tpu.memory_space<vmem>>, vector<1x16xf32>,
      %broadcast_in_dim3A_68 = arith.constant 0.000000e+00 : f32
      %broadcast_in_dim3A_69 = vector.broadcast %broadcast_in_dim3A_68 : f32 to vector<16xf32>
      %swap3A_70 = arith.index_cast %scan3A_27 : i32 to index
      %swap3A_71 = arith.constant 96 : index
      %swap3A_72 = tpu.vector_load %arg5[%swap3A_70, %swap3A_71] {strides = array<i32>} : memref<128x128xf32, #tpu.memory_space<vmem>>, vector<1x16xf32>,
      %swap3A_73 = vector.shape_cast %swap3A_72 : vector<1x16xf32> to vector<16xf32>
      %swap3A_74 = vector.shape_cast %broadcast_in_dim3A_69 : vector<16xf32> to vector<1x16xf32>
      tpu.vector_store %arg5[%swap3A_70, %swap3A_71], %swap3A_74 {strides = array<i32>} : memref<128x128xf32, #tpu.memory_space<vmem>>, vector<1x16xf32>,
      %broadcast_in_dim3A_75 = arith.constant 0.000000e+00 : f32
      %broadcast_in_dim3A_76 = vector.broadcast %broadcast_in_dim3A_75 : f32 to vector<16xf32>
      %swap3A_77 = arith.index_cast %scan3A_27 : i32 to index
      %swap3A_78 = arith.constant 112 : index
      %swap3A_79 = tpu.vector_load %arg5[%swap3A_77, %swap3A_78] {strides = array<i32>} : memref<128x128xf32, #tpu.memory_space<vmem>>, vector<1x16xf32>,
      %swap3A_80 = vector.shape_cast %swap3A_79 : vector<1x16xf32> to vector<16xf32>
      %swap3A_81 = vector.shape_cast %broadcast_in_dim3A_76 : vector<16xf32> to vector<1x16xf32>
      tpu.vector_store %arg5[%swap3A_77, %swap3A_78], %swap3A_81 {strides = array<i32>} : memref<128x128xf32, #tpu.memory_space<vmem>>, vector<1x16xf32>,
    }
    %scan3A_4 = arith.constant 128 : i32
    %scan3A_5 = arith.constant 0 : i32
    %scan3A_6 = arith.constant 0 : i32
    %scan3A_7 = arith.constant 5 : i32
    %scan3A_8 = arith.addi %scan3A_6, %scan3A_7 : i32
    %scan3A_9 = arith.constant 1 : i32
    scf.for %scan3A_27 = %scan3A_6 to %scan3A_8 step %scan3A_9  : i32 {
      %mul3A_28 = arith.constant 640 : i32
      %mul3A_29 = arith.muli %arg1, %mul3A_28 : i32
      %mul3A_30 = arith.constant 128 : i32
      %mul3A_31 = arith.muli %scan3A_27, %mul3A_30 : i32
      %add3A = arith.addi %mul3A_29, %mul3A_31 : i32
      "tpu.region"() ({
        %run_scoped3A = tpu.sem_alloc : memref<!tpu.dma_semaphore, #tpu.memory_space<semaphore_mem>>
        %dma_start3A = arith.constant 0 : i32
        %dma_start3A_32 = tpu.memref_slice %arg6[%add3A, %dma_start3A] : memref<10240x128xf32, #tpu.memory_space<vmem_shared>> -> memref<128x128xf32, #tpu.memory_space<vmem_shared>>
        %dma_start3A_33 = arith.constant 0 : i32
        %dma_start3A_34 = tpu.memref_slice %arg6[%add3A, %dma_start3A_33] : memref<10240x128xf32, #tpu.memory_space<vmem_shared>> -> memref<128x128xf32, #tpu.memory_space<vmem_shared>>
        tpu.enqueue_dma source(%arg5 : memref<128x128xf32, #tpu.memory_space<vmem>>) target(%dma_start3A_34 : memref<128x128xf32, #tpu.memory_space<vmem_shared>>) target_semaphore(%run_scoped3A : memref<!tpu.dma_semaphore, #tpu.memory_space<semaphore_mem>>)
        %dma_wait3A = arith.constant 0 : i32
        %dma_wait3A_35 = tpu.memref_slice %arg6[%add3A, %dma_wait3A] : memref<10240x128xf32, #tpu.memory_space<vmem_shared>> -> memref<128x128xf32, #tpu.memory_space<vmem_shared>>
        %dma_wait3A_36 = arith.constant 0 : i32
        %dma_wait3A_37 = tpu.memref_slice %arg6[%add3A, %dma_wait3A_36] : memref<10240x128xf32, #tpu.memory_space<vmem_shared>> -> memref<128x128xf32, #tpu.memory_space<vmem_shared>>
        tpu.wait_dma2 semaphore(%run_scoped3A : memref<!tpu.dma_semaphore, #tpu.memory_space<semaphore_mem>>) src(%arg5 : memref<128x128xf32, #tpu.memory_space<vmem>>) dst(%dma_wait3A_37 : memref<128x128xf32, #tpu.memory_space<vmem_shared>>)
        tpu.yield
      }) : () -> ()
    }
    %scan3A_10 = arith.constant 5 : i32
    %scan3A_11 = arith.constant 0 : i32
    %scan3A_12 = arith.constant 0 : i32
    %scan3A_13 = arith.constant 128 : i32
    %scan3A_14 = arith.addi %scan3A_12, %scan3A_13 : i32
    %scan3A_15 = arith.constant 1 : i32
    scf.for %scan3A_27 = %scan3A_12 to %scan3A_14 step %scan3A_15  : i32 {
      %broadcast_in_dim3A = arith.constant 1.000000e+00 : f32
      %broadcast_in_dim3A_28 = vector.broadcast %broadcast_in_dim3A : f32 to vector<16xf32>
      %swap3A = arith.index_cast %scan3A_27 : i32 to index
      %swap3A_29 = arith.constant 0 : index
      %swap3A_30 = tpu.vector_load %arg5[%swap3A, %swap3A_29] {strides = array<i32>} : memref<128x128xf32, #tpu.memory_space<vmem>>, vector<1x16xf32>,
      %swap3A_31 = vector.shape_cast %swap3A_30 : vector<1x16xf32> to vector<16xf32>
      %swap3A_32 = vector.shape_cast %broadcast_in_dim3A_28 : vector<16xf32> to vector<1x16xf32>
      tpu.vector_store %arg5[%swap3A, %swap3A_29], %swap3A_32 {strides = array<i32>} : memref<128x128xf32, #tpu.memory_space<vmem>>, vector<1x16xf32>,
      %broadcast_in_dim3A_33 = arith.constant 1.000000e+00 : f32
      %broadcast_in_dim3A_34 = vector.broadcast %broadcast_in_dim3A_33 : f32 to vector<16xf32>
      %swap3A_35 = arith.index_cast %scan3A_27 : i32 to index
      %swap3A_36 = arith.constant 16 : index
      %swap3A_37 = tpu.vector_load %arg5[%swap3A_35, %swap3A_36] {strides = array<i32>} : memref<128x128xf32, #tpu.memory_space<vmem>>, vector<1x16xf32>,
      %swap3A_38 = vector.shape_cast %swap3A_37 : vector<1x16xf32> to vector<16xf32>
      %swap3A_39 = vector.shape_cast %broadcast_in_dim3A_34 : vector<16xf32> to vector<1x16xf32>
      tpu.vector_store %arg5[%swap3A_35, %swap3A_36], %swap3A_39 {strides = array<i32>} : memref<128x128xf32, #tpu.memory_space<vmem>>, vector<1x16xf32>,
      %broadcast_in_dim3A_40 = arith.constant 1.000000e+00 : f32
      %broadcast_in_dim3A_41 = vector.broadcast %broadcast_in_dim3A_40 : f32 to vector<16xf32>
      %swap3A_42 = arith.index_cast %scan3A_27 : i32 to index
      %swap3A_43 = arith.constant 32 : index
      %swap3A_44 = tpu.vector_load %arg5[%swap3A_42, %swap3A_43] {strides = array<i32>} : memref<128x128xf32, #tpu.memory_space<vmem>>, vector<1x16xf32>,
      %swap3A_45 = vector.shape_cast %swap3A_44 : vector<1x16xf32> to vector<16xf32>
      %swap3A_46 = vector.shape_cast %broadcast_in_dim3A_41 : vector<16xf32> to vector<1x16xf32>
      tpu.vector_store %arg5[%swap3A_42, %swap3A_43], %swap3A_46 {strides = array<i32>} : memref<128x128xf32, #tpu.memory_space<vmem>>, vector<1x16xf32>,
      %broadcast_in_dim3A_47 = arith.constant 1.000000e+00 : f32
      %broadcast_in_dim3A_48 = vector.broadcast %broadcast_in_dim3A_47 : f32 to vector<16xf32>
      %swap3A_49 = arith.index_cast %scan3A_27 : i32 to index
      %swap3A_50 = arith.constant 48 : index
      %swap3A_51 = tpu.vector_load %arg5[%swap3A_49, %swap3A_50] {strides = array<i32>} : memref<128x128xf32, #tpu.memory_space<vmem>>, vector<1x16xf32>,
      %swap3A_52 = vector.shape_cast %swap3A_51 : vector<1x16xf32> to vector<16xf32>
      %swap3A_53 = vector.shape_cast %broadcast_in_dim3A_48 : vector<16xf32> to vector<1x16xf32>
      tpu.vector_store %arg5[%swap3A_49, %swap3A_50], %swap3A_53 {strides = array<i32>} : memref<128x128xf32, #tpu.memory_space<vmem>>, vector<1x16xf32>,
      %broadcast_in_dim3A_54 = arith.constant 1.000000e+00 : f32
      %broadcast_in_dim3A_55 = vector.broadcast %broadcast_in_dim3A_54 : f32 to vector<16xf32>
      %swap3A_56 = arith.index_cast %scan3A_27 : i32 to index
      %swap3A_57 = arith.constant 64 : index
      %swap3A_58 = tpu.vector_load %arg5[%swap3A_56, %swap3A_57] {strides = array<i32>} : memref<128x128xf32, #tpu.memory_space<vmem>>, vector<1x16xf32>,
      %swap3A_59 = vector.shape_cast %swap3A_58 : vector<1x16xf32> to vector<16xf32>
      %swap3A_60 = vector.shape_cast %broadcast_in_dim3A_55 : vector<16xf32> to vector<1x16xf32>
      tpu.vector_store %arg5[%swap3A_56, %swap3A_57], %swap3A_60 {strides = array<i32>} : memref<128x128xf32, #tpu.memory_space<vmem>>, vector<1x16xf32>,
      %broadcast_in_dim3A_61 = arith.constant 1.000000e+00 : f32
      %broadcast_in_dim3A_62 = vector.broadcast %broadcast_in_dim3A_61 : f32 to vector<16xf32>
      %swap3A_63 = arith.index_cast %scan3A_27 : i32 to index
      %swap3A_64 = arith.constant 80 : index
      %swap3A_65 = tpu.vector_load %arg5[%swap3A_63, %swap3A_64] {strides = array<i32>} : memref<128x128xf32, #tpu.memory_space<vmem>>, vector<1x16xf32>,
      %swap3A_66 = vector.shape_cast %swap3A_65 : vector<1x16xf32> to vector<16xf32>
      %swap3A_67 = vector.shape_cast %broadcast_in_dim3A_62 : vector<16xf32> to vector<1x16xf32>
      tpu.vector_store %arg5[%swap3A_63, %swap3A_64], %swap3A_67 {strides = array<i32>} : memref<128x128xf32, #tpu.memory_space<vmem>>, vector<1x16xf32>,
      %broadcast_in_dim3A_68 = arith.constant 1.000000e+00 : f32
      %broadcast_in_dim3A_69 = vector.broadcast %broadcast_in_dim3A_68 : f32 to vector<16xf32>
      %swap3A_70 = arith.index_cast %scan3A_27 : i32 to index
      %swap3A_71 = arith.constant 96 : index
      %swap3A_72 = tpu.vector_load %arg5[%swap3A_70, %swap3A_71] {strides = array<i32>} : memref<128x128xf32, #tpu.memory_space<vmem>>, vector<1x16xf32>,
      %swap3A_73 = vector.shape_cast %swap3A_72 : vector<1x16xf32> to vector<16xf32>
      %swap3A_74 = vector.shape_cast %broadcast_in_dim3A_69 : vector<16xf32> to vector<1x16xf32>
      tpu.vector_store %arg5[%swap3A_70, %swap3A_71], %swap3A_74 {strides = array<i32>} : memref<128x128xf32, #tpu.memory_space<vmem>>, vector<1x16xf32>,
      %broadcast_in_dim3A_75 = arith.constant 1.000000e+00 : f32
      %broadcast_in_dim3A_76 = vector.broadcast %broadcast_in_dim3A_75 : f32 to vector<16xf32>
      %swap3A_77 = arith.index_cast %scan3A_27 : i32 to index
      %swap3A_78 = arith.constant 112 : index
      %swap3A_79 = tpu.vector_load %arg5[%swap3A_77, %swap3A_78] {strides = array<i32>} : memref<128x128xf32, #tpu.memory_space<vmem>>, vector<1x16xf32>,
      %swap3A_80 = vector.shape_cast %swap3A_79 : vector<1x16xf32> to vector<16xf32>
      %swap3A_81 = vector.shape_cast %broadcast_in_dim3A_76 : vector<16xf32> to vector<1x16xf32>
      tpu.vector_store %arg5[%swap3A_77, %swap3A_78], %swap3A_81 {strides = array<i32>} : memref<128x128xf32, #tpu.memory_space<vmem>>, vector<1x16xf32>,
    }
    %scan3A_16 = arith.constant 128 : i32
    %barrier3A = arith.constant 0 : index
    tpu.barrier barrier_id(%barrier3A)
    "tpu.region"() ({
      %run_scoped3A = tpu.sem_alloc : memref<!tpu.dma_semaphore, #tpu.memory_space<semaphore_mem>>
      %dma_start3A = arith.constant 0 : i32
      %dma_start3A_27 = arith.constant 0 : i32
      %dma_start3A_28 = tpu.memref_slice %arg2[%arg0, %arg1, %dma_start3A, %dma_start3A_27] : memref<2x16x40x128xi32, #tpu.memory_space<hbm>> -> memref<1x1x40x128xi32, #tpu.memory_space<hbm>>
      %dma_start3A_29 = tpu.memref_squeeze %dma_start3A_28 : memref<1x1x40x128xi32, #tpu.memory_space<hbm>> -> memref<40x128xi32, #tpu.memory_space<hbm>>
      %dma_start3A_30 = arith.constant 0 : i32
      %dma_start3A_31 = arith.constant 0 : i32
      %dma_start3A_32 = tpu.memref_slice %arg2[%arg0, %arg1, %dma_start3A_30, %dma_start3A_31] : memref<2x16x40x128xi32, #tpu.memory_space<hbm>> -> memref<1x1x40x128xi32, #tpu.memory_space<hbm>>
      %dma_start3A_33 = tpu.memref_squeeze %dma_start3A_32 : memref<1x1x40x128xi32, #tpu.memory_space<hbm>> -> memref<40x128xi32, #tpu.memory_space<hbm>>
      tpu.enqueue_dma source(%dma_start3A_33 : memref<40x128xi32, #tpu.memory_space<hbm>>) target(%arg4 : memref<40x128xi32, #tpu.memory_space<vmem>>) target_semaphore(%run_scoped3A : memref<!tpu.dma_semaphore, #tpu.memory_space<semaphore_mem>>)
      %dma_wait3A = arith.constant 0 : i32
      %dma_wait3A_34 = arith.constant 0 : i32
      %dma_wait3A_35 = tpu.memref_slice %arg2[%arg0, %arg1, %dma_wait3A, %dma_wait3A_34] : memref<2x16x40x128xi32, #tpu.memory_space<hbm>> -> memref<1x1x40x128xi32, #tpu.memory_space<hbm>>
      %dma_wait3A_36 = tpu.memref_squeeze %dma_wait3A_35 : memref<1x1x40x128xi32, #tpu.memory_space<hbm>> -> memref<40x128xi32, #tpu.memory_space<hbm>>
      %dma_wait3A_37 = arith.constant 0 : i32
      %dma_wait3A_38 = arith.constant 0 : i32
      %dma_wait3A_39 = tpu.memref_slice %arg2[%arg0, %arg1, %dma_wait3A_37, %dma_wait3A_38] : memref<2x16x40x128xi32, #tpu.memory_space<hbm>> -> memref<1x1x40x128xi32, #tpu.memory_space<hbm>>
      %dma_wait3A_40 = tpu.memref_squeeze %dma_wait3A_39 : memref<1x1x40x128xi32, #tpu.memory_space<hbm>> -> memref<40x128xi32, #tpu.memory_space<hbm>>
      tpu.wait_dma2 semaphore(%run_scoped3A : memref<!tpu.dma_semaphore, #tpu.memory_space<semaphore_mem>>) src(%dma_wait3A_40 : memref<40x128xi32, #tpu.memory_space<hbm>>) dst(%arg4 : memref<40x128xi32, #tpu.memory_space<vmem>>)
      tpu.yield
    }) : () -> ()
    %scan3A_17 = arith.constant 0 : i32
    %scan3A_18 = arith.constant 0 : i32
    %scan3A_19 = arith.constant 40 : i32
    %scan3A_20 = arith.addi %scan3A_18, %scan3A_19 : i32
    %scan3A_21 = arith.constant 1 : i32
    scf.for %scan3A_27 = %scan3A_18 to %scan3A_20 step %scan3A_21  : i32 {
      "tpu.region"() ({
        %run_scoped3A = tpu.sem_alloc : memref<!tpu.dma_semaphore, #tpu.memory_space<semaphore_mem>>
        %dma_start3A = arith.constant 0 : i32
        %dma_start3A_28 = tpu.memref_slice %arg4[%scan3A_27, %dma_start3A] : memref<40x128xi32, #tpu.memory_space<vmem>> -> memref<1x128xi32, #tpu.memory_space<vmem>>
        %dma_start3A_29 = tpu.memref_squeeze %dma_start3A_28 : memref<1x128xi32, #tpu.memory_space<vmem>> -> memref<128xi32, #tpu.memory_space<vmem>>
        %dma_start3A_30 = arith.constant 0 : i32
        %dma_start3A_31 = arith.constant 0 : i32
        %dma_start3A_32 = tpu.memref_slice %arg6[%dma_start3A_30, %dma_start3A_31] : memref<10240x128xf32, #tpu.memory_space<vmem_shared>> -> memref<10240x128xf32, #tpu.memory_space<vmem_shared>>
        tpu.enqueue_indirect_dma source(%arg5 : memref<128x128xf32, #tpu.memory_space<vmem>>) target(%dma_start3A_32 : memref<10240x128xf32, #tpu.memory_space<vmem_shared>>) offsets(%dma_start3A_29 : memref<128xi32, #tpu.memory_space<vmem>>) semaphore(%run_scoped3A : memref<!tpu.dma_semaphore, #tpu.memory_space<semaphore_mem>>) {add = true}
        %dma_wait3A = arith.constant 0 : i32
        %dma_wait3A_33 = tpu.memref_slice %arg4[%scan3A_27, %dma_wait3A] : memref<40x128xi32, #tpu.memory_space<vmem>> -> memref<1x128xi32, #tpu.memory_space<vmem>>
        %dma_wait3A_34 = tpu.memref_squeeze %dma_wait3A_33 : memref<1x128xi32, #tpu.memory_space<vmem>> -> memref<128xi32, #tpu.memory_space<vmem>>
        %dma_wait3A_35 = arith.constant 0 : i32
        %dma_wait3A_36 = arith.constant 0 : i32
        %dma_wait3A_37 = tpu.memref_slice %arg6[%dma_wait3A_35, %dma_wait3A_36] : memref<10240x128xf32, #tpu.memory_space<vmem_shared>> -> memref<10240x128xf32, #tpu.memory_space<vmem_shared>>
        tpu.wait_indirect_dma semaphore(%run_scoped3A : memref<!tpu.dma_semaphore, #tpu.memory_space<semaphore_mem>>) src(%arg5 : memref<128x128xf32, #tpu.memory_space<vmem>>) dst(%dma_wait3A_37 : memref<10240x128xf32, #tpu.memory_space<vmem_shared>>)
        tpu.yield
      }) : () -> ()
    }
    %scan3A_22 = arith.constant 40 : i32
    %barrier3A_23 = arith.constant 0 : index
    tpu.barrier barrier_id(%barrier3A_23)
    %mul3A = arith.constant 640 : i32
    %mul3A_24 = arith.muli %arg1, %mul3A : i32
    %mul3A_25 = arith.constant 640 : i32
    %mul3A_26 = arith.muli %arg1, %mul3A_25 : i32
    "tpu.region"() ({
      %run_scoped3A = tpu.sem_alloc : memref<!tpu.dma_semaphore, #tpu.memory_space<semaphore_mem>>
      %dma_start3A = arith.constant 0 : i32
      %dma_start3A_27 = tpu.memref_slice %arg3[%arg0, %mul3A_26, %dma_start3A] : memref<2x10240x128xf32, #tpu.memory_space<hbm>> -> memref<1x640x128xf32, #tpu.memory_space<hbm>>
      %dma_start3A_28 = tpu.memref_squeeze %dma_start3A_27 : memref<1x640x128xf32, #tpu.memory_space<hbm>> -> memref<640x128xf32, #tpu.memory_space<hbm>>
      %dma_start3A_29 = arith.constant 0 : i32
      %dma_start3A_30 = tpu.memref_slice %arg6[%mul3A_24, %dma_start3A_29] : memref<10240x128xf32, #tpu.memory_space<vmem_shared>> -> memref<640x128xf32, #tpu.memory_space<vmem_shared>>
      tpu.enqueue_dma source(%dma_start3A_30 : memref<640x128xf32, #tpu.memory_space<vmem_shared>>) target(%dma_start3A_28 : memref<640x128xf32, #tpu.memory_space<hbm>>) target_semaphore(%run_scoped3A : memref<!tpu.dma_semaphore, #tpu.memory_space<semaphore_mem>>)
      %dma_wait3A = arith.constant 0 : i32
      %dma_wait3A_31 = tpu.memref_slice %arg3[%arg0, %mul3A_26, %dma_wait3A] : memref<2x10240x128xf32, #tpu.memory_space<hbm>> -> memref<1x640x128xf32, #tpu.memory_space<hbm>>
      %dma_wait3A_32 = tpu.memref_squeeze %dma_wait3A_31 : memref<1x640x128xf32, #tpu.memory_space<hbm>> -> memref<640x128xf32, #tpu.memory_space<hbm>>
      %dma_wait3A_33 = arith.constant 0 : i32
      %dma_wait3A_34 = tpu.memref_slice %arg6[%mul3A_24, %dma_wait3A_33] : memref<10240x128xf32, #tpu.memory_space<vmem_shared>> -> memref<640x128xf32, #tpu.memory_space<vmem_shared>>
      tpu.wait_dma2 semaphore(%run_scoped3A : memref<!tpu.dma_semaphore, #tpu.memory_space<semaphore_mem>>) src(%dma_wait3A_34 : memref<640x128xf32, #tpu.memory_space<vmem_shared>>) dst(%dma_wait3A_32 : memref<640x128xf32, #tpu.memory_space<hbm>>)
      tpu.yield
    }) : () -> ()
    return
  }
}

#map = affine_map<(d0, d1) -> (0, 0)>
#map1 = affine_map<(d0, d1) -> (0, 0, 0, 0)>
#map2 = affine_map<(d0, d1) -> (0, 0, 0)>
module attributes {stable_mosaic.version = 14 : i64} {
  func.func @_segsum_body(%arg0: i32, %arg1: i32, %arg2: memref<10000x128xf32, #tpu.memory_space<hbm>>, %arg3: memref<2x16x40x128xi32, #tpu.memory_space<hbm>>, %arg4: memref<2x16x40x128xi32, #tpu.memory_space<hbm>>, %arg5: memref<2x10240x128xf32, #tpu.memory_space<hbm>>, %arg6: memref<40x128xi32, #tpu.memory_space<vmem>>, %arg7: memref<40x128xi32, #tpu.memory_space<vmem>>, %arg8: memref<128x128xf32, #tpu.memory_space<vmem>>, %arg9: memref<128x128xf32, #tpu.memory_space<vmem>>, %arg10: memref<10240x128xf32, #tpu.memory_space<vmem_shared>>, %arg11: memref<!tpu.dma_semaphore, #tpu.memory_space<semaphore_mem>>, %arg12: memref<!tpu.dma_semaphore, #tpu.memory_space<semaphore_mem>>) attributes {dimension_semantics = [#tpu.dimension_semantics<core_parallel>, #tpu.dimension_semantics<subcore_parallel>], iteration_bounds = array<i64: 2, 16>, scalar_prefetch = 0 : i64, scratch_operands = 7 : i64, tpu.core_type = #tpu.core_type<sc_vector_subcore>, window_params = [{transform_indices = #map}, {transform_indices = #map1}, {transform_indices = #map1}, {transform_indices = #map2}]} {
    %scan3A = arith.constant 0 : i32
    %scan3A_0 = arith.constant 0 : i32
    %scan3A_1 = arith.constant 128 : i32
    %scan3A_2 = arith.addi %scan3A_0, %scan3A_1 : i32
    %scan3A_3 = arith.constant 1 : i32
    scf.for %scan3A_27 = %scan3A_0 to %scan3A_2 step %scan3A_3  : i32 {
      %broadcast_in_dim3A = arith.constant 0.000000e+00 : f32
      %broadcast_in_dim3A_28 = vector.broadcast %broadcast_in_dim3A : f32 to vector<16xf32>
      %swap3A = arith.index_cast %scan3A_27 : i32 to index
      %swap3A_29 = arith.constant 0 : index
      %swap3A_30 = tpu.vector_load %arg8[%swap3A, %swap3A_29] {strides = array<i32>} : memref<128x128xf32, #tpu.memory_space<vmem>>, vector<1x16xf32>,
      %swap3A_31 = vector.shape_cast %swap3A_30 : vector<1x16xf32> to vector<16xf32>
      %swap3A_32 = vector.shape_cast %broadcast_in_dim3A_28 : vector<16xf32> to vector<1x16xf32>
      tpu.vector_store %arg8[%swap3A, %swap3A_29], %swap3A_32 {strides = array<i32>} : memref<128x128xf32, #tpu.memory_space<vmem>>, vector<1x16xf32>,
      %broadcast_in_dim3A_33 = arith.constant 0.000000e+00 : f32
      %broadcast_in_dim3A_34 = vector.broadcast %broadcast_in_dim3A_33 : f32 to vector<16xf32>
      %swap3A_35 = arith.index_cast %scan3A_27 : i32 to index
      %swap3A_36 = arith.constant 16 : index
      %swap3A_37 = tpu.vector_load %arg8[%swap3A_35, %swap3A_36] {strides = array<i32>} : memref<128x128xf32, #tpu.memory_space<vmem>>, vector<1x16xf32>,
      %swap3A_38 = vector.shape_cast %swap3A_37 : vector<1x16xf32> to vector<16xf32>
      %swap3A_39 = vector.shape_cast %broadcast_in_dim3A_34 : vector<16xf32> to vector<1x16xf32>
      tpu.vector_store %arg8[%swap3A_35, %swap3A_36], %swap3A_39 {strides = array<i32>} : memref<128x128xf32, #tpu.memory_space<vmem>>, vector<1x16xf32>,
      %broadcast_in_dim3A_40 = arith.constant 0.000000e+00 : f32
      %broadcast_in_dim3A_41 = vector.broadcast %broadcast_in_dim3A_40 : f32 to vector<16xf32>
      %swap3A_42 = arith.index_cast %scan3A_27 : i32 to index
      %swap3A_43 = arith.constant 32 : index
      %swap3A_44 = tpu.vector_load %arg8[%swap3A_42, %swap3A_43] {strides = array<i32>} : memref<128x128xf32, #tpu.memory_space<vmem>>, vector<1x16xf32>,
      %swap3A_45 = vector.shape_cast %swap3A_44 : vector<1x16xf32> to vector<16xf32>
      %swap3A_46 = vector.shape_cast %broadcast_in_dim3A_41 : vector<16xf32> to vector<1x16xf32>
      tpu.vector_store %arg8[%swap3A_42, %swap3A_43], %swap3A_46 {strides = array<i32>} : memref<128x128xf32, #tpu.memory_space<vmem>>, vector<1x16xf32>,
      %broadcast_in_dim3A_47 = arith.constant 0.000000e+00 : f32
      %broadcast_in_dim3A_48 = vector.broadcast %broadcast_in_dim3A_47 : f32 to vector<16xf32>
      %swap3A_49 = arith.index_cast %scan3A_27 : i32 to index
      %swap3A_50 = arith.constant 48 : index
      %swap3A_51 = tpu.vector_load %arg8[%swap3A_49, %swap3A_50] {strides = array<i32>} : memref<128x128xf32, #tpu.memory_space<vmem>>, vector<1x16xf32>,
      %swap3A_52 = vector.shape_cast %swap3A_51 : vector<1x16xf32> to vector<16xf32>
      %swap3A_53 = vector.shape_cast %broadcast_in_dim3A_48 : vector<16xf32> to vector<1x16xf32>
      tpu.vector_store %arg8[%swap3A_49, %swap3A_50], %swap3A_53 {strides = array<i32>} : memref<128x128xf32, #tpu.memory_space<vmem>>, vector<1x16xf32>,
      %broadcast_in_dim3A_54 = arith.constant 0.000000e+00 : f32
      %broadcast_in_dim3A_55 = vector.broadcast %broadcast_in_dim3A_54 : f32 to vector<16xf32>
      %swap3A_56 = arith.index_cast %scan3A_27 : i32 to index
      %swap3A_57 = arith.constant 64 : index
      %swap3A_58 = tpu.vector_load %arg8[%swap3A_56, %swap3A_57] {strides = array<i32>} : memref<128x128xf32, #tpu.memory_space<vmem>>, vector<1x16xf32>,
      %swap3A_59 = vector.shape_cast %swap3A_58 : vector<1x16xf32> to vector<16xf32>
      %swap3A_60 = vector.shape_cast %broadcast_in_dim3A_55 : vector<16xf32> to vector<1x16xf32>
      tpu.vector_store %arg8[%swap3A_56, %swap3A_57], %swap3A_60 {strides = array<i32>} : memref<128x128xf32, #tpu.memory_space<vmem>>, vector<1x16xf32>,
      %broadcast_in_dim3A_61 = arith.constant 0.000000e+00 : f32
      %broadcast_in_dim3A_62 = vector.broadcast %broadcast_in_dim3A_61 : f32 to vector<16xf32>
      %swap3A_63 = arith.index_cast %scan3A_27 : i32 to index
      %swap3A_64 = arith.constant 80 : index
      %swap3A_65 = tpu.vector_load %arg8[%swap3A_63, %swap3A_64] {strides = array<i32>} : memref<128x128xf32, #tpu.memory_space<vmem>>, vector<1x16xf32>,
      %swap3A_66 = vector.shape_cast %swap3A_65 : vector<1x16xf32> to vector<16xf32>
      %swap3A_67 = vector.shape_cast %broadcast_in_dim3A_62 : vector<16xf32> to vector<1x16xf32>
      tpu.vector_store %arg8[%swap3A_63, %swap3A_64], %swap3A_67 {strides = array<i32>} : memref<128x128xf32, #tpu.memory_space<vmem>>, vector<1x16xf32>,
      %broadcast_in_dim3A_68 = arith.constant 0.000000e+00 : f32
      %broadcast_in_dim3A_69 = vector.broadcast %broadcast_in_dim3A_68 : f32 to vector<16xf32>
      %swap3A_70 = arith.index_cast %scan3A_27 : i32 to index
      %swap3A_71 = arith.constant 96 : index
      %swap3A_72 = tpu.vector_load %arg8[%swap3A_70, %swap3A_71] {strides = array<i32>} : memref<128x128xf32, #tpu.memory_space<vmem>>, vector<1x16xf32>,
      %swap3A_73 = vector.shape_cast %swap3A_72 : vector<1x16xf32> to vector<16xf32>
      %swap3A_74 = vector.shape_cast %broadcast_in_dim3A_69 : vector<16xf32> to vector<1x16xf32>
      tpu.vector_store %arg8[%swap3A_70, %swap3A_71], %swap3A_74 {strides = array<i32>} : memref<128x128xf32, #tpu.memory_space<vmem>>, vector<1x16xf32>,
      %broadcast_in_dim3A_75 = arith.constant 0.000000e+00 : f32
      %broadcast_in_dim3A_76 = vector.broadcast %broadcast_in_dim3A_75 : f32 to vector<16xf32>
      %swap3A_77 = arith.index_cast %scan3A_27 : i32 to index
      %swap3A_78 = arith.constant 112 : index
      %swap3A_79 = tpu.vector_load %arg8[%swap3A_77, %swap3A_78] {strides = array<i32>} : memref<128x128xf32, #tpu.memory_space<vmem>>, vector<1x16xf32>,
      %swap3A_80 = vector.shape_cast %swap3A_79 : vector<1x16xf32> to vector<16xf32>
      %swap3A_81 = vector.shape_cast %broadcast_in_dim3A_76 : vector<16xf32> to vector<1x16xf32>
      tpu.vector_store %arg8[%swap3A_77, %swap3A_78], %swap3A_81 {strides = array<i32>} : memref<128x128xf32, #tpu.memory_space<vmem>>, vector<1x16xf32>,
    }
    %scan3A_4 = arith.constant 128 : i32
    %scan3A_5 = arith.constant 0 : i32
    %scan3A_6 = arith.constant 0 : i32
    %scan3A_7 = arith.constant 5 : i32
    %scan3A_8 = arith.addi %scan3A_6, %scan3A_7 : i32
    %scan3A_9 = arith.constant 1 : i32
    scf.for %scan3A_27 = %scan3A_6 to %scan3A_8 step %scan3A_9  : i32 {
      %mul3A_28 = arith.constant 640 : i32
      %mul3A_29 = arith.muli %arg1, %mul3A_28 : i32
      %mul3A_30 = arith.constant 128 : i32
      %mul3A_31 = arith.muli %scan3A_27, %mul3A_30 : i32
      %add3A = arith.addi %mul3A_29, %mul3A_31 : i32
      "tpu.region"() ({
        %run_scoped3A = tpu.sem_alloc : memref<!tpu.dma_semaphore, #tpu.memory_space<semaphore_mem>>
        %dma_start3A_32 = arith.constant 0 : i32
        %dma_start3A_33 = tpu.memref_slice %arg10[%add3A, %dma_start3A_32] : memref<10240x128xf32, #tpu.memory_space<vmem_shared>> -> memref<128x128xf32, #tpu.memory_space<vmem_shared>>
        %dma_start3A_34 = arith.constant 0 : i32
        %dma_start3A_35 = tpu.memref_slice %arg10[%add3A, %dma_start3A_34] : memref<10240x128xf32, #tpu.memory_space<vmem_shared>> -> memref<128x128xf32, #tpu.memory_space<vmem_shared>>
        tpu.enqueue_dma source(%arg8 : memref<128x128xf32, #tpu.memory_space<vmem>>) target(%dma_start3A_35 : memref<128x128xf32, #tpu.memory_space<vmem_shared>>) target_semaphore(%run_scoped3A : memref<!tpu.dma_semaphore, #tpu.memory_space<semaphore_mem>>)
        %dma_wait3A = arith.constant 0 : i32
        %dma_wait3A_36 = tpu.memref_slice %arg10[%add3A, %dma_wait3A] : memref<10240x128xf32, #tpu.memory_space<vmem_shared>> -> memref<128x128xf32, #tpu.memory_space<vmem_shared>>
        %dma_wait3A_37 = arith.constant 0 : i32
        %dma_wait3A_38 = tpu.memref_slice %arg10[%add3A, %dma_wait3A_37] : memref<10240x128xf32, #tpu.memory_space<vmem_shared>> -> memref<128x128xf32, #tpu.memory_space<vmem_shared>>
        tpu.wait_dma2 semaphore(%run_scoped3A : memref<!tpu.dma_semaphore, #tpu.memory_space<semaphore_mem>>) src(%arg8 : memref<128x128xf32, #tpu.memory_space<vmem>>) dst(%dma_wait3A_38 : memref<128x128xf32, #tpu.memory_space<vmem_shared>>)
        tpu.yield
      }) : () -> ()
    }
    %scan3A_10 = arith.constant 5 : i32
    %barrier3A = arith.constant 0 : index
    tpu.barrier barrier_id(%barrier3A)
    "tpu.region"() ({
      %run_scoped3A = tpu.sem_alloc : memref<!tpu.dma_semaphore, #tpu.memory_space<semaphore_mem>>
      %dma_start3A_27 = arith.constant 0 : i32
      %dma_start3A_28 = arith.constant 0 : i32
      %dma_start3A_29 = tpu.memref_slice %arg3[%arg0, %arg1, %dma_start3A_27, %dma_start3A_28] : memref<2x16x40x128xi32, #tpu.memory_space<hbm>> -> memref<1x1x40x128xi32, #tpu.memory_space<hbm>>
      %dma_start3A_30 = tpu.memref_squeeze %dma_start3A_29 : memref<1x1x40x128xi32, #tpu.memory_space<hbm>> -> memref<40x128xi32, #tpu.memory_space<hbm>>
      %dma_start3A_31 = arith.constant 0 : i32
      %dma_start3A_32 = arith.constant 0 : i32
      %dma_start3A_33 = tpu.memref_slice %arg3[%arg0, %arg1, %dma_start3A_31, %dma_start3A_32] : memref<2x16x40x128xi32, #tpu.memory_space<hbm>> -> memref<1x1x40x128xi32, #tpu.memory_space<hbm>>
      %dma_start3A_34 = tpu.memref_squeeze %dma_start3A_33 : memref<1x1x40x128xi32, #tpu.memory_space<hbm>> -> memref<40x128xi32, #tpu.memory_space<hbm>>
      tpu.enqueue_dma source(%dma_start3A_34 : memref<40x128xi32, #tpu.memory_space<hbm>>) target(%arg6 : memref<40x128xi32, #tpu.memory_space<vmem>>) target_semaphore(%run_scoped3A : memref<!tpu.dma_semaphore, #tpu.memory_space<semaphore_mem>>)
      %dma_wait3A = arith.constant 0 : i32
      %dma_wait3A_35 = arith.constant 0 : i32
      %dma_wait3A_36 = tpu.memref_slice %arg3[%arg0, %arg1, %dma_wait3A, %dma_wait3A_35] : memref<2x16x40x128xi32, #tpu.memory_space<hbm>> -> memref<1x1x40x128xi32, #tpu.memory_space<hbm>>
      %dma_wait3A_37 = tpu.memref_squeeze %dma_wait3A_36 : memref<1x1x40x128xi32, #tpu.memory_space<hbm>> -> memref<40x128xi32, #tpu.memory_space<hbm>>
      %dma_wait3A_38 = arith.constant 0 : i32
      %dma_wait3A_39 = arith.constant 0 : i32
      %dma_wait3A_40 = tpu.memref_slice %arg3[%arg0, %arg1, %dma_wait3A_38, %dma_wait3A_39] : memref<2x16x40x128xi32, #tpu.memory_space<hbm>> -> memref<1x1x40x128xi32, #tpu.memory_space<hbm>>
      %dma_wait3A_41 = tpu.memref_squeeze %dma_wait3A_40 : memref<1x1x40x128xi32, #tpu.memory_space<hbm>> -> memref<40x128xi32, #tpu.memory_space<hbm>>
      tpu.wait_dma2 semaphore(%run_scoped3A : memref<!tpu.dma_semaphore, #tpu.memory_space<semaphore_mem>>) src(%dma_wait3A_41 : memref<40x128xi32, #tpu.memory_space<hbm>>) dst(%arg6 : memref<40x128xi32, #tpu.memory_space<vmem>>)
      tpu.yield
    }) : () -> ()
    "tpu.region"() ({
      %run_scoped3A = tpu.sem_alloc : memref<!tpu.dma_semaphore, #tpu.memory_space<semaphore_mem>>
      %dma_start3A_27 = arith.constant 0 : i32
      %dma_start3A_28 = arith.constant 0 : i32
      %dma_start3A_29 = tpu.memref_slice %arg4[%arg0, %arg1, %dma_start3A_27, %dma_start3A_28] : memref<2x16x40x128xi32, #tpu.memory_space<hbm>> -> memref<1x1x40x128xi32, #tpu.memory_space<hbm>>
      %dma_start3A_30 = tpu.memref_squeeze %dma_start3A_29 : memref<1x1x40x128xi32, #tpu.memory_space<hbm>> -> memref<40x128xi32, #tpu.memory_space<hbm>>
      %dma_start3A_31 = arith.constant 0 : i32
      %dma_start3A_32 = arith.constant 0 : i32
      %dma_start3A_33 = tpu.memref_slice %arg4[%arg0, %arg1, %dma_start3A_31, %dma_start3A_32] : memref<2x16x40x128xi32, #tpu.memory_space<hbm>> -> memref<1x1x40x128xi32, #tpu.memory_space<hbm>>
      %dma_start3A_34 = tpu.memref_squeeze %dma_start3A_33 : memref<1x1x40x128xi32, #tpu.memory_space<hbm>> -> memref<40x128xi32, #tpu.memory_space<hbm>>
      tpu.enqueue_dma source(%dma_start3A_34 : memref<40x128xi32, #tpu.memory_space<hbm>>) target(%arg7 : memref<40x128xi32, #tpu.memory_space<vmem>>) target_semaphore(%run_scoped3A : memref<!tpu.dma_semaphore, #tpu.memory_space<semaphore_mem>>)
      %dma_wait3A = arith.constant 0 : i32
      %dma_wait3A_35 = arith.constant 0 : i32
      %dma_wait3A_36 = tpu.memref_slice %arg4[%arg0, %arg1, %dma_wait3A, %dma_wait3A_35] : memref<2x16x40x128xi32, #tpu.memory_space<hbm>> -> memref<1x1x40x128xi32, #tpu.memory_space<hbm>>
      %dma_wait3A_37 = tpu.memref_squeeze %dma_wait3A_36 : memref<1x1x40x128xi32, #tpu.memory_space<hbm>> -> memref<40x128xi32, #tpu.memory_space<hbm>>
      %dma_wait3A_38 = arith.constant 0 : i32
      %dma_wait3A_39 = arith.constant 0 : i32
      %dma_wait3A_40 = tpu.memref_slice %arg4[%arg0, %arg1, %dma_wait3A_38, %dma_wait3A_39] : memref<2x16x40x128xi32, #tpu.memory_space<hbm>> -> memref<1x1x40x128xi32, #tpu.memory_space<hbm>>
      %dma_wait3A_41 = tpu.memref_squeeze %dma_wait3A_40 : memref<1x1x40x128xi32, #tpu.memory_space<hbm>> -> memref<40x128xi32, #tpu.memory_space<hbm>>
      tpu.wait_dma2 semaphore(%run_scoped3A : memref<!tpu.dma_semaphore, #tpu.memory_space<semaphore_mem>>) src(%dma_wait3A_41 : memref<40x128xi32, #tpu.memory_space<hbm>>) dst(%arg7 : memref<40x128xi32, #tpu.memory_space<vmem>>)
      tpu.yield
    }) : () -> ()
    %dma_start3A = arith.constant 0 : i32
    %dma_start3A_11 = arith.constant 0 : i32
    %dma_start3A_12 = tpu.memref_slice %arg6[%dma_start3A, %dma_start3A_11] : memref<40x128xi32, #tpu.memory_space<vmem>> -> memref<1x128xi32, #tpu.memory_space<vmem>>
    %dma_start3A_13 = tpu.memref_squeeze %dma_start3A_12 : memref<1x128xi32, #tpu.memory_space<vmem>> -> memref<128xi32, #tpu.memory_space<vmem>>
    %dma_start3A_14 = arith.constant 0 : i32
    %dma_start3A_15 = arith.constant 0 : i32
    %dma_start3A_16 = tpu.memref_slice %arg2[%dma_start3A_14, %dma_start3A_15] : memref<10000x128xf32, #tpu.memory_space<hbm>> -> memref<10000x128xf32, #tpu.memory_space<hbm>>
    tpu.enqueue_indirect_dma source(%dma_start3A_16 : memref<10000x128xf32, #tpu.memory_space<hbm>>) target(%arg8 : memref<128x128xf32, #tpu.memory_space<vmem>>) offsets(%dma_start3A_13 : memref<128xi32, #tpu.memory_space<vmem>>) semaphore(%arg11 : memref<!tpu.dma_semaphore, #tpu.memory_space<semaphore_mem>>)
    %scan3A_17 = arith.constant 0 : i32
    %scan3A_18 = arith.constant 0 : i32
    %scan3A_19 = arith.constant 20 : i32
    %scan3A_20 = arith.addi %scan3A_18, %scan3A_19 : i32
    %scan3A_21 = arith.constant 1 : i32
    scf.for %scan3A_27 = %scan3A_18 to %scan3A_20 step %scan3A_21  : i32 {
      %mul3A_28 = arith.constant 2 : i32
      %mul3A_29 = arith.muli %mul3A_28, %scan3A_27 : i32
      %add3A = arith.constant 1 : i32
      %add3A_30 = arith.addi %mul3A_29, %add3A : i32
      %dma_start3A_31 = arith.constant 0 : i32
      %dma_start3A_32 = tpu.memref_slice %arg6[%add3A_30, %dma_start3A_31] : memref<40x128xi32, #tpu.memory_space<vmem>> -> memref<1x128xi32, #tpu.memory_space<vmem>>
      %dma_start3A_33 = tpu.memref_squeeze %dma_start3A_32 : memref<1x128xi32, #tpu.memory_space<vmem>> -> memref<128xi32, #tpu.memory_space<vmem>>
      %dma_start3A_34 = arith.constant 0 : i32
      %dma_start3A_35 = arith.constant 0 : i32
      %dma_start3A_36 = tpu.memref_slice %arg2[%dma_start3A_34, %dma_start3A_35] : memref<10000x128xf32, #tpu.memory_space<hbm>> -> memref<10000x128xf32, #tpu.memory_space<hbm>>
      tpu.enqueue_indirect_dma source(%dma_start3A_36 : memref<10000x128xf32, #tpu.memory_space<hbm>>) target(%arg9 : memref<128x128xf32, #tpu.memory_space<vmem>>) offsets(%dma_start3A_33 : memref<128xi32, #tpu.memory_space<vmem>>) semaphore(%arg12 : memref<!tpu.dma_semaphore, #tpu.memory_space<semaphore_mem>>)
      %dma_wait3A = arith.constant 0 : i32
      %dma_wait3A_37 = arith.constant 0 : i32
      %dma_wait3A_38 = tpu.memref_slice %arg6[%dma_wait3A, %dma_wait3A_37] : memref<40x128xi32, #tpu.memory_space<vmem>> -> memref<1x128xi32, #tpu.memory_space<vmem>>
      %dma_wait3A_39 = tpu.memref_squeeze %dma_wait3A_38 : memref<1x128xi32, #tpu.memory_space<vmem>> -> memref<128xi32, #tpu.memory_space<vmem>>
      %dma_wait3A_40 = arith.constant 0 : i32
      %dma_wait3A_41 = arith.constant 0 : i32
      %dma_wait3A_42 = tpu.memref_slice %arg2[%dma_wait3A_40, %dma_wait3A_41] : memref<10000x128xf32, #tpu.memory_space<hbm>> -> memref<10000x128xf32, #tpu.memory_space<hbm>>
      tpu.wait_indirect_dma semaphore(%arg11 : memref<!tpu.dma_semaphore, #tpu.memory_space<semaphore_mem>>) src(%dma_wait3A_42 : memref<10000x128xf32, #tpu.memory_space<hbm>>) dst(%arg8 : memref<128x128xf32, #tpu.memory_space<vmem>>)
      "tpu.region"() ({
        %run_scoped3A = tpu.sem_alloc : memref<!tpu.dma_semaphore, #tpu.memory_space<semaphore_mem>>
        %dma_start3A_53 = arith.constant 0 : i32
        %dma_start3A_54 = tpu.memref_slice %arg7[%mul3A_29, %dma_start3A_53] : memref<40x128xi32, #tpu.memory_space<vmem>> -> memref<1x128xi32, #tpu.memory_space<vmem>>
        %dma_start3A_55 = tpu.memref_squeeze %dma_start3A_54 : memref<1x128xi32, #tpu.memory_space<vmem>> -> memref<128xi32, #tpu.memory_space<vmem>>
        %dma_start3A_56 = arith.constant 0 : i32
        %dma_start3A_57 = arith.constant 0 : i32
        %dma_start3A_58 = tpu.memref_slice %arg10[%dma_start3A_56, %dma_start3A_57] : memref<10240x128xf32, #tpu.memory_space<vmem_shared>> -> memref<10240x128xf32, #tpu.memory_space<vmem_shared>>
        tpu.enqueue_indirect_dma source(%arg8 : memref<128x128xf32, #tpu.memory_space<vmem>>) target(%dma_start3A_58 : memref<10240x128xf32, #tpu.memory_space<vmem_shared>>) offsets(%dma_start3A_55 : memref<128xi32, #tpu.memory_space<vmem>>) semaphore(%run_scoped3A : memref<!tpu.dma_semaphore, #tpu.memory_space<semaphore_mem>>) {add = true}
        %dma_wait3A_59 = arith.constant 0 : i32
        %dma_wait3A_60 = tpu.memref_slice %arg7[%mul3A_29, %dma_wait3A_59] : memref<40x128xi32, #tpu.memory_space<vmem>> -> memref<1x128xi32, #tpu.memory_space<vmem>>
        %dma_wait3A_61 = tpu.memref_squeeze %dma_wait3A_60 : memref<1x128xi32, #tpu.memory_space<vmem>> -> memref<128xi32, #tpu.memory_space<vmem>>
        %dma_wait3A_62 = arith.constant 0 : i32
        %dma_wait3A_63 = arith.constant 0 : i32
        %dma_wait3A_64 = tpu.memref_slice %arg10[%dma_wait3A_62, %dma_wait3A_63] : memref<10240x128xf32, #tpu.memory_space<vmem_shared>> -> memref<10240x128xf32, #tpu.memory_space<vmem_shared>>
        tpu.wait_indirect_dma semaphore(%run_scoped3A : memref<!tpu.dma_semaphore, #tpu.memory_space<semaphore_mem>>) src(%arg8 : memref<128x128xf32, #tpu.memory_space<vmem>>) dst(%dma_wait3A_64 : memref<10240x128xf32, #tpu.memory_space<vmem_shared>>)
        tpu.yield
      }) : () -> ()
      %lt3A = arith.constant 19 : i32
      %lt3A_43 = arith.cmpi slt, %scan3A_27, %lt3A : i32
      %convert_element_type3A = arith.extui %lt3A_43 : i1 to i32
      %cond3A = arith.constant 0 : i32
      %cond3A_44 = arith.cmpi ne, %convert_element_type3A, %cond3A : i32
      scf.if %cond3A_44 {
        %add3A_53 = arith.constant 2 : i32
        %add3A_54 = arith.addi %mul3A_29, %add3A_53 : i32
        %dma_start3A_55 = arith.constant 0 : i32
        %dma_start3A_56 = tpu.memref_slice %arg6[%add3A_54, %dma_start3A_55] : memref<40x128xi32, #tpu.memory_space<vmem>> -> memref<1x128xi32, #tpu.memory_space<vmem>>
        %dma_start3A_57 = tpu.memref_squeeze %dma_start3A_56 : memref<1x128xi32, #tpu.memory_space<vmem>> -> memref<128xi32, #tpu.memory_space<vmem>>
        %dma_start3A_58 = arith.constant 0 : i32
        %dma_start3A_59 = arith.constant 0 : i32
        %dma_start3A_60 = tpu.memref_slice %arg2[%dma_start3A_58, %dma_start3A_59] : memref<10000x128xf32, #tpu.memory_space<hbm>> -> memref<10000x128xf32, #tpu.memory_space<hbm>>
        tpu.enqueue_indirect_dma source(%dma_start3A_60 : memref<10000x128xf32, #tpu.memory_space<hbm>>) target(%arg8 : memref<128x128xf32, #tpu.memory_space<vmem>>) offsets(%dma_start3A_57 : memref<128xi32, #tpu.memory_space<vmem>>) semaphore(%arg11 : memref<!tpu.dma_semaphore, #tpu.memory_space<semaphore_mem>>)
      } else {
      }
      %dma_wait3A_45 = arith.constant 0 : i32
      %dma_wait3A_46 = tpu.memref_slice %arg6[%add3A_30, %dma_wait3A_45] : memref<40x128xi32, #tpu.memory_space<vmem>> -> memref<1x128xi32, #tpu.memory_space<vmem>>
      %dma_wait3A_47 = tpu.memref_squeeze %dma_wait3A_46 : memref<1x128xi32, #tpu.memory_space<vmem>> -> memref<128xi32, #tpu.memory_space<vmem>>
      %dma_wait3A_48 = arith.constant 0 : i32
      %dma_wait3A_49 = arith.constant 0 : i32
      %dma_wait3A_50 = tpu.memref_slice %arg2[%dma_wait3A_48, %dma_wait3A_49] : memref<10000x128xf32, #tpu.memory_space<hbm>> -> memref<10000x128xf32, #tpu.memory_space<hbm>>
      tpu.wait_indirect_dma semaphore(%arg12 : memref<!tpu.dma_semaphore, #tpu.memory_space<semaphore_mem>>) src(%dma_wait3A_50 : memref<10000x128xf32, #tpu.memory_space<hbm>>) dst(%arg9 : memref<128x128xf32, #tpu.memory_space<vmem>>)
      %add3A_51 = arith.constant 1 : i32
      %add3A_52 = arith.addi %mul3A_29, %add3A_51 : i32
      "tpu.region"() ({
        %run_scoped3A = tpu.sem_alloc : memref<!tpu.dma_semaphore, #tpu.memory_space<semaphore_mem>>
        %dma_start3A_53 = arith.constant 0 : i32
        %dma_start3A_54 = tpu.memref_slice %arg7[%add3A_52, %dma_start3A_53] : memref<40x128xi32, #tpu.memory_space<vmem>> -> memref<1x128xi32, #tpu.memory_space<vmem>>
        %dma_start3A_55 = tpu.memref_squeeze %dma_start3A_54 : memref<1x128xi32, #tpu.memory_space<vmem>> -> memref<128xi32, #tpu.memory_space<vmem>>
        %dma_start3A_56 = arith.constant 0 : i32
        %dma_start3A_57 = arith.constant 0 : i32
        %dma_start3A_58 = tpu.memref_slice %arg10[%dma_start3A_56, %dma_start3A_57] : memref<10240x128xf32, #tpu.memory_space<vmem_shared>> -> memref<10240x128xf32, #tpu.memory_space<vmem_shared>>
        tpu.enqueue_indirect_dma source(%arg9 : memref<128x128xf32, #tpu.memory_space<vmem>>) target(%dma_start3A_58 : memref<10240x128xf32, #tpu.memory_space<vmem_shared>>) offsets(%dma_start3A_55 : memref<128xi32, #tpu.memory_space<vmem>>) semaphore(%run_scoped3A : memref<!tpu.dma_semaphore, #tpu.memory_space<semaphore_mem>>) {add = true}
        %dma_wait3A_59 = arith.constant 0 : i32
        %dma_wait3A_60 = tpu.memref_slice %arg7[%add3A_52, %dma_wait3A_59] : memref<40x128xi32, #tpu.memory_space<vmem>> -> memref<1x128xi32, #tpu.memory_space<vmem>>
        %dma_wait3A_61 = tpu.memref_squeeze %dma_wait3A_60 : memref<1x128xi32, #tpu.memory_space<vmem>> -> memref<128xi32, #tpu.memory_space<vmem>>
        %dma_wait3A_62 = arith.constant 0 : i32
        %dma_wait3A_63 = arith.constant 0 : i32
        %dma_wait3A_64 = tpu.memref_slice %arg10[%dma_wait3A_62, %dma_wait3A_63] : memref<10240x128xf32, #tpu.memory_space<vmem_shared>> -> memref<10240x128xf32, #tpu.memory_space<vmem_shared>>
        tpu.wait_indirect_dma semaphore(%run_scoped3A : memref<!tpu.dma_semaphore, #tpu.memory_space<semaphore_mem>>) src(%arg9 : memref<128x128xf32, #tpu.memory_space<vmem>>) dst(%dma_wait3A_64 : memref<10240x128xf32, #tpu.memory_space<vmem_shared>>)
        tpu.yield
      }) : () -> ()
    }
    %scan3A_22 = arith.constant 20 : i32
    %barrier3A_23 = arith.constant 0 : index
    tpu.barrier barrier_id(%barrier3A_23)
    %mul3A = arith.constant 640 : i32
    %mul3A_24 = arith.muli %arg1, %mul3A : i32
    %mul3A_25 = arith.constant 640 : i32
    %mul3A_26 = arith.muli %arg1, %mul3A_25 : i32
    "tpu.region"() ({
      %run_scoped3A = tpu.sem_alloc : memref<!tpu.dma_semaphore, #tpu.memory_space<semaphore_mem>>
      %dma_start3A_27 = arith.constant 0 : i32
      %dma_start3A_28 = tpu.memref_slice %arg5[%arg0, %mul3A_26, %dma_start3A_27] : memref<2x10240x128xf32, #tpu.memory_space<hbm>> -> memref<1x640x128xf32, #tpu.memory_space<hbm>>
      %dma_start3A_29 = tpu.memref_squeeze %dma_start3A_28 : memref<1x640x128xf32, #tpu.memory_space<hbm>> -> memref<640x128xf32, #tpu.memory_space<hbm>>
      %dma_start3A_30 = arith.constant 0 : i32
      %dma_start3A_31 = tpu.memref_slice %arg10[%mul3A_24, %dma_start3A_30] : memref<10240x128xf32, #tpu.memory_space<vmem_shared>> -> memref<640x128xf32, #tpu.memory_space<vmem_shared>>
      tpu.enqueue_dma source(%dma_start3A_31 : memref<640x128xf32, #tpu.memory_space<vmem_shared>>) target(%dma_start3A_29 : memref<640x128xf32, #tpu.memory_space<hbm>>) target_semaphore(%run_scoped3A : memref<!tpu.dma_semaphore, #tpu.memory_space<semaphore_mem>>)
      %dma_wait3A = arith.constant 0 : i32
      %dma_wait3A_32 = tpu.memref_slice %arg5[%arg0, %mul3A_26, %dma_wait3A] : memref<2x10240x128xf32, #tpu.memory_space<hbm>> -> memref<1x640x128xf32, #tpu.memory_space<hbm>>
      %dma_wait3A_33 = tpu.memref_squeeze %dma_wait3A_32 : memref<1x640x128xf32, #tpu.memory_space<hbm>> -> memref<640x128xf32, #tpu.memory_space<hbm>>
      %dma_wait3A_34 = arith.constant 0 : i32
      %dma_wait3A_35 = tpu.memref_slice %arg10[%mul3A_24, %dma_wait3A_34] : memref<10240x128xf32, #tpu.memory_space<vmem_shared>> -> memref<640x128xf32, #tpu.memory_space<vmem_shared>>
      tpu.wait_dma2 semaphore(%run_scoped3A : memref<!tpu.dma_semaphore, #tpu.memory_space<semaphore_mem>>) src(%dma_wait3A_35 : memref<640x128xf32, #tpu.memory_space<vmem_shared>>) dst(%dma_wait3A_33 : memref<640x128xf32, #tpu.memory_space<hbm>>)
      tpu.yield
    }) : () -> ()
    return
  }
}

#map = affine_map<(d0, d1) -> (0, 0)>
#map1 = affine_map<(d0, d1) -> (0, 0, 0, 0)>
#map2 = affine_map<(d0, d1) -> (0, 0, 0)>
module attributes {stable_mosaic.version = 14 : i64} {
  func.func @_segsum_body(%arg0: i32, %arg1: i32, %arg2: memref<10000x128xf32, #tpu.memory_space<hbm>>, %arg3: memref<2x16x40x128xi32, #tpu.memory_space<hbm>>, %arg4: memref<2x16x40x128xi32, #tpu.memory_space<hbm>>, %arg5: memref<2x10240x128xf32, #tpu.memory_space<hbm>>, %arg6: memref<40x128xi32, #tpu.memory_space<vmem>>, %arg7: memref<40x128xi32, #tpu.memory_space<vmem>>, %arg8: memref<128x128xf32, #tpu.memory_space<vmem>>, %arg9: memref<128x128xf32, #tpu.memory_space<vmem>>, %arg10: memref<10240x128xf32, #tpu.memory_space<vmem_shared>>, %arg11: memref<!tpu.dma_semaphore, #tpu.memory_space<semaphore_mem>>, %arg12: memref<!tpu.dma_semaphore, #tpu.memory_space<semaphore_mem>>) attributes {dimension_semantics = [#tpu.dimension_semantics<core_parallel>, #tpu.dimension_semantics<subcore_parallel>], iteration_bounds = array<i64: 2, 16>, scalar_prefetch = 0 : i64, scratch_operands = 7 : i64, tpu.core_type = #tpu.core_type<sc_vector_subcore>, window_params = [{transform_indices = #map}, {transform_indices = #map1}, {transform_indices = #map1}, {transform_indices = #map2}]} {
    %scan3A = arith.constant 0 : i32
    %scan3A_0 = arith.constant 0 : i32
    %scan3A_1 = arith.constant 128 : i32
    %scan3A_2 = arith.addi %scan3A_0, %scan3A_1 : i32
    %scan3A_3 = arith.constant 1 : i32
    scf.for %scan3A_27 = %scan3A_0 to %scan3A_2 step %scan3A_3  : i32 {
      %broadcast_in_dim3A = arith.constant 0.000000e+00 : f32
      %broadcast_in_dim3A_28 = vector.broadcast %broadcast_in_dim3A : f32 to vector<16xf32>
      %swap3A = arith.index_cast %scan3A_27 : i32 to index
      %swap3A_29 = arith.constant 0 : index
      %swap3A_30 = tpu.vector_load %arg8[%swap3A, %swap3A_29] {strides = array<i32>} : memref<128x128xf32, #tpu.memory_space<vmem>>, vector<1x16xf32>,
      %swap3A_31 = vector.shape_cast %swap3A_30 : vector<1x16xf32> to vector<16xf32>
      %swap3A_32 = vector.shape_cast %broadcast_in_dim3A_28 : vector<16xf32> to vector<1x16xf32>
      tpu.vector_store %arg8[%swap3A, %swap3A_29], %swap3A_32 {strides = array<i32>} : memref<128x128xf32, #tpu.memory_space<vmem>>, vector<1x16xf32>,
      %broadcast_in_dim3A_33 = arith.constant 0.000000e+00 : f32
      %broadcast_in_dim3A_34 = vector.broadcast %broadcast_in_dim3A_33 : f32 to vector<16xf32>
      %swap3A_35 = arith.index_cast %scan3A_27 : i32 to index
      %swap3A_36 = arith.constant 16 : index
      %swap3A_37 = tpu.vector_load %arg8[%swap3A_35, %swap3A_36] {strides = array<i32>} : memref<128x128xf32, #tpu.memory_space<vmem>>, vector<1x16xf32>,
      %swap3A_38 = vector.shape_cast %swap3A_37 : vector<1x16xf32> to vector<16xf32>
      %swap3A_39 = vector.shape_cast %broadcast_in_dim3A_34 : vector<16xf32> to vector<1x16xf32>
      tpu.vector_store %arg8[%swap3A_35, %swap3A_36], %swap3A_39 {strides = array<i32>} : memref<128x128xf32, #tpu.memory_space<vmem>>, vector<1x16xf32>,
      %broadcast_in_dim3A_40 = arith.constant 0.000000e+00 : f32
      %broadcast_in_dim3A_41 = vector.broadcast %broadcast_in_dim3A_40 : f32 to vector<16xf32>
      %swap3A_42 = arith.index_cast %scan3A_27 : i32 to index
      %swap3A_43 = arith.constant 32 : index
      %swap3A_44 = tpu.vector_load %arg8[%swap3A_42, %swap3A_43] {strides = array<i32>} : memref<128x128xf32, #tpu.memory_space<vmem>>, vector<1x16xf32>,
      %swap3A_45 = vector.shape_cast %swap3A_44 : vector<1x16xf32> to vector<16xf32>
      %swap3A_46 = vector.shape_cast %broadcast_in_dim3A_41 : vector<16xf32> to vector<1x16xf32>
      tpu.vector_store %arg8[%swap3A_42, %swap3A_43], %swap3A_46 {strides = array<i32>} : memref<128x128xf32, #tpu.memory_space<vmem>>, vector<1x16xf32>,
      %broadcast_in_dim3A_47 = arith.constant 0.000000e+00 : f32
      %broadcast_in_dim3A_48 = vector.broadcast %broadcast_in_dim3A_47 : f32 to vector<16xf32>
      %swap3A_49 = arith.index_cast %scan3A_27 : i32 to index
      %swap3A_50 = arith.constant 48 : index
      %swap3A_51 = tpu.vector_load %arg8[%swap3A_49, %swap3A_50] {strides = array<i32>} : memref<128x128xf32, #tpu.memory_space<vmem>>, vector<1x16xf32>,
      %swap3A_52 = vector.shape_cast %swap3A_51 : vector<1x16xf32> to vector<16xf32>
      %swap3A_53 = vector.shape_cast %broadcast_in_dim3A_48 : vector<16xf32> to vector<1x16xf32>
      tpu.vector_store %arg8[%swap3A_49, %swap3A_50], %swap3A_53 {strides = array<i32>} : memref<128x128xf32, #tpu.memory_space<vmem>>, vector<1x16xf32>,
      %broadcast_in_dim3A_54 = arith.constant 0.000000e+00 : f32
      %broadcast_in_dim3A_55 = vector.broadcast %broadcast_in_dim3A_54 : f32 to vector<16xf32>
      %swap3A_56 = arith.index_cast %scan3A_27 : i32 to index
      %swap3A_57 = arith.constant 64 : index
      %swap3A_58 = tpu.vector_load %arg8[%swap3A_56, %swap3A_57] {strides = array<i32>} : memref<128x128xf32, #tpu.memory_space<vmem>>, vector<1x16xf32>,
      %swap3A_59 = vector.shape_cast %swap3A_58 : vector<1x16xf32> to vector<16xf32>
      %swap3A_60 = vector.shape_cast %broadcast_in_dim3A_55 : vector<16xf32> to vector<1x16xf32>
      tpu.vector_store %arg8[%swap3A_56, %swap3A_57], %swap3A_60 {strides = array<i32>} : memref<128x128xf32, #tpu.memory_space<vmem>>, vector<1x16xf32>,
      %broadcast_in_dim3A_61 = arith.constant 0.000000e+00 : f32
      %broadcast_in_dim3A_62 = vector.broadcast %broadcast_in_dim3A_61 : f32 to vector<16xf32>
      %swap3A_63 = arith.index_cast %scan3A_27 : i32 to index
      %swap3A_64 = arith.constant 80 : index
      %swap3A_65 = tpu.vector_load %arg8[%swap3A_63, %swap3A_64] {strides = array<i32>} : memref<128x128xf32, #tpu.memory_space<vmem>>, vector<1x16xf32>,
      %swap3A_66 = vector.shape_cast %swap3A_65 : vector<1x16xf32> to vector<16xf32>
      %swap3A_67 = vector.shape_cast %broadcast_in_dim3A_62 : vector<16xf32> to vector<1x16xf32>
      tpu.vector_store %arg8[%swap3A_63, %swap3A_64], %swap3A_67 {strides = array<i32>} : memref<128x128xf32, #tpu.memory_space<vmem>>, vector<1x16xf32>,
      %broadcast_in_dim3A_68 = arith.constant 0.000000e+00 : f32
      %broadcast_in_dim3A_69 = vector.broadcast %broadcast_in_dim3A_68 : f32 to vector<16xf32>
      %swap3A_70 = arith.index_cast %scan3A_27 : i32 to index
      %swap3A_71 = arith.constant 96 : index
      %swap3A_72 = tpu.vector_load %arg8[%swap3A_70, %swap3A_71] {strides = array<i32>} : memref<128x128xf32, #tpu.memory_space<vmem>>, vector<1x16xf32>,
      %swap3A_73 = vector.shape_cast %swap3A_72 : vector<1x16xf32> to vector<16xf32>
      %swap3A_74 = vector.shape_cast %broadcast_in_dim3A_69 : vector<16xf32> to vector<1x16xf32>
      tpu.vector_store %arg8[%swap3A_70, %swap3A_71], %swap3A_74 {strides = array<i32>} : memref<128x128xf32, #tpu.memory_space<vmem>>, vector<1x16xf32>,
      %broadcast_in_dim3A_75 = arith.constant 0.000000e+00 : f32
      %broadcast_in_dim3A_76 = vector.broadcast %broadcast_in_dim3A_75 : f32 to vector<16xf32>
      %swap3A_77 = arith.index_cast %scan3A_27 : i32 to index
      %swap3A_78 = arith.constant 112 : index
      %swap3A_79 = tpu.vector_load %arg8[%swap3A_77, %swap3A_78] {strides = array<i32>} : memref<128x128xf32, #tpu.memory_space<vmem>>, vector<1x16xf32>,
      %swap3A_80 = vector.shape_cast %swap3A_79 : vector<1x16xf32> to vector<16xf32>
      %swap3A_81 = vector.shape_cast %broadcast_in_dim3A_76 : vector<16xf32> to vector<1x16xf32>
      tpu.vector_store %arg8[%swap3A_77, %swap3A_78], %swap3A_81 {strides = array<i32>} : memref<128x128xf32, #tpu.memory_space<vmem>>, vector<1x16xf32>,
    }
    %scan3A_4 = arith.constant 128 : i32
    %scan3A_5 = arith.constant 0 : i32
    %scan3A_6 = arith.constant 0 : i32
    %scan3A_7 = arith.constant 5 : i32
    %scan3A_8 = arith.addi %scan3A_6, %scan3A_7 : i32
    %scan3A_9 = arith.constant 1 : i32
    scf.for %scan3A_27 = %scan3A_6 to %scan3A_8 step %scan3A_9  : i32 {
      %mul3A_28 = arith.constant 640 : i32
      %mul3A_29 = arith.muli %arg1, %mul3A_28 : i32
      %mul3A_30 = arith.constant 128 : i32
      %mul3A_31 = arith.muli %scan3A_27, %mul3A_30 : i32
      %add3A = arith.addi %mul3A_29, %mul3A_31 : i32
      "tpu.region"() ({
        %run_scoped3A = tpu.sem_alloc : memref<!tpu.dma_semaphore, #tpu.memory_space<semaphore_mem>>
        %dma_start3A_32 = arith.constant 0 : i32
        %dma_start3A_33 = tpu.memref_slice %arg10[%add3A, %dma_start3A_32] : memref<10240x128xf32, #tpu.memory_space<vmem_shared>> -> memref<128x128xf32, #tpu.memory_space<vmem_shared>>
        %dma_start3A_34 = arith.constant 0 : i32
        %dma_start3A_35 = tpu.memref_slice %arg10[%add3A, %dma_start3A_34] : memref<10240x128xf32, #tpu.memory_space<vmem_shared>> -> memref<128x128xf32, #tpu.memory_space<vmem_shared>>
        tpu.enqueue_dma source(%arg8 : memref<128x128xf32, #tpu.memory_space<vmem>>) target(%dma_start3A_35 : memref<128x128xf32, #tpu.memory_space<vmem_shared>>) target_semaphore(%run_scoped3A : memref<!tpu.dma_semaphore, #tpu.memory_space<semaphore_mem>>)
        %dma_wait3A = arith.constant 0 : i32
        %dma_wait3A_36 = tpu.memref_slice %arg10[%add3A, %dma_wait3A] : memref<10240x128xf32, #tpu.memory_space<vmem_shared>> -> memref<128x128xf32, #tpu.memory_space<vmem_shared>>
        %dma_wait3A_37 = arith.constant 0 : i32
        %dma_wait3A_38 = tpu.memref_slice %arg10[%add3A, %dma_wait3A_37] : memref<10240x128xf32, #tpu.memory_space<vmem_shared>> -> memref<128x128xf32, #tpu.memory_space<vmem_shared>>
        tpu.wait_dma2 semaphore(%run_scoped3A : memref<!tpu.dma_semaphore, #tpu.memory_space<semaphore_mem>>) src(%arg8 : memref<128x128xf32, #tpu.memory_space<vmem>>) dst(%dma_wait3A_38 : memref<128x128xf32, #tpu.memory_space<vmem_shared>>)
        tpu.yield
      }) : () -> ()
    }
    %scan3A_10 = arith.constant 5 : i32
    %barrier3A = arith.constant 0 : index
    tpu.barrier barrier_id(%barrier3A)
    "tpu.region"() ({
      %run_scoped3A = tpu.sem_alloc : memref<!tpu.dma_semaphore, #tpu.memory_space<semaphore_mem>>
      %dma_start3A_27 = arith.constant 0 : i32
      %dma_start3A_28 = arith.constant 0 : i32
      %dma_start3A_29 = tpu.memref_slice %arg3[%arg0, %arg1, %dma_start3A_27, %dma_start3A_28] : memref<2x16x40x128xi32, #tpu.memory_space<hbm>> -> memref<1x1x40x128xi32, #tpu.memory_space<hbm>>
      %dma_start3A_30 = tpu.memref_squeeze %dma_start3A_29 : memref<1x1x40x128xi32, #tpu.memory_space<hbm>> -> memref<40x128xi32, #tpu.memory_space<hbm>>
      %dma_start3A_31 = arith.constant 0 : i32
      %dma_start3A_32 = arith.constant 0 : i32
      %dma_start3A_33 = tpu.memref_slice %arg3[%arg0, %arg1, %dma_start3A_31, %dma_start3A_32] : memref<2x16x40x128xi32, #tpu.memory_space<hbm>> -> memref<1x1x40x128xi32, #tpu.memory_space<hbm>>
      %dma_start3A_34 = tpu.memref_squeeze %dma_start3A_33 : memref<1x1x40x128xi32, #tpu.memory_space<hbm>> -> memref<40x128xi32, #tpu.memory_space<hbm>>
      tpu.enqueue_dma source(%dma_start3A_34 : memref<40x128xi32, #tpu.memory_space<hbm>>) target(%arg6 : memref<40x128xi32, #tpu.memory_space<vmem>>) target_semaphore(%run_scoped3A : memref<!tpu.dma_semaphore, #tpu.memory_space<semaphore_mem>>)
      %dma_wait3A = arith.constant 0 : i32
      %dma_wait3A_35 = arith.constant 0 : i32
      %dma_wait3A_36 = tpu.memref_slice %arg3[%arg0, %arg1, %dma_wait3A, %dma_wait3A_35] : memref<2x16x40x128xi32, #tpu.memory_space<hbm>> -> memref<1x1x40x128xi32, #tpu.memory_space<hbm>>
      %dma_wait3A_37 = tpu.memref_squeeze %dma_wait3A_36 : memref<1x1x40x128xi32, #tpu.memory_space<hbm>> -> memref<40x128xi32, #tpu.memory_space<hbm>>
      %dma_wait3A_38 = arith.constant 0 : i32
      %dma_wait3A_39 = arith.constant 0 : i32
      %dma_wait3A_40 = tpu.memref_slice %arg3[%arg0, %arg1, %dma_wait3A_38, %dma_wait3A_39] : memref<2x16x40x128xi32, #tpu.memory_space<hbm>> -> memref<1x1x40x128xi32, #tpu.memory_space<hbm>>
      %dma_wait3A_41 = tpu.memref_squeeze %dma_wait3A_40 : memref<1x1x40x128xi32, #tpu.memory_space<hbm>> -> memref<40x128xi32, #tpu.memory_space<hbm>>
      tpu.wait_dma2 semaphore(%run_scoped3A : memref<!tpu.dma_semaphore, #tpu.memory_space<semaphore_mem>>) src(%dma_wait3A_41 : memref<40x128xi32, #tpu.memory_space<hbm>>) dst(%arg6 : memref<40x128xi32, #tpu.memory_space<vmem>>)
      tpu.yield
    }) : () -> ()
    "tpu.region"() ({
      %run_scoped3A = tpu.sem_alloc : memref<!tpu.dma_semaphore, #tpu.memory_space<semaphore_mem>>
      %dma_start3A_27 = arith.constant 0 : i32
      %dma_start3A_28 = arith.constant 0 : i32
      %dma_start3A_29 = tpu.memref_slice %arg4[%arg0, %arg1, %dma_start3A_27, %dma_start3A_28] : memref<2x16x40x128xi32, #tpu.memory_space<hbm>> -> memref<1x1x40x128xi32, #tpu.memory_space<hbm>>
      %dma_start3A_30 = tpu.memref_squeeze %dma_start3A_29 : memref<1x1x40x128xi32, #tpu.memory_space<hbm>> -> memref<40x128xi32, #tpu.memory_space<hbm>>
      %dma_start3A_31 = arith.constant 0 : i32
      %dma_start3A_32 = arith.constant 0 : i32
      %dma_start3A_33 = tpu.memref_slice %arg4[%arg0, %arg1, %dma_start3A_31, %dma_start3A_32] : memref<2x16x40x128xi32, #tpu.memory_space<hbm>> -> memref<1x1x40x128xi32, #tpu.memory_space<hbm>>
      %dma_start3A_34 = tpu.memref_squeeze %dma_start3A_33 : memref<1x1x40x128xi32, #tpu.memory_space<hbm>> -> memref<40x128xi32, #tpu.memory_space<hbm>>
      tpu.enqueue_dma source(%dma_start3A_34 : memref<40x128xi32, #tpu.memory_space<hbm>>) target(%arg7 : memref<40x128xi32, #tpu.memory_space<vmem>>) target_semaphore(%run_scoped3A : memref<!tpu.dma_semaphore, #tpu.memory_space<semaphore_mem>>)
      %dma_wait3A = arith.constant 0 : i32
      %dma_wait3A_35 = arith.constant 0 : i32
      %dma_wait3A_36 = tpu.memref_slice %arg4[%arg0, %arg1, %dma_wait3A, %dma_wait3A_35] : memref<2x16x40x128xi32, #tpu.memory_space<hbm>> -> memref<1x1x40x128xi32, #tpu.memory_space<hbm>>
      %dma_wait3A_37 = tpu.memref_squeeze %dma_wait3A_36 : memref<1x1x40x128xi32, #tpu.memory_space<hbm>> -> memref<40x128xi32, #tpu.memory_space<hbm>>
      %dma_wait3A_38 = arith.constant 0 : i32
      %dma_wait3A_39 = arith.constant 0 : i32
      %dma_wait3A_40 = tpu.memref_slice %arg4[%arg0, %arg1, %dma_wait3A_38, %dma_wait3A_39] : memref<2x16x40x128xi32, #tpu.memory_space<hbm>> -> memref<1x1x40x128xi32, #tpu.memory_space<hbm>>
      %dma_wait3A_41 = tpu.memref_squeeze %dma_wait3A_40 : memref<1x1x40x128xi32, #tpu.memory_space<hbm>> -> memref<40x128xi32, #tpu.memory_space<hbm>>
      tpu.wait_dma2 semaphore(%run_scoped3A : memref<!tpu.dma_semaphore, #tpu.memory_space<semaphore_mem>>) src(%dma_wait3A_41 : memref<40x128xi32, #tpu.memory_space<hbm>>) dst(%arg7 : memref<40x128xi32, #tpu.memory_space<vmem>>)
      tpu.yield
    }) : () -> ()
    %dma_start3A = arith.constant 0 : i32
    %dma_start3A_11 = arith.constant 0 : i32
    %dma_start3A_12 = tpu.memref_slice %arg6[%dma_start3A, %dma_start3A_11] : memref<40x128xi32, #tpu.memory_space<vmem>> -> memref<1x128xi32, #tpu.memory_space<vmem>>
    %dma_start3A_13 = tpu.memref_squeeze %dma_start3A_12 : memref<1x128xi32, #tpu.memory_space<vmem>> -> memref<128xi32, #tpu.memory_space<vmem>>
    %dma_start3A_14 = arith.constant 0 : i32
    %dma_start3A_15 = arith.constant 0 : i32
    %dma_start3A_16 = tpu.memref_slice %arg2[%dma_start3A_14, %dma_start3A_15] : memref<10000x128xf32, #tpu.memory_space<hbm>> -> memref<10000x128xf32, #tpu.memory_space<hbm>>
    tpu.enqueue_indirect_dma source(%dma_start3A_16 : memref<10000x128xf32, #tpu.memory_space<hbm>>) target(%arg8 : memref<128x128xf32, #tpu.memory_space<vmem>>) offsets(%dma_start3A_13 : memref<128xi32, #tpu.memory_space<vmem>>) semaphore(%arg11 : memref<!tpu.dma_semaphore, #tpu.memory_space<semaphore_mem>>)
    %scan3A_17 = arith.constant 0 : i32
    %scan3A_18 = arith.constant 0 : i32
    %scan3A_19 = arith.constant 20 : i32
    %scan3A_20 = arith.addi %scan3A_18, %scan3A_19 : i32
    %scan3A_21 = arith.constant 1 : i32
    scf.for %scan3A_27 = %scan3A_18 to %scan3A_20 step %scan3A_21  : i32 {
      %mul3A_28 = arith.constant 2 : i32
      %mul3A_29 = arith.muli %mul3A_28, %scan3A_27 : i32
      %add3A = arith.constant 1 : i32
      %add3A_30 = arith.addi %mul3A_29, %add3A : i32
      %dma_start3A_31 = arith.constant 0 : i32
      %dma_start3A_32 = tpu.memref_slice %arg6[%add3A_30, %dma_start3A_31] : memref<40x128xi32, #tpu.memory_space<vmem>> -> memref<1x128xi32, #tpu.memory_space<vmem>>
      %dma_start3A_33 = tpu.memref_squeeze %dma_start3A_32 : memref<1x128xi32, #tpu.memory_space<vmem>> -> memref<128xi32, #tpu.memory_space<vmem>>
      %dma_start3A_34 = arith.constant 0 : i32
      %dma_start3A_35 = arith.constant 0 : i32
      %dma_start3A_36 = tpu.memref_slice %arg2[%dma_start3A_34, %dma_start3A_35] : memref<10000x128xf32, #tpu.memory_space<hbm>> -> memref<10000x128xf32, #tpu.memory_space<hbm>>
      tpu.enqueue_indirect_dma source(%dma_start3A_36 : memref<10000x128xf32, #tpu.memory_space<hbm>>) target(%arg9 : memref<128x128xf32, #tpu.memory_space<vmem>>) offsets(%dma_start3A_33 : memref<128xi32, #tpu.memory_space<vmem>>) semaphore(%arg12 : memref<!tpu.dma_semaphore, #tpu.memory_space<semaphore_mem>>)
      %dma_wait3A = arith.constant 0 : i32
      %dma_wait3A_37 = arith.constant 0 : i32
      %dma_wait3A_38 = tpu.memref_slice %arg6[%dma_wait3A, %dma_wait3A_37] : memref<40x128xi32, #tpu.memory_space<vmem>> -> memref<1x128xi32, #tpu.memory_space<vmem>>
      %dma_wait3A_39 = tpu.memref_squeeze %dma_wait3A_38 : memref<1x128xi32, #tpu.memory_space<vmem>> -> memref<128xi32, #tpu.memory_space<vmem>>
      %dma_wait3A_40 = arith.constant 0 : i32
      %dma_wait3A_41 = arith.constant 0 : i32
      %dma_wait3A_42 = tpu.memref_slice %arg2[%dma_wait3A_40, %dma_wait3A_41] : memref<10000x128xf32, #tpu.memory_space<hbm>> -> memref<10000x128xf32, #tpu.memory_space<hbm>>
      tpu.wait_indirect_dma semaphore(%arg11 : memref<!tpu.dma_semaphore, #tpu.memory_space<semaphore_mem>>) src(%dma_wait3A_42 : memref<10000x128xf32, #tpu.memory_space<hbm>>) dst(%arg8 : memref<128x128xf32, #tpu.memory_space<vmem>>)
      "tpu.region"() ({
        %run_scoped3A = tpu.sem_alloc : memref<!tpu.dma_semaphore, #tpu.memory_space<semaphore_mem>>
        %dma_start3A_53 = arith.constant 0 : i32
        %dma_start3A_54 = tpu.memref_slice %arg7[%mul3A_29, %dma_start3A_53] : memref<40x128xi32, #tpu.memory_space<vmem>> -> memref<1x128xi32, #tpu.memory_space<vmem>>
        %dma_start3A_55 = tpu.memref_squeeze %dma_start3A_54 : memref<1x128xi32, #tpu.memory_space<vmem>> -> memref<128xi32, #tpu.memory_space<vmem>>
        %dma_start3A_56 = arith.constant 0 : i32
        %dma_start3A_57 = arith.constant 0 : i32
        %dma_start3A_58 = tpu.memref_slice %arg10[%dma_start3A_56, %dma_start3A_57] : memref<10240x128xf32, #tpu.memory_space<vmem_shared>> -> memref<10240x128xf32, #tpu.memory_space<vmem_shared>>
        tpu.enqueue_indirect_dma source(%arg8 : memref<128x128xf32, #tpu.memory_space<vmem>>) target(%dma_start3A_58 : memref<10240x128xf32, #tpu.memory_space<vmem_shared>>) offsets(%dma_start3A_55 : memref<128xi32, #tpu.memory_space<vmem>>) semaphore(%run_scoped3A : memref<!tpu.dma_semaphore, #tpu.memory_space<semaphore_mem>>) {add = true}
        %dma_wait3A_59 = arith.constant 0 : i32
        %dma_wait3A_60 = tpu.memref_slice %arg7[%mul3A_29, %dma_wait3A_59] : memref<40x128xi32, #tpu.memory_space<vmem>> -> memref<1x128xi32, #tpu.memory_space<vmem>>
        %dma_wait3A_61 = tpu.memref_squeeze %dma_wait3A_60 : memref<1x128xi32, #tpu.memory_space<vmem>> -> memref<128xi32, #tpu.memory_space<vmem>>
        %dma_wait3A_62 = arith.constant 0 : i32
        %dma_wait3A_63 = arith.constant 0 : i32
        %dma_wait3A_64 = tpu.memref_slice %arg10[%dma_wait3A_62, %dma_wait3A_63] : memref<10240x128xf32, #tpu.memory_space<vmem_shared>> -> memref<10240x128xf32, #tpu.memory_space<vmem_shared>>
        tpu.wait_indirect_dma semaphore(%run_scoped3A : memref<!tpu.dma_semaphore, #tpu.memory_space<semaphore_mem>>) src(%arg8 : memref<128x128xf32, #tpu.memory_space<vmem>>) dst(%dma_wait3A_64 : memref<10240x128xf32, #tpu.memory_space<vmem_shared>>)
        tpu.yield
      }) : () -> ()
      %lt3A = arith.constant 19 : i32
      %lt3A_43 = arith.cmpi slt, %scan3A_27, %lt3A : i32
      %convert_element_type3A = arith.extui %lt3A_43 : i1 to i32
      %cond3A = arith.constant 0 : i32
      %cond3A_44 = arith.cmpi ne, %convert_element_type3A, %cond3A : i32
      scf.if %cond3A_44 {
        %add3A_53 = arith.constant 2 : i32
        %add3A_54 = arith.addi %mul3A_29, %add3A_53 : i32
        %dma_start3A_55 = arith.constant 0 : i32
        %dma_start3A_56 = tpu.memref_slice %arg6[%add3A_54, %dma_start3A_55] : memref<40x128xi32, #tpu.memory_space<vmem>> -> memref<1x128xi32, #tpu.memory_space<vmem>>
        %dma_start3A_57 = tpu.memref_squeeze %dma_start3A_56 : memref<1x128xi32, #tpu.memory_space<vmem>> -> memref<128xi32, #tpu.memory_space<vmem>>
        %dma_start3A_58 = arith.constant 0 : i32
        %dma_start3A_59 = arith.constant 0 : i32
        %dma_start3A_60 = tpu.memref_slice %arg2[%dma_start3A_58, %dma_start3A_59] : memref<10000x128xf32, #tpu.memory_space<hbm>> -> memref<10000x128xf32, #tpu.memory_space<hbm>>
        tpu.enqueue_indirect_dma source(%dma_start3A_60 : memref<10000x128xf32, #tpu.memory_space<hbm>>) target(%arg8 : memref<128x128xf32, #tpu.memory_space<vmem>>) offsets(%dma_start3A_57 : memref<128xi32, #tpu.memory_space<vmem>>) semaphore(%arg11 : memref<!tpu.dma_semaphore, #tpu.memory_space<semaphore_mem>>)
      } else {
      }
      %dma_wait3A_45 = arith.constant 0 : i32
      %dma_wait3A_46 = tpu.memref_slice %arg6[%add3A_30, %dma_wait3A_45] : memref<40x128xi32, #tpu.memory_space<vmem>> -> memref<1x128xi32, #tpu.memory_space<vmem>>
      %dma_wait3A_47 = tpu.memref_squeeze %dma_wait3A_46 : memref<1x128xi32, #tpu.memory_space<vmem>> -> memref<128xi32, #tpu.memory_space<vmem>>
      %dma_wait3A_48 = arith.constant 0 : i32
      %dma_wait3A_49 = arith.constant 0 : i32
      %dma_wait3A_50 = tpu.memref_slice %arg2[%dma_wait3A_48, %dma_wait3A_49] : memref<10000x128xf32, #tpu.memory_space<hbm>> -> memref<10000x128xf32, #tpu.memory_space<hbm>>
      tpu.wait_indirect_dma semaphore(%arg12 : memref<!tpu.dma_semaphore, #tpu.memory_space<semaphore_mem>>) src(%dma_wait3A_50 : memref<10000x128xf32, #tpu.memory_space<hbm>>) dst(%arg9 : memref<128x128xf32, #tpu.memory_space<vmem>>)
      %add3A_51 = arith.constant 1 : i32
      %add3A_52 = arith.addi %mul3A_29, %add3A_51 : i32
      "tpu.region"() ({
        %run_scoped3A = tpu.sem_alloc : memref<!tpu.dma_semaphore, #tpu.memory_space<semaphore_mem>>
        %dma_start3A_53 = arith.constant 0 : i32
        %dma_start3A_54 = tpu.memref_slice %arg7[%add3A_52, %dma_start3A_53] : memref<40x128xi32, #tpu.memory_space<vmem>> -> memref<1x128xi32, #tpu.memory_space<vmem>>
        %dma_start3A_55 = tpu.memref_squeeze %dma_start3A_54 : memref<1x128xi32, #tpu.memory_space<vmem>> -> memref<128xi32, #tpu.memory_space<vmem>>
        %dma_start3A_56 = arith.constant 0 : i32
        %dma_start3A_57 = arith.constant 0 : i32
        %dma_start3A_58 = tpu.memref_slice %arg10[%dma_start3A_56, %dma_start3A_57] : memref<10240x128xf32, #tpu.memory_space<vmem_shared>> -> memref<10240x128xf32, #tpu.memory_space<vmem_shared>>
        tpu.enqueue_indirect_dma source(%arg9 : memref<128x128xf32, #tpu.memory_space<vmem>>) target(%dma_start3A_58 : memref<10240x128xf32, #tpu.memory_space<vmem_shared>>) offsets(%dma_start3A_55 : memref<128xi32, #tpu.memory_space<vmem>>) semaphore(%run_scoped3A : memref<!tpu.dma_semaphore, #tpu.memory_space<semaphore_mem>>) {add = true}
        %dma_wait3A_59 = arith.constant 0 : i32
        %dma_wait3A_60 = tpu.memref_slice %arg7[%add3A_52, %dma_wait3A_59] : memref<40x128xi32, #tpu.memory_space<vmem>> -> memref<1x128xi32, #tpu.memory_space<vmem>>
        %dma_wait3A_61 = tpu.memref_squeeze %dma_wait3A_60 : memref<1x128xi32, #tpu.memory_space<vmem>> -> memref<128xi32, #tpu.memory_space<vmem>>
        %dma_wait3A_62 = arith.constant 0 : i32
        %dma_wait3A_63 = arith.constant 0 : i32
        %dma_wait3A_64 = tpu.memref_slice %arg10[%dma_wait3A_62, %dma_wait3A_63] : memref<10240x128xf32, #tpu.memory_space<vmem_shared>> -> memref<10240x128xf32, #tpu.memory_space<vmem_shared>>
        tpu.wait_indirect_dma semaphore(%run_scoped3A : memref<!tpu.dma_semaphore, #tpu.memory_space<semaphore_mem>>) src(%arg9 : memref<128x128xf32, #tpu.memory_space<vmem>>) dst(%dma_wait3A_64 : memref<10240x128xf32, #tpu.memory_space<vmem_shared>>)
        tpu.yield
      }) : () -> ()
    }
    %scan3A_22 = arith.constant 20 : i32
    %barrier3A_23 = arith.constant 0 : index
    tpu.barrier barrier_id(%barrier3A_23)
    %mul3A = arith.constant 640 : i32
    %mul3A_24 = arith.muli %arg1, %mul3A : i32
    %mul3A_25 = arith.constant 640 : i32
    %mul3A_26 = arith.muli %arg1, %mul3A_25 : i32
    "tpu.region"() ({
      %run_scoped3A = tpu.sem_alloc : memref<!tpu.dma_semaphore, #tpu.memory_space<semaphore_mem>>
      %dma_start3A_27 = arith.constant 0 : i32
      %dma_start3A_28 = tpu.memref_slice %arg5[%arg0, %mul3A_26, %dma_start3A_27] : memref<2x10240x128xf32, #tpu.memory_space<hbm>> -> memref<1x640x128xf32, #tpu.memory_space<hbm>>
      %dma_start3A_29 = tpu.memref_squeeze %dma_start3A_28 : memref<1x640x128xf32, #tpu.memory_space<hbm>> -> memref<640x128xf32, #tpu.memory_space<hbm>>
      %dma_start3A_30 = arith.constant 0 : i32
      %dma_start3A_31 = tpu.memref_slice %arg10[%mul3A_24, %dma_start3A_30] : memref<10240x128xf32, #tpu.memory_space<vmem_shared>> -> memref<640x128xf32, #tpu.memory_space<vmem_shared>>
      tpu.enqueue_dma source(%dma_start3A_31 : memref<640x128xf32, #tpu.memory_space<vmem_shared>>) target(%dma_start3A_29 : memref<640x128xf32, #tpu.memory_space<hbm>>) target_semaphore(%run_scoped3A : memref<!tpu.dma_semaphore, #tpu.memory_space<semaphore_mem>>)
      %dma_wait3A = arith.constant 0 : i32
      %dma_wait3A_32 = tpu.memref_slice %arg5[%arg0, %mul3A_26, %dma_wait3A] : memref<2x10240x128xf32, #tpu.memory_space<hbm>> -> memref<1x640x128xf32, #tpu.memory_space<hbm>>
      %dma_wait3A_33 = tpu.memref_squeeze %dma_wait3A_32 : memref<1x640x128xf32, #tpu.memory_space<hbm>> -> memref<640x128xf32, #tpu.memory_space<hbm>>
      %dma_wait3A_34 = arith.constant 0 : i32
      %dma_wait3A_35 = tpu.memref_slice %arg10[%mul3A_24, %dma_wait3A_34] : memref<10240x128xf32, #tpu.memory_space<vmem_shared>> -> memref<640x128xf32, #tpu.memory_space<vmem_shared>>
      tpu.wait_dma2 semaphore(%run_scoped3A : memref<!tpu.dma_semaphore, #tpu.memory_space<semaphore_mem>>) src(%dma_wait3A_35 : memref<640x128xf32, #tpu.memory_space<vmem_shared>>) dst(%dma_wait3A_33 : memref<640x128xf32, #tpu.memory_space<hbm>>)
      tpu.yield
    }) : () -> ()
    return
  }
}

#map = affine_map<(d0, d1) -> (0, 0)>
#map1 = affine_map<(d0, d1) -> (0, 0, 0, 0)>
#map2 = affine_map<(d0, d1) -> (0, 0, 0)>
module attributes {stable_mosaic.version = 14 : i64} {
  func.func @_segsum_body(%arg0: i32, %arg1: i32, %arg2: memref<10000x128xf32, #tpu.memory_space<hbm>>, %arg3: memref<2x16x40x128xi32, #tpu.memory_space<hbm>>, %arg4: memref<2x16x40x128xi32, #tpu.memory_space<hbm>>, %arg5: memref<2x10240x128xf32, #tpu.memory_space<hbm>>, %arg6: memref<40x128xi32, #tpu.memory_space<vmem>>, %arg7: memref<40x128xi32, #tpu.memory_space<vmem>>, %arg8: memref<128x128xf32, #tpu.memory_space<vmem>>, %arg9: memref<128x128xf32, #tpu.memory_space<vmem>>, %arg10: memref<10240x128xf32, #tpu.memory_space<vmem_shared>>, %arg11: memref<!tpu.dma_semaphore, #tpu.memory_space<semaphore_mem>>, %arg12: memref<!tpu.dma_semaphore, #tpu.memory_space<semaphore_mem>>) attributes {dimension_semantics = [#tpu.dimension_semantics<core_parallel>, #tpu.dimension_semantics<subcore_parallel>], iteration_bounds = array<i64: 2, 16>, scalar_prefetch = 0 : i64, scratch_operands = 7 : i64, tpu.core_type = #tpu.core_type<sc_vector_subcore>, window_params = [{transform_indices = #map}, {transform_indices = #map1}, {transform_indices = #map1}, {transform_indices = #map2}]} {
    %scan3A = arith.constant 0 : i32
    %scan3A_0 = arith.constant 0 : i32
    %scan3A_1 = arith.constant 128 : i32
    %scan3A_2 = arith.addi %scan3A_0, %scan3A_1 : i32
    %scan3A_3 = arith.constant 1 : i32
    scf.for %scan3A_27 = %scan3A_0 to %scan3A_2 step %scan3A_3  : i32 {
      %broadcast_in_dim3A = arith.constant 0.000000e+00 : f32
      %broadcast_in_dim3A_28 = vector.broadcast %broadcast_in_dim3A : f32 to vector<16xf32>
      %swap3A = arith.index_cast %scan3A_27 : i32 to index
      %swap3A_29 = arith.constant 0 : index
      %swap3A_30 = tpu.vector_load %arg8[%swap3A, %swap3A_29] {strides = array<i32>} : memref<128x128xf32, #tpu.memory_space<vmem>>, vector<1x16xf32>,
      %swap3A_31 = vector.shape_cast %swap3A_30 : vector<1x16xf32> to vector<16xf32>
      %swap3A_32 = vector.shape_cast %broadcast_in_dim3A_28 : vector<16xf32> to vector<1x16xf32>
      tpu.vector_store %arg8[%swap3A, %swap3A_29], %swap3A_32 {strides = array<i32>} : memref<128x128xf32, #tpu.memory_space<vmem>>, vector<1x16xf32>,
      %broadcast_in_dim3A_33 = arith.constant 0.000000e+00 : f32
      %broadcast_in_dim3A_34 = vector.broadcast %broadcast_in_dim3A_33 : f32 to vector<16xf32>
      %swap3A_35 = arith.index_cast %scan3A_27 : i32 to index
      %swap3A_36 = arith.constant 16 : index
      %swap3A_37 = tpu.vector_load %arg8[%swap3A_35, %swap3A_36] {strides = array<i32>} : memref<128x128xf32, #tpu.memory_space<vmem>>, vector<1x16xf32>,
      %swap3A_38 = vector.shape_cast %swap3A_37 : vector<1x16xf32> to vector<16xf32>
      %swap3A_39 = vector.shape_cast %broadcast_in_dim3A_34 : vector<16xf32> to vector<1x16xf32>
      tpu.vector_store %arg8[%swap3A_35, %swap3A_36], %swap3A_39 {strides = array<i32>} : memref<128x128xf32, #tpu.memory_space<vmem>>, vector<1x16xf32>,
      %broadcast_in_dim3A_40 = arith.constant 0.000000e+00 : f32
      %broadcast_in_dim3A_41 = vector.broadcast %broadcast_in_dim3A_40 : f32 to vector<16xf32>
      %swap3A_42 = arith.index_cast %scan3A_27 : i32 to index
      %swap3A_43 = arith.constant 32 : index
      %swap3A_44 = tpu.vector_load %arg8[%swap3A_42, %swap3A_43] {strides = array<i32>} : memref<128x128xf32, #tpu.memory_space<vmem>>, vector<1x16xf32>,
      %swap3A_45 = vector.shape_cast %swap3A_44 : vector<1x16xf32> to vector<16xf32>
      %swap3A_46 = vector.shape_cast %broadcast_in_dim3A_41 : vector<16xf32> to vector<1x16xf32>
      tpu.vector_store %arg8[%swap3A_42, %swap3A_43], %swap3A_46 {strides = array<i32>} : memref<128x128xf32, #tpu.memory_space<vmem>>, vector<1x16xf32>,
      %broadcast_in_dim3A_47 = arith.constant 0.000000e+00 : f32
      %broadcast_in_dim3A_48 = vector.broadcast %broadcast_in_dim3A_47 : f32 to vector<16xf32>
      %swap3A_49 = arith.index_cast %scan3A_27 : i32 to index
      %swap3A_50 = arith.constant 48 : index
      %swap3A_51 = tpu.vector_load %arg8[%swap3A_49, %swap3A_50] {strides = array<i32>} : memref<128x128xf32, #tpu.memory_space<vmem>>, vector<1x16xf32>,
      %swap3A_52 = vector.shape_cast %swap3A_51 : vector<1x16xf32> to vector<16xf32>
      %swap3A_53 = vector.shape_cast %broadcast_in_dim3A_48 : vector<16xf32> to vector<1x16xf32>
      tpu.vector_store %arg8[%swap3A_49, %swap3A_50], %swap3A_53 {strides = array<i32>} : memref<128x128xf32, #tpu.memory_space<vmem>>, vector<1x16xf32>,
      %broadcast_in_dim3A_54 = arith.constant 0.000000e+00 : f32
      %broadcast_in_dim3A_55 = vector.broadcast %broadcast_in_dim3A_54 : f32 to vector<16xf32>
      %swap3A_56 = arith.index_cast %scan3A_27 : i32 to index
      %swap3A_57 = arith.constant 64 : index
      %swap3A_58 = tpu.vector_load %arg8[%swap3A_56, %swap3A_57] {strides = array<i32>} : memref<128x128xf32, #tpu.memory_space<vmem>>, vector<1x16xf32>,
      %swap3A_59 = vector.shape_cast %swap3A_58 : vector<1x16xf32> to vector<16xf32>
      %swap3A_60 = vector.shape_cast %broadcast_in_dim3A_55 : vector<16xf32> to vector<1x16xf32>
      tpu.vector_store %arg8[%swap3A_56, %swap3A_57], %swap3A_60 {strides = array<i32>} : memref<128x128xf32, #tpu.memory_space<vmem>>, vector<1x16xf32>,
      %broadcast_in_dim3A_61 = arith.constant 0.000000e+00 : f32
      %broadcast_in_dim3A_62 = vector.broadcast %broadcast_in_dim3A_61 : f32 to vector<16xf32>
      %swap3A_63 = arith.index_cast %scan3A_27 : i32 to index
      %swap3A_64 = arith.constant 80 : index
      %swap3A_65 = tpu.vector_load %arg8[%swap3A_63, %swap3A_64] {strides = array<i32>} : memref<128x128xf32, #tpu.memory_space<vmem>>, vector<1x16xf32>,
      %swap3A_66 = vector.shape_cast %swap3A_65 : vector<1x16xf32> to vector<16xf32>
      %swap3A_67 = vector.shape_cast %broadcast_in_dim3A_62 : vector<16xf32> to vector<1x16xf32>
      tpu.vector_store %arg8[%swap3A_63, %swap3A_64], %swap3A_67 {strides = array<i32>} : memref<128x128xf32, #tpu.memory_space<vmem>>, vector<1x16xf32>,
      %broadcast_in_dim3A_68 = arith.constant 0.000000e+00 : f32
      %broadcast_in_dim3A_69 = vector.broadcast %broadcast_in_dim3A_68 : f32 to vector<16xf32>
      %swap3A_70 = arith.index_cast %scan3A_27 : i32 to index
      %swap3A_71 = arith.constant 96 : index
      %swap3A_72 = tpu.vector_load %arg8[%swap3A_70, %swap3A_71] {strides = array<i32>} : memref<128x128xf32, #tpu.memory_space<vmem>>, vector<1x16xf32>,
      %swap3A_73 = vector.shape_cast %swap3A_72 : vector<1x16xf32> to vector<16xf32>
      %swap3A_74 = vector.shape_cast %broadcast_in_dim3A_69 : vector<16xf32> to vector<1x16xf32>
      tpu.vector_store %arg8[%swap3A_70, %swap3A_71], %swap3A_74 {strides = array<i32>} : memref<128x128xf32, #tpu.memory_space<vmem>>, vector<1x16xf32>,
      %broadcast_in_dim3A_75 = arith.constant 0.000000e+00 : f32
      %broadcast_in_dim3A_76 = vector.broadcast %broadcast_in_dim3A_75 : f32 to vector<16xf32>
      %swap3A_77 = arith.index_cast %scan3A_27 : i32 to index
      %swap3A_78 = arith.constant 112 : index
      %swap3A_79 = tpu.vector_load %arg8[%swap3A_77, %swap3A_78] {strides = array<i32>} : memref<128x128xf32, #tpu.memory_space<vmem>>, vector<1x16xf32>,
      %swap3A_80 = vector.shape_cast %swap3A_79 : vector<1x16xf32> to vector<16xf32>
      %swap3A_81 = vector.shape_cast %broadcast_in_dim3A_76 : vector<16xf32> to vector<1x16xf32>
      tpu.vector_store %arg8[%swap3A_77, %swap3A_78], %swap3A_81 {strides = array<i32>} : memref<128x128xf32, #tpu.memory_space<vmem>>, vector<1x16xf32>,
    }
    %scan3A_4 = arith.constant 128 : i32
    %scan3A_5 = arith.constant 0 : i32
    %scan3A_6 = arith.constant 0 : i32
    %scan3A_7 = arith.constant 5 : i32
    %scan3A_8 = arith.addi %scan3A_6, %scan3A_7 : i32
    %scan3A_9 = arith.constant 1 : i32
    scf.for %scan3A_27 = %scan3A_6 to %scan3A_8 step %scan3A_9  : i32 {
      %mul3A_28 = arith.constant 640 : i32
      %mul3A_29 = arith.muli %arg1, %mul3A_28 : i32
      %mul3A_30 = arith.constant 128 : i32
      %mul3A_31 = arith.muli %scan3A_27, %mul3A_30 : i32
      %add3A = arith.addi %mul3A_29, %mul3A_31 : i32
      "tpu.region"() ({
        %run_scoped3A = tpu.sem_alloc : memref<!tpu.dma_semaphore, #tpu.memory_space<semaphore_mem>>
        %dma_start3A_32 = arith.constant 0 : i32
        %dma_start3A_33 = tpu.memref_slice %arg10[%add3A, %dma_start3A_32] : memref<10240x128xf32, #tpu.memory_space<vmem_shared>> -> memref<128x128xf32, #tpu.memory_space<vmem_shared>>
        %dma_start3A_34 = arith.constant 0 : i32
        %dma_start3A_35 = tpu.memref_slice %arg10[%add3A, %dma_start3A_34] : memref<10240x128xf32, #tpu.memory_space<vmem_shared>> -> memref<128x128xf32, #tpu.memory_space<vmem_shared>>
        tpu.enqueue_dma source(%arg8 : memref<128x128xf32, #tpu.memory_space<vmem>>) target(%dma_start3A_35 : memref<128x128xf32, #tpu.memory_space<vmem_shared>>) target_semaphore(%run_scoped3A : memref<!tpu.dma_semaphore, #tpu.memory_space<semaphore_mem>>)
        %dma_wait3A = arith.constant 0 : i32
        %dma_wait3A_36 = tpu.memref_slice %arg10[%add3A, %dma_wait3A] : memref<10240x128xf32, #tpu.memory_space<vmem_shared>> -> memref<128x128xf32, #tpu.memory_space<vmem_shared>>
        %dma_wait3A_37 = arith.constant 0 : i32
        %dma_wait3A_38 = tpu.memref_slice %arg10[%add3A, %dma_wait3A_37] : memref<10240x128xf32, #tpu.memory_space<vmem_shared>> -> memref<128x128xf32, #tpu.memory_space<vmem_shared>>
        tpu.wait_dma2 semaphore(%run_scoped3A : memref<!tpu.dma_semaphore, #tpu.memory_space<semaphore_mem>>) src(%arg8 : memref<128x128xf32, #tpu.memory_space<vmem>>) dst(%dma_wait3A_38 : memref<128x128xf32, #tpu.memory_space<vmem_shared>>)
        tpu.yield
      }) : () -> ()
    }
    %scan3A_10 = arith.constant 5 : i32
    %barrier3A = arith.constant 0 : index
    tpu.barrier barrier_id(%barrier3A)
    "tpu.region"() ({
      %run_scoped3A = tpu.sem_alloc : memref<!tpu.dma_semaphore, #tpu.memory_space<semaphore_mem>>
      %dma_start3A_27 = arith.constant 0 : i32
      %dma_start3A_28 = arith.constant 0 : i32
      %dma_start3A_29 = tpu.memref_slice %arg3[%arg0, %arg1, %dma_start3A_27, %dma_start3A_28] : memref<2x16x40x128xi32, #tpu.memory_space<hbm>> -> memref<1x1x40x128xi32, #tpu.memory_space<hbm>>
      %dma_start3A_30 = tpu.memref_squeeze %dma_start3A_29 : memref<1x1x40x128xi32, #tpu.memory_space<hbm>> -> memref<40x128xi32, #tpu.memory_space<hbm>>
      %dma_start3A_31 = arith.constant 0 : i32
      %dma_start3A_32 = arith.constant 0 : i32
      %dma_start3A_33 = tpu.memref_slice %arg3[%arg0, %arg1, %dma_start3A_31, %dma_start3A_32] : memref<2x16x40x128xi32, #tpu.memory_space<hbm>> -> memref<1x1x40x128xi32, #tpu.memory_space<hbm>>
      %dma_start3A_34 = tpu.memref_squeeze %dma_start3A_33 : memref<1x1x40x128xi32, #tpu.memory_space<hbm>> -> memref<40x128xi32, #tpu.memory_space<hbm>>
      tpu.enqueue_dma source(%dma_start3A_34 : memref<40x128xi32, #tpu.memory_space<hbm>>) target(%arg6 : memref<40x128xi32, #tpu.memory_space<vmem>>) target_semaphore(%run_scoped3A : memref<!tpu.dma_semaphore, #tpu.memory_space<semaphore_mem>>)
      %dma_wait3A = arith.constant 0 : i32
      %dma_wait3A_35 = arith.constant 0 : i32
      %dma_wait3A_36 = tpu.memref_slice %arg3[%arg0, %arg1, %dma_wait3A, %dma_wait3A_35] : memref<2x16x40x128xi32, #tpu.memory_space<hbm>> -> memref<1x1x40x128xi32, #tpu.memory_space<hbm>>
      %dma_wait3A_37 = tpu.memref_squeeze %dma_wait3A_36 : memref<1x1x40x128xi32, #tpu.memory_space<hbm>> -> memref<40x128xi32, #tpu.memory_space<hbm>>
      %dma_wait3A_38 = arith.constant 0 : i32
      %dma_wait3A_39 = arith.constant 0 : i32
      %dma_wait3A_40 = tpu.memref_slice %arg3[%arg0, %arg1, %dma_wait3A_38, %dma_wait3A_39] : memref<2x16x40x128xi32, #tpu.memory_space<hbm>> -> memref<1x1x40x128xi32, #tpu.memory_space<hbm>>
      %dma_wait3A_41 = tpu.memref_squeeze %dma_wait3A_40 : memref<1x1x40x128xi32, #tpu.memory_space<hbm>> -> memref<40x128xi32, #tpu.memory_space<hbm>>
      tpu.wait_dma2 semaphore(%run_scoped3A : memref<!tpu.dma_semaphore, #tpu.memory_space<semaphore_mem>>) src(%dma_wait3A_41 : memref<40x128xi32, #tpu.memory_space<hbm>>) dst(%arg6 : memref<40x128xi32, #tpu.memory_space<vmem>>)
      tpu.yield
    }) : () -> ()
    "tpu.region"() ({
      %run_scoped3A = tpu.sem_alloc : memref<!tpu.dma_semaphore, #tpu.memory_space<semaphore_mem>>
      %dma_start3A_27 = arith.constant 0 : i32
      %dma_start3A_28 = arith.constant 0 : i32
      %dma_start3A_29 = tpu.memref_slice %arg4[%arg0, %arg1, %dma_start3A_27, %dma_start3A_28] : memref<2x16x40x128xi32, #tpu.memory_space<hbm>> -> memref<1x1x40x128xi32, #tpu.memory_space<hbm>>
      %dma_start3A_30 = tpu.memref_squeeze %dma_start3A_29 : memref<1x1x40x128xi32, #tpu.memory_space<hbm>> -> memref<40x128xi32, #tpu.memory_space<hbm>>
      %dma_start3A_31 = arith.constant 0 : i32
      %dma_start3A_32 = arith.constant 0 : i32
      %dma_start3A_33 = tpu.memref_slice %arg4[%arg0, %arg1, %dma_start3A_31, %dma_start3A_32] : memref<2x16x40x128xi32, #tpu.memory_space<hbm>> -> memref<1x1x40x128xi32, #tpu.memory_space<hbm>>
      %dma_start3A_34 = tpu.memref_squeeze %dma_start3A_33 : memref<1x1x40x128xi32, #tpu.memory_space<hbm>> -> memref<40x128xi32, #tpu.memory_space<hbm>>
      tpu.enqueue_dma source(%dma_start3A_34 : memref<40x128xi32, #tpu.memory_space<hbm>>) target(%arg7 : memref<40x128xi32, #tpu.memory_space<vmem>>) target_semaphore(%run_scoped3A : memref<!tpu.dma_semaphore, #tpu.memory_space<semaphore_mem>>)
      %dma_wait3A = arith.constant 0 : i32
      %dma_wait3A_35 = arith.constant 0 : i32
      %dma_wait3A_36 = tpu.memref_slice %arg4[%arg0, %arg1, %dma_wait3A, %dma_wait3A_35] : memref<2x16x40x128xi32, #tpu.memory_space<hbm>> -> memref<1x1x40x128xi32, #tpu.memory_space<hbm>>
      %dma_wait3A_37 = tpu.memref_squeeze %dma_wait3A_36 : memref<1x1x40x128xi32, #tpu.memory_space<hbm>> -> memref<40x128xi32, #tpu.memory_space<hbm>>
      %dma_wait3A_38 = arith.constant 0 : i32
      %dma_wait3A_39 = arith.constant 0 : i32
      %dma_wait3A_40 = tpu.memref_slice %arg4[%arg0, %arg1, %dma_wait3A_38, %dma_wait3A_39] : memref<2x16x40x128xi32, #tpu.memory_space<hbm>> -> memref<1x1x40x128xi32, #tpu.memory_space<hbm>>
      %dma_wait3A_41 = tpu.memref_squeeze %dma_wait3A_40 : memref<1x1x40x128xi32, #tpu.memory_space<hbm>> -> memref<40x128xi32, #tpu.memory_space<hbm>>
      tpu.wait_dma2 semaphore(%run_scoped3A : memref<!tpu.dma_semaphore, #tpu.memory_space<semaphore_mem>>) src(%dma_wait3A_41 : memref<40x128xi32, #tpu.memory_space<hbm>>) dst(%arg7 : memref<40x128xi32, #tpu.memory_space<vmem>>)
      tpu.yield
    }) : () -> ()
    %dma_start3A = arith.constant 0 : i32
    %dma_start3A_11 = arith.constant 0 : i32
    %dma_start3A_12 = tpu.memref_slice %arg6[%dma_start3A, %dma_start3A_11] : memref<40x128xi32, #tpu.memory_space<vmem>> -> memref<1x128xi32, #tpu.memory_space<vmem>>
    %dma_start3A_13 = tpu.memref_squeeze %dma_start3A_12 : memref<1x128xi32, #tpu.memory_space<vmem>> -> memref<128xi32, #tpu.memory_space<vmem>>
    %dma_start3A_14 = arith.constant 0 : i32
    %dma_start3A_15 = arith.constant 0 : i32
    %dma_start3A_16 = tpu.memref_slice %arg2[%dma_start3A_14, %dma_start3A_15] : memref<10000x128xf32, #tpu.memory_space<hbm>> -> memref<10000x128xf32, #tpu.memory_space<hbm>>
    tpu.enqueue_indirect_dma source(%dma_start3A_16 : memref<10000x128xf32, #tpu.memory_space<hbm>>) target(%arg8 : memref<128x128xf32, #tpu.memory_space<vmem>>) offsets(%dma_start3A_13 : memref<128xi32, #tpu.memory_space<vmem>>) semaphore(%arg11 : memref<!tpu.dma_semaphore, #tpu.memory_space<semaphore_mem>>)
    %scan3A_17 = arith.constant 0 : i32
    %scan3A_18 = arith.constant 0 : i32
    %scan3A_19 = arith.constant 20 : i32
    %scan3A_20 = arith.addi %scan3A_18, %scan3A_19 : i32
    %scan3A_21 = arith.constant 1 : i32
    scf.for %scan3A_27 = %scan3A_18 to %scan3A_20 step %scan3A_21  : i32 {
      %mul3A_28 = arith.constant 2 : i32
      %mul3A_29 = arith.muli %mul3A_28, %scan3A_27 : i32
      %add3A = arith.constant 1 : i32
      %add3A_30 = arith.addi %mul3A_29, %add3A : i32
      %dma_start3A_31 = arith.constant 0 : i32
      %dma_start3A_32 = tpu.memref_slice %arg6[%add3A_30, %dma_start3A_31] : memref<40x128xi32, #tpu.memory_space<vmem>> -> memref<1x128xi32, #tpu.memory_space<vmem>>
      %dma_start3A_33 = tpu.memref_squeeze %dma_start3A_32 : memref<1x128xi32, #tpu.memory_space<vmem>> -> memref<128xi32, #tpu.memory_space<vmem>>
      %dma_start3A_34 = arith.constant 0 : i32
      %dma_start3A_35 = arith.constant 0 : i32
      %dma_start3A_36 = tpu.memref_slice %arg2[%dma_start3A_34, %dma_start3A_35] : memref<10000x128xf32, #tpu.memory_space<hbm>> -> memref<10000x128xf32, #tpu.memory_space<hbm>>
      tpu.enqueue_indirect_dma source(%dma_start3A_36 : memref<10000x128xf32, #tpu.memory_space<hbm>>) target(%arg9 : memref<128x128xf32, #tpu.memory_space<vmem>>) offsets(%dma_start3A_33 : memref<128xi32, #tpu.memory_space<vmem>>) semaphore(%arg12 : memref<!tpu.dma_semaphore, #tpu.memory_space<semaphore_mem>>)
      %dma_wait3A = arith.constant 0 : i32
      %dma_wait3A_37 = arith.constant 0 : i32
      %dma_wait3A_38 = tpu.memref_slice %arg6[%dma_wait3A, %dma_wait3A_37] : memref<40x128xi32, #tpu.memory_space<vmem>> -> memref<1x128xi32, #tpu.memory_space<vmem>>
      %dma_wait3A_39 = tpu.memref_squeeze %dma_wait3A_38 : memref<1x128xi32, #tpu.memory_space<vmem>> -> memref<128xi32, #tpu.memory_space<vmem>>
      %dma_wait3A_40 = arith.constant 0 : i32
      %dma_wait3A_41 = arith.constant 0 : i32
      %dma_wait3A_42 = tpu.memref_slice %arg2[%dma_wait3A_40, %dma_wait3A_41] : memref<10000x128xf32, #tpu.memory_space<hbm>> -> memref<10000x128xf32, #tpu.memory_space<hbm>>
      tpu.wait_indirect_dma semaphore(%arg11 : memref<!tpu.dma_semaphore, #tpu.memory_space<semaphore_mem>>) src(%dma_wait3A_42 : memref<10000x128xf32, #tpu.memory_space<hbm>>) dst(%arg8 : memref<128x128xf32, #tpu.memory_space<vmem>>)
      "tpu.region"() ({
        %run_scoped3A = tpu.sem_alloc : memref<!tpu.dma_semaphore, #tpu.memory_space<semaphore_mem>>
        %dma_start3A_53 = arith.constant 0 : i32
        %dma_start3A_54 = tpu.memref_slice %arg7[%mul3A_29, %dma_start3A_53] : memref<40x128xi32, #tpu.memory_space<vmem>> -> memref<1x128xi32, #tpu.memory_space<vmem>>
        %dma_start3A_55 = tpu.memref_squeeze %dma_start3A_54 : memref<1x128xi32, #tpu.memory_space<vmem>> -> memref<128xi32, #tpu.memory_space<vmem>>
        %dma_start3A_56 = arith.constant 0 : i32
        %dma_start3A_57 = arith.constant 0 : i32
        %dma_start3A_58 = tpu.memref_slice %arg10[%dma_start3A_56, %dma_start3A_57] : memref<10240x128xf32, #tpu.memory_space<vmem_shared>> -> memref<10240x128xf32, #tpu.memory_space<vmem_shared>>
        tpu.enqueue_indirect_dma source(%arg8 : memref<128x128xf32, #tpu.memory_space<vmem>>) target(%dma_start3A_58 : memref<10240x128xf32, #tpu.memory_space<vmem_shared>>) offsets(%dma_start3A_55 : memref<128xi32, #tpu.memory_space<vmem>>) semaphore(%run_scoped3A : memref<!tpu.dma_semaphore, #tpu.memory_space<semaphore_mem>>) {add = true}
        %dma_wait3A_59 = arith.constant 0 : i32
        %dma_wait3A_60 = tpu.memref_slice %arg7[%mul3A_29, %dma_wait3A_59] : memref<40x128xi32, #tpu.memory_space<vmem>> -> memref<1x128xi32, #tpu.memory_space<vmem>>
        %dma_wait3A_61 = tpu.memref_squeeze %dma_wait3A_60 : memref<1x128xi32, #tpu.memory_space<vmem>> -> memref<128xi32, #tpu.memory_space<vmem>>
        %dma_wait3A_62 = arith.constant 0 : i32
        %dma_wait3A_63 = arith.constant 0 : i32
        %dma_wait3A_64 = tpu.memref_slice %arg10[%dma_wait3A_62, %dma_wait3A_63] : memref<10240x128xf32, #tpu.memory_space<vmem_shared>> -> memref<10240x128xf32, #tpu.memory_space<vmem_shared>>
        tpu.wait_indirect_dma semaphore(%run_scoped3A : memref<!tpu.dma_semaphore, #tpu.memory_space<semaphore_mem>>) src(%arg8 : memref<128x128xf32, #tpu.memory_space<vmem>>) dst(%dma_wait3A_64 : memref<10240x128xf32, #tpu.memory_space<vmem_shared>>)
        tpu.yield
      }) : () -> ()
      %lt3A = arith.constant 19 : i32
      %lt3A_43 = arith.cmpi slt, %scan3A_27, %lt3A : i32
      %convert_element_type3A = arith.extui %lt3A_43 : i1 to i32
      %cond3A = arith.constant 0 : i32
      %cond3A_44 = arith.cmpi ne, %convert_element_type3A, %cond3A : i32
      scf.if %cond3A_44 {
        %add3A_53 = arith.constant 2 : i32
        %add3A_54 = arith.addi %mul3A_29, %add3A_53 : i32
        %dma_start3A_55 = arith.constant 0 : i32
        %dma_start3A_56 = tpu.memref_slice %arg6[%add3A_54, %dma_start3A_55] : memref<40x128xi32, #tpu.memory_space<vmem>> -> memref<1x128xi32, #tpu.memory_space<vmem>>
        %dma_start3A_57 = tpu.memref_squeeze %dma_start3A_56 : memref<1x128xi32, #tpu.memory_space<vmem>> -> memref<128xi32, #tpu.memory_space<vmem>>
        %dma_start3A_58 = arith.constant 0 : i32
        %dma_start3A_59 = arith.constant 0 : i32
        %dma_start3A_60 = tpu.memref_slice %arg2[%dma_start3A_58, %dma_start3A_59] : memref<10000x128xf32, #tpu.memory_space<hbm>> -> memref<10000x128xf32, #tpu.memory_space<hbm>>
        tpu.enqueue_indirect_dma source(%dma_start3A_60 : memref<10000x128xf32, #tpu.memory_space<hbm>>) target(%arg8 : memref<128x128xf32, #tpu.memory_space<vmem>>) offsets(%dma_start3A_57 : memref<128xi32, #tpu.memory_space<vmem>>) semaphore(%arg11 : memref<!tpu.dma_semaphore, #tpu.memory_space<semaphore_mem>>)
      } else {
      }
      %dma_wait3A_45 = arith.constant 0 : i32
      %dma_wait3A_46 = tpu.memref_slice %arg6[%add3A_30, %dma_wait3A_45] : memref<40x128xi32, #tpu.memory_space<vmem>> -> memref<1x128xi32, #tpu.memory_space<vmem>>
      %dma_wait3A_47 = tpu.memref_squeeze %dma_wait3A_46 : memref<1x128xi32, #tpu.memory_space<vmem>> -> memref<128xi32, #tpu.memory_space<vmem>>
      %dma_wait3A_48 = arith.constant 0 : i32
      %dma_wait3A_49 = arith.constant 0 : i32
      %dma_wait3A_50 = tpu.memref_slice %arg2[%dma_wait3A_48, %dma_wait3A_49] : memref<10000x128xf32, #tpu.memory_space<hbm>> -> memref<10000x128xf32, #tpu.memory_space<hbm>>
      tpu.wait_indirect_dma semaphore(%arg12 : memref<!tpu.dma_semaphore, #tpu.memory_space<semaphore_mem>>) src(%dma_wait3A_50 : memref<10000x128xf32, #tpu.memory_space<hbm>>) dst(%arg9 : memref<128x128xf32, #tpu.memory_space<vmem>>)
      %add3A_51 = arith.constant 1 : i32
      %add3A_52 = arith.addi %mul3A_29, %add3A_51 : i32
      "tpu.region"() ({
        %run_scoped3A = tpu.sem_alloc : memref<!tpu.dma_semaphore, #tpu.memory_space<semaphore_mem>>
        %dma_start3A_53 = arith.constant 0 : i32
        %dma_start3A_54 = tpu.memref_slice %arg7[%add3A_52, %dma_start3A_53] : memref<40x128xi32, #tpu.memory_space<vmem>> -> memref<1x128xi32, #tpu.memory_space<vmem>>
        %dma_start3A_55 = tpu.memref_squeeze %dma_start3A_54 : memref<1x128xi32, #tpu.memory_space<vmem>> -> memref<128xi32, #tpu.memory_space<vmem>>
        %dma_start3A_56 = arith.constant 0 : i32
        %dma_start3A_57 = arith.constant 0 : i32
        %dma_start3A_58 = tpu.memref_slice %arg10[%dma_start3A_56, %dma_start3A_57] : memref<10240x128xf32, #tpu.memory_space<vmem_shared>> -> memref<10240x128xf32, #tpu.memory_space<vmem_shared>>
        tpu.enqueue_indirect_dma source(%arg9 : memref<128x128xf32, #tpu.memory_space<vmem>>) target(%dma_start3A_58 : memref<10240x128xf32, #tpu.memory_space<vmem_shared>>) offsets(%dma_start3A_55 : memref<128xi32, #tpu.memory_space<vmem>>) semaphore(%run_scoped3A : memref<!tpu.dma_semaphore, #tpu.memory_space<semaphore_mem>>) {add = true}
        %dma_wait3A_59 = arith.constant 0 : i32
        %dma_wait3A_60 = tpu.memref_slice %arg7[%add3A_52, %dma_wait3A_59] : memref<40x128xi32, #tpu.memory_space<vmem>> -> memref<1x128xi32, #tpu.memory_space<vmem>>
        %dma_wait3A_61 = tpu.memref_squeeze %dma_wait3A_60 : memref<1x128xi32, #tpu.memory_space<vmem>> -> memref<128xi32, #tpu.memory_space<vmem>>
        %dma_wait3A_62 = arith.constant 0 : i32
        %dma_wait3A_63 = arith.constant 0 : i32
        %dma_wait3A_64 = tpu.memref_slice %arg10[%dma_wait3A_62, %dma_wait3A_63] : memref<10240x128xf32, #tpu.memory_space<vmem_shared>> -> memref<10240x128xf32, #tpu.memory_space<vmem_shared>>
        tpu.wait_indirect_dma semaphore(%run_scoped3A : memref<!tpu.dma_semaphore, #tpu.memory_space<semaphore_mem>>) src(%arg9 : memref<128x128xf32, #tpu.memory_space<vmem>>) dst(%dma_wait3A_64 : memref<10240x128xf32, #tpu.memory_space<vmem_shared>>)
        tpu.yield
      }) : () -> ()
    }
    %scan3A_22 = arith.constant 20 : i32
    %barrier3A_23 = arith.constant 0 : index
    tpu.barrier barrier_id(%barrier3A_23)
    %mul3A = arith.constant 640 : i32
    %mul3A_24 = arith.muli %arg1, %mul3A : i32
    %mul3A_25 = arith.constant 640 : i32
    %mul3A_26 = arith.muli %arg1, %mul3A_25 : i32
    "tpu.region"() ({
      %run_scoped3A = tpu.sem_alloc : memref<!tpu.dma_semaphore, #tpu.memory_space<semaphore_mem>>
      %dma_start3A_27 = arith.constant 0 : i32
      %dma_start3A_28 = tpu.memref_slice %arg5[%arg0, %mul3A_26, %dma_start3A_27] : memref<2x10240x128xf32, #tpu.memory_space<hbm>> -> memref<1x640x128xf32, #tpu.memory_space<hbm>>
      %dma_start3A_29 = tpu.memref_squeeze %dma_start3A_28 : memref<1x640x128xf32, #tpu.memory_space<hbm>> -> memref<640x128xf32, #tpu.memory_space<hbm>>
      %dma_start3A_30 = arith.constant 0 : i32
      %dma_start3A_31 = tpu.memref_slice %arg10[%mul3A_24, %dma_start3A_30] : memref<10240x128xf32, #tpu.memory_space<vmem_shared>> -> memref<640x128xf32, #tpu.memory_space<vmem_shared>>
      tpu.enqueue_dma source(%dma_start3A_31 : memref<640x128xf32, #tpu.memory_space<vmem_shared>>) target(%dma_start3A_29 : memref<640x128xf32, #tpu.memory_space<hbm>>) target_semaphore(%run_scoped3A : memref<!tpu.dma_semaphore, #tpu.memory_space<semaphore_mem>>)
      %dma_wait3A = arith.constant 0 : i32
      %dma_wait3A_32 = tpu.memref_slice %arg5[%arg0, %mul3A_26, %dma_wait3A] : memref<2x10240x128xf32, #tpu.memory_space<hbm>> -> memref<1x640x128xf32, #tpu.memory_space<hbm>>
      %dma_wait3A_33 = tpu.memref_squeeze %dma_wait3A_32 : memref<1x640x128xf32, #tpu.memory_space<hbm>> -> memref<640x128xf32, #tpu.memory_space<hbm>>
      %dma_wait3A_34 = arith.constant 0 : i32
      %dma_wait3A_35 = tpu.memref_slice %arg10[%mul3A_24, %dma_wait3A_34] : memref<10240x128xf32, #tpu.memory_space<vmem_shared>> -> memref<640x128xf32, #tpu.memory_space<vmem_shared>>
      tpu.wait_dma2 semaphore(%run_scoped3A : memref<!tpu.dma_semaphore, #tpu.memory_space<semaphore_mem>>) src(%dma_wait3A_35 : memref<640x128xf32, #tpu.memory_space<vmem_shared>>) dst(%dma_wait3A_33 : memref<640x128xf32, #tpu.memory_space<hbm>>)
      tpu.yield
    }) : () -> ()
    return
  }
}

module attributes {stable_mosaic.version = 14 : i64} {
  func.func @_gru_body(%arg0: i32, %arg1: memref<2x1000x128xf32, #tpu.memory_space<vmem>>, %arg2: memref<1000x128xf32, #tpu.memory_space<vmem>>, %arg3: memref<2x1000x128xf32, #tpu.memory_space<vmem>>, %arg4: memref<128x128xf32, #tpu.memory_space<vmem>>, %arg5: memref<128x128xf32, #tpu.memory_space<vmem>>, %arg6: memref<1x128xf32, #tpu.memory_space<vmem>>, %arg7: memref<1x128xf32, #tpu.memory_space<vmem>>, %arg8: memref<128x384xf32, #tpu.memory_space<vmem>>, %arg9: memref<128x384xf32, #tpu.memory_space<vmem>>, %arg10: memref<1x384xf32, #tpu.memory_space<vmem>>, %arg11: memref<1x384xf32, #tpu.memory_space<vmem>>, %arg12: memref<1000x128xf32, #tpu.memory_space<vmem>>, %arg13: memref<1000x128xf32, #tpu.memory_space<vmem>>) attributes {dimension_semantics = [#tpu.dimension_semantics<arbitrary>], iteration_bounds = array<i64: 10>, scalar_prefetch = 0 : i64, scratch_operands = 0 : i64, tpu.core_type = #tpu.core_type<tc>, window_params = [{transform_indices = @transform_0, window_bounds = array<i64: 2, 1000, 128>}, {transform_indices = @transform_1, window_bounds = array<i64: 1000, 128>}, {transform_indices = @transform_2, window_bounds = array<i64: 2, 1000, 128>}, {pipeline_mode = #tpu.pipeline_mode<synchronous>, transform_indices = @transform_3, window_bounds = array<i64: 128, 128>}, {pipeline_mode = #tpu.pipeline_mode<synchronous>, transform_indices = @transform_4, window_bounds = array<i64: 128, 128>}, {pipeline_mode = #tpu.pipeline_mode<synchronous>, transform_indices = @transform_5, window_bounds = array<i64: 1, 128>}, {pipeline_mode = #tpu.pipeline_mode<synchronous>, transform_indices = @transform_6, window_bounds = array<i64: 1, 128>}, {pipeline_mode = #tpu.pipeline_mode<synchronous>, transform_indices = @transform_7, window_bounds = array<i64: 128, 384>}, {pipeline_mode = #tpu.pipeline_mode<synchronous>, transform_indices = @transform_8, window_bounds = array<i64: 128, 384>}, {pipeline_mode = #tpu.pipeline_mode<synchronous>, transform_indices = @transform_9, window_bounds = array<i64: 1, 384>}, {pipeline_mode = #tpu.pipeline_mode<synchronous>, transform_indices = @transform_10, window_bounds = array<i64: 1, 384>}, {transform_indices = @transform_11, window_bounds = array<i64: 1000, 128>}, {transform_indices = @transform_12, window_bounds = array<i64: 1000, 128>}]} {
    %get3A = arith.constant 0 : index
    %get3A_0 = arith.constant 0 : index
    %get3A_1 = vector.load %arg2[%get3A, %get3A_0] : memref<1000x128xf32, #tpu.memory_space<vmem>>, vector<1000x128xf32>
    %get3A_2 = arith.constant 0 : index
    %get3A_3 = arith.constant 0 : index
    %get3A_4 = arith.constant 0 : index
    %get3A_5 = vector.load %arg1[%get3A_2, %get3A_3, %get3A_4] : memref<2x1000x128xf32, #tpu.memory_space<vmem>>, vector<1x1000x128xf32>
    %get3A_6 = vector.shape_cast %get3A_5 : vector<1x1000x128xf32> to vector<1000x128xf32>
    %get3A_7 = arith.constant 0 : index
    %get3A_8 = arith.constant 0 : index
    %get3A_9 = vector.load %arg4[%get3A_7, %get3A_8] : memref<128x128xf32, #tpu.memory_space<vmem>>, vector<128x128xf32>
    %dot_general3A = arith.constant dense<0.000000e+00> : vector<1000x128xf32>
    %dot_general3A_10 = tpu.matmul %get3A_6, %get3A_9, %dot_general3A {dimension_numbers = #tpu.dot_dimension_numbers<[1], [0], [0], [1], [0, 0, 1, 1], [], []>, precision = #tpu.contract_precision<fp32>, transpose_lhs_hint = false} : vector<1000x128xf32>, vector<128x128xf32>, vector<1000x128xf32> -> vector<1000x128xf32>
    %get3A_11 = arith.constant 1 : index
    %get3A_12 = arith.constant 0 : index
    %get3A_13 = arith.constant 0 : index
    %get3A_14 = vector.load %arg1[%get3A_11, %get3A_12, %get3A_13] : memref<2x1000x128xf32, #tpu.memory_space<vmem>>, vector<1x1000x128xf32>
    %get3A_15 = vector.shape_cast %get3A_14 : vector<1x1000x128xf32> to vector<1000x128xf32>
    %get3A_16 = arith.constant 0 : index
    %get3A_17 = arith.constant 0 : index
    %get3A_18 = vector.load %arg5[%get3A_16, %get3A_17] : memref<128x128xf32, #tpu.memory_space<vmem>>, vector<128x128xf32>
    %dot_general3A_19 = arith.constant dense<0.000000e+00> : vector<1000x128xf32>
    %dot_general3A_20 = tpu.matmul %get3A_15, %get3A_18, %dot_general3A_19 {dimension_numbers = #tpu.dot_dimension_numbers<[1], [0], [0], [1], [0, 0, 1, 1], [], []>, precision = #tpu.contract_precision<fp32>, transpose_lhs_hint = false} : vector<1000x128xf32>, vector<128x128xf32>, vector<1000x128xf32> -> vector<1000x128xf32>
    %add3A = arith.addf %dot_general3A_10, %dot_general3A_20 : vector<1000x128xf32>
    %get3A_21 = arith.constant 0 : index
    %get3A_22 = arith.constant 0 : index
    %get3A_23 = arith.constant 0 : index
    %get3A_24 = vector.load %arg3[%get3A_21, %get3A_22, %get3A_23] : memref<2x1000x128xf32, #tpu.memory_space<vmem>>, vector<1x1000x128xf32>
    %get3A_25 = vector.shape_cast %get3A_24 : vector<1x1000x128xf32> to vector<1000x128xf32>
    %get3A_26 = arith.constant 0 : index
    %get3A_27 = arith.constant 0 : index
    %get3A_28 = vector.load %arg6[%get3A_26, %get3A_27] : memref<1x128xf32, #tpu.memory_space<vmem>>, vector<1x128xf32>
    %mul3A = vector.broadcast %get3A_28 : vector<1x128xf32> to vector<1000x128xf32>
    %mul3A_29 = arith.mulf %get3A_25, %mul3A : vector<1000x128xf32>
    %add3A_30 = arith.addf %add3A, %mul3A_29 : vector<1000x128xf32>
    %get3A_31 = arith.constant 1 : index
    %get3A_32 = arith.constant 0 : index
    %get3A_33 = arith.constant 0 : index
    %get3A_34 = vector.load %arg3[%get3A_31, %get3A_32, %get3A_33] : memref<2x1000x128xf32, #tpu.memory_space<vmem>>, vector<1x1000x128xf32>
    %get3A_35 = vector.shape_cast %get3A_34 : vector<1x1000x128xf32> to vector<1000x128xf32>
    %get3A_36 = arith.constant 0 : index
    %get3A_37 = arith.constant 0 : index
    %get3A_38 = vector.load %arg7[%get3A_36, %get3A_37] : memref<1x128xf32, #tpu.memory_space<vmem>>, vector<1x128xf32>
    %mul3A_39 = vector.broadcast %get3A_38 : vector<1x128xf32> to vector<1000x128xf32>
    %mul3A_40 = arith.mulf %get3A_35, %mul3A_39 : vector<1000x128xf32>
    %add3A_41 = arith.addf %add3A_30, %mul3A_40 : vector<1000x128xf32>
    %get3A_42 = arith.constant 0 : index
    %get3A_43 = arith.constant 0 : index
    %get3A_44 = vector.load %arg8[%get3A_42, %get3A_43] : memref<128x384xf32, #tpu.memory_space<vmem>>, vector<128x384xf32>
    %dot_general3A_45 = arith.constant dense<0.000000e+00> : vector<1000x384xf32>
    %dot_general3A_46 = tpu.matmul %add3A_41, %get3A_44, %dot_general3A_45 {dimension_numbers = #tpu.dot_dimension_numbers<[1], [0], [0], [1], [0, 0, 1, 1], [], []>, transpose_lhs_hint = false} : vector<1000x128xf32>, vector<128x384xf32>, vector<1000x384xf32> -> vector<1000x384xf32>
    %get3A_47 = arith.constant 0 : index
    %get3A_48 = arith.constant 0 : index
    %get3A_49 = vector.load %arg10[%get3A_47, %get3A_48] : memref<1x384xf32, #tpu.memory_space<vmem>>, vector<1x384xf32>
    %add3A_50 = vector.broadcast %get3A_49 : vector<1x384xf32> to vector<1000x384xf32>
    %add3A_51 = arith.addf %dot_general3A_46, %add3A_50 : vector<1000x384xf32>
    %get3A_52 = arith.constant 0 : index
    %get3A_53 = arith.constant 0 : index
    %get3A_54 = vector.load %arg9[%get3A_52, %get3A_53] : memref<128x384xf32, #tpu.memory_space<vmem>>, vector<128x384xf32>
    %dot_general3A_55 = arith.constant dense<0.000000e+00> : vector<1000x384xf32>
    %dot_general3A_56 = tpu.matmul %get3A_1, %get3A_54, %dot_general3A_55 {dimension_numbers = #tpu.dot_dimension_numbers<[1], [0], [0], [1], [0, 0, 1, 1], [], []>, transpose_lhs_hint = false} : vector<1000x128xf32>, vector<128x384xf32>, vector<1000x384xf32> -> vector<1000x384xf32>
    %get3A_57 = arith.constant 0 : index
    %get3A_58 = arith.constant 0 : index
    %get3A_59 = vector.load %arg11[%get3A_57, %get3A_58] : memref<1x384xf32, #tpu.memory_space<vmem>>, vector<1x384xf32>
    %add3A_60 = vector.broadcast %get3A_59 : vector<1x384xf32> to vector<1000x384xf32>
    %add3A_61 = arith.addf %dot_general3A_56, %add3A_60 : vector<1000x384xf32>
    %slice3A = vector.extract_strided_slice %add3A_51 {offsets = [0, 0], sizes = [1000, 128], strides = [1, 1]} : vector<1000x384xf32> to vector<1000x128xf32>
    %slice3A_62 = vector.extract_strided_slice %add3A_61 {offsets = [0, 0], sizes = [1000, 128], strides = [1, 1]} : vector<1000x384xf32> to vector<1000x128xf32>
    %add3A_63 = arith.addf %slice3A, %slice3A_62 : vector<1000x128xf32>
    %logistic3A = arith.negf %add3A_63 : vector<1000x128xf32>
    %logistic3A_64 = math.exp %logistic3A : vector<1000x128xf32>
    %logistic3A_65 = arith.constant 1.000000e+00 : f32
    %logistic3A_66 = vector.broadcast %logistic3A_65 : f32 to vector<1000x128xf32>
    %logistic3A_67 = arith.addf %logistic3A_66, %logistic3A_64 : vector<1000x128xf32>
    %logistic3A_68 = arith.divf %logistic3A_66, %logistic3A_67 : vector<1000x128xf32>
    %slice3A_69 = vector.extract_strided_slice %add3A_51 {offsets = [0, 128], sizes = [1000, 128], strides = [1, 1]} : vector<1000x384xf32> to vector<1000x128xf32>
    %slice3A_70 = vector.extract_strided_slice %add3A_61 {offsets = [0, 128], sizes = [1000, 128], strides = [1, 1]} : vector<1000x384xf32> to vector<1000x128xf32>
    %add3A_71 = arith.addf %slice3A_69, %slice3A_70 : vector<1000x128xf32>
    %logistic3A_72 = arith.negf %add3A_71 : vector<1000x128xf32>
    %logistic3A_73 = math.exp %logistic3A_72 : vector<1000x128xf32>
    %logistic3A_74 = arith.constant 1.000000e+00 : f32
    %logistic3A_75 = vector.broadcast %logistic3A_74 : f32 to vector<1000x128xf32>
    %logistic3A_76 = arith.addf %logistic3A_75, %logistic3A_73 : vector<1000x128xf32>
    %logistic3A_77 = arith.divf %logistic3A_75, %logistic3A_76 : vector<1000x128xf32>
    %slice3A_78 = vector.extract_strided_slice %add3A_51 {offsets = [0, 256], sizes = [1000, 128], strides = [1, 1]} : vector<1000x384xf32> to vector<1000x128xf32>
    %slice3A_79 = vector.extract_strided_slice %add3A_61 {offsets = [0, 256], sizes = [1000, 128], strides = [1, 1]} : vector<1000x384xf32> to vector<1000x128xf32>
    %mul3A_80 = arith.mulf %logistic3A_68, %slice3A_79 : vector<1000x128xf32>
    %add3A_81 = arith.addf %slice3A_78, %mul3A_80 : vector<1000x128xf32>
    %tanh3A = math.tanh %add3A_81 : vector<1000x128xf32>
    %sub3A = arith.constant 1.000000e+00 : f32
    %sub3A_82 = vector.broadcast %sub3A : f32 to vector<1000x128xf32>
    %sub3A_83 = arith.subf %sub3A_82, %logistic3A_77 : vector<1000x128xf32>
    %mul3A_84 = arith.mulf %sub3A_83, %tanh3A : vector<1000x128xf32>
    %mul3A_85 = arith.mulf %logistic3A_77, %get3A_1 : vector<1000x128xf32>
    %add3A_86 = arith.addf %mul3A_84, %mul3A_85 : vector<1000x128xf32>
    %swap3A = arith.constant 0 : index
    %swap3A_87 = arith.constant 0 : index
    %swap3A_88 = vector.load %arg12[%swap3A, %swap3A_87] : memref<1000x128xf32, #tpu.memory_space<vmem>>, vector<1000x128xf32>
    tpu.vector_store %arg12[%swap3A, %swap3A_87], %add3A_86 {strides = array<i32>} : memref<1000x128xf32, #tpu.memory_space<vmem>>, vector<1000x128xf32>,
    %convert_element_type3A = arith.truncf %add3A_86 : vector<1000x128xf32> to vector<1000x128xbf16>
    %convert_element_type3A_89 = arith.extf %convert_element_type3A : vector<1000x128xbf16> to vector<1000x128xf32>
    %swap3A_90 = arith.constant 0 : index
    %swap3A_91 = arith.constant 0 : index
    %swap3A_92 = vector.load %arg13[%swap3A_90, %swap3A_91] : memref<1000x128xf32, #tpu.memory_space<vmem>>, vector<1000x128xf32>
    tpu.vector_store %arg13[%swap3A_90, %swap3A_91], %convert_element_type3A_89 {strides = array<i32>} : memref<1000x128xf32, #tpu.memory_space<vmem>>, vector<1000x128xf32>,
    return
  }
  func.func @transform_0(%arg0: i32) -> (i32, i32, i32) {
    %c0_i32 = arith.constant 0 : i32
    %c0_i32_0 = arith.constant 0 : i32
    %c0_i32_1 = arith.constant 0 : i32
    return %c0_i32, %arg0, %c0_i32_0 : i32, i32, i32
  }
  func.func @transform_1(%arg0: i32) -> (i32, i32) {
    %c0_i32 = arith.constant 0 : i32
    %c0_i32_0 = arith.constant 0 : i32
    return %arg0, %c0_i32 : i32, i32
  }
  func.func @transform_2(%arg0: i32) -> (i32, i32, i32) {
    %c0_i32 = arith.constant 0 : i32
    %c0_i32_0 = arith.constant 0 : i32
    %c0_i32_1 = arith.constant 0 : i32
    return %c0_i32, %arg0, %c0_i32_0 : i32, i32, i32
  }
  func.func @transform_3(%arg0: i32) -> (i32, i32) {
    %c0_i32 = arith.constant 0 : i32
    %c0_i32_0 = arith.constant 0 : i32
    %c0_i32_1 = arith.constant 0 : i32
    return %c0_i32, %c0_i32_0 : i32, i32
  }
  func.func @transform_4(%arg0: i32) -> (i32, i32) {
    %c0_i32 = arith.constant 0 : i32
    %c0_i32_0 = arith.constant 0 : i32
    %c0_i32_1 = arith.constant 0 : i32
    return %c0_i32, %c0_i32_0 : i32, i32
  }
  func.func @transform_5(%arg0: i32) -> (i32, i32) {
    %c0_i32 = arith.constant 0 : i32
    %c0_i32_0 = arith.constant 0 : i32
    %c0_i32_1 = arith.constant 0 : i32
    return %c0_i32, %c0_i32_0 : i32, i32
  }
  func.func @transform_6(%arg0: i32) -> (i32, i32) {
    %c0_i32 = arith.constant 0 : i32
    %c0_i32_0 = arith.constant 0 : i32
    %c0_i32_1 = arith.constant 0 : i32
    return %c0_i32, %c0_i32_0 : i32, i32
  }
  func.func @transform_7(%arg0: i32) -> (i32, i32) {
    %c0_i32 = arith.constant 0 : i32
    %c0_i32_0 = arith.constant 0 : i32
    %c0_i32_1 = arith.constant 0 : i32
    return %c0_i32, %c0_i32_0 : i32, i32
  }
  func.func @transform_8(%arg0: i32) -> (i32, i32) {
    %c0_i32 = arith.constant 0 : i32
    %c0_i32_0 = arith.constant 0 : i32
    %c0_i32_1 = arith.constant 0 : i32
    return %c0_i32, %c0_i32_0 : i32, i32
  }
  func.func @transform_9(%arg0: i32) -> (i32, i32) {
    %c0_i32 = arith.constant 0 : i32
    %c0_i32_0 = arith.constant 0 : i32
    %c0_i32_1 = arith.constant 0 : i32
    return %c0_i32, %c0_i32_0 : i32, i32
  }
  func.func @transform_10(%arg0: i32) -> (i32, i32) {
    %c0_i32 = arith.constant 0 : i32
    %c0_i32_0 = arith.constant 0 : i32
    %c0_i32_1 = arith.constant 0 : i32
    return %c0_i32, %c0_i32_0 : i32, i32
  }
  func.func @transform_11(%arg0: i32) -> (i32, i32) {
    %c0_i32 = arith.constant 0 : i32
    %c0_i32_0 = arith.constant 0 : i32
    return %arg0, %c0_i32 : i32, i32
  }
  func.func @transform_12(%arg0: i32) -> (i32, i32) {
    %c0_i32 = arith.constant 0 : i32
    %c0_i32_0 = arith.constant 0 : i32
    return %arg0, %c0_i32 : i32, i32
  }
}

module attributes {stable_mosaic.version = 14 : i64} {
  func.func @_gru_body(%arg0: i32, %arg1: memref<2x1000x128xf32, #tpu.memory_space<vmem>>, %arg2: memref<1000x128xf32, #tpu.memory_space<vmem>>, %arg3: memref<2x1000x128xf32, #tpu.memory_space<vmem>>, %arg4: memref<128x128xf32, #tpu.memory_space<vmem>>, %arg5: memref<128x128xf32, #tpu.memory_space<vmem>>, %arg6: memref<1x128xf32, #tpu.memory_space<vmem>>, %arg7: memref<1x128xf32, #tpu.memory_space<vmem>>, %arg8: memref<128x384xf32, #tpu.memory_space<vmem>>, %arg9: memref<128x384xf32, #tpu.memory_space<vmem>>, %arg10: memref<1x384xf32, #tpu.memory_space<vmem>>, %arg11: memref<1x384xf32, #tpu.memory_space<vmem>>, %arg12: memref<1000x128xf32, #tpu.memory_space<vmem>>, %arg13: memref<1000x128xf32, #tpu.memory_space<vmem>>) attributes {dimension_semantics = [#tpu.dimension_semantics<arbitrary>], iteration_bounds = array<i64: 10>, scalar_prefetch = 0 : i64, scratch_operands = 0 : i64, tpu.core_type = #tpu.core_type<tc>, window_params = [{transform_indices = @transform_0, window_bounds = array<i64: 2, 1000, 128>}, {transform_indices = @transform_1, window_bounds = array<i64: 1000, 128>}, {transform_indices = @transform_2, window_bounds = array<i64: 2, 1000, 128>}, {pipeline_mode = #tpu.pipeline_mode<synchronous>, transform_indices = @transform_3, window_bounds = array<i64: 128, 128>}, {pipeline_mode = #tpu.pipeline_mode<synchronous>, transform_indices = @transform_4, window_bounds = array<i64: 128, 128>}, {pipeline_mode = #tpu.pipeline_mode<synchronous>, transform_indices = @transform_5, window_bounds = array<i64: 1, 128>}, {pipeline_mode = #tpu.pipeline_mode<synchronous>, transform_indices = @transform_6, window_bounds = array<i64: 1, 128>}, {pipeline_mode = #tpu.pipeline_mode<synchronous>, transform_indices = @transform_7, window_bounds = array<i64: 128, 384>}, {pipeline_mode = #tpu.pipeline_mode<synchronous>, transform_indices = @transform_8, window_bounds = array<i64: 128, 384>}, {pipeline_mode = #tpu.pipeline_mode<synchronous>, transform_indices = @transform_9, window_bounds = array<i64: 1, 384>}, {pipeline_mode = #tpu.pipeline_mode<synchronous>, transform_indices = @transform_10, window_bounds = array<i64: 1, 384>}, {transform_indices = @transform_11, window_bounds = array<i64: 1000, 128>}, {transform_indices = @transform_12, window_bounds = array<i64: 1000, 128>}]} {
    %get3A = arith.constant 0 : index
    %get3A_0 = arith.constant 0 : index
    %get3A_1 = vector.load %arg2[%get3A, %get3A_0] : memref<1000x128xf32, #tpu.memory_space<vmem>>, vector<1000x128xf32>
    %get3A_2 = arith.constant 0 : index
    %get3A_3 = arith.constant 0 : index
    %get3A_4 = arith.constant 0 : index
    %get3A_5 = vector.load %arg1[%get3A_2, %get3A_3, %get3A_4] : memref<2x1000x128xf32, #tpu.memory_space<vmem>>, vector<1x1000x128xf32>
    %get3A_6 = vector.shape_cast %get3A_5 : vector<1x1000x128xf32> to vector<1000x128xf32>
    %get3A_7 = arith.constant 0 : index
    %get3A_8 = arith.constant 0 : index
    %get3A_9 = vector.load %arg4[%get3A_7, %get3A_8] : memref<128x128xf32, #tpu.memory_space<vmem>>, vector<128x128xf32>
    %dot_general3A = arith.constant dense<0.000000e+00> : vector<1000x128xf32>
    %dot_general3A_10 = tpu.matmul %get3A_6, %get3A_9, %dot_general3A {dimension_numbers = #tpu.dot_dimension_numbers<[1], [0], [0], [1], [0, 0, 1, 1], [], []>, precision = #tpu.contract_precision<fp32>, transpose_lhs_hint = false} : vector<1000x128xf32>, vector<128x128xf32>, vector<1000x128xf32> -> vector<1000x128xf32>
    %get3A_11 = arith.constant 1 : index
    %get3A_12 = arith.constant 0 : index
    %get3A_13 = arith.constant 0 : index
    %get3A_14 = vector.load %arg1[%get3A_11, %get3A_12, %get3A_13] : memref<2x1000x128xf32, #tpu.memory_space<vmem>>, vector<1x1000x128xf32>
    %get3A_15 = vector.shape_cast %get3A_14 : vector<1x1000x128xf32> to vector<1000x128xf32>
    %get3A_16 = arith.constant 0 : index
    %get3A_17 = arith.constant 0 : index
    %get3A_18 = vector.load %arg5[%get3A_16, %get3A_17] : memref<128x128xf32, #tpu.memory_space<vmem>>, vector<128x128xf32>
    %dot_general3A_19 = arith.constant dense<0.000000e+00> : vector<1000x128xf32>
    %dot_general3A_20 = tpu.matmul %get3A_15, %get3A_18, %dot_general3A_19 {dimension_numbers = #tpu.dot_dimension_numbers<[1], [0], [0], [1], [0, 0, 1, 1], [], []>, precision = #tpu.contract_precision<fp32>, transpose_lhs_hint = false} : vector<1000x128xf32>, vector<128x128xf32>, vector<1000x128xf32> -> vector<1000x128xf32>
    %add3A = arith.addf %dot_general3A_10, %dot_general3A_20 : vector<1000x128xf32>
    %get3A_21 = arith.constant 0 : index
    %get3A_22 = arith.constant 0 : index
    %get3A_23 = arith.constant 0 : index
    %get3A_24 = vector.load %arg3[%get3A_21, %get3A_22, %get3A_23] : memref<2x1000x128xf32, #tpu.memory_space<vmem>>, vector<1x1000x128xf32>
    %get3A_25 = vector.shape_cast %get3A_24 : vector<1x1000x128xf32> to vector<1000x128xf32>
    %get3A_26 = arith.constant 0 : index
    %get3A_27 = arith.constant 0 : index
    %get3A_28 = vector.load %arg6[%get3A_26, %get3A_27] : memref<1x128xf32, #tpu.memory_space<vmem>>, vector<1x128xf32>
    %mul3A = vector.broadcast %get3A_28 : vector<1x128xf32> to vector<1000x128xf32>
    %mul3A_29 = arith.mulf %get3A_25, %mul3A : vector<1000x128xf32>
    %add3A_30 = arith.addf %add3A, %mul3A_29 : vector<1000x128xf32>
    %get3A_31 = arith.constant 1 : index
    %get3A_32 = arith.constant 0 : index
    %get3A_33 = arith.constant 0 : index
    %get3A_34 = vector.load %arg3[%get3A_31, %get3A_32, %get3A_33] : memref<2x1000x128xf32, #tpu.memory_space<vmem>>, vector<1x1000x128xf32>
    %get3A_35 = vector.shape_cast %get3A_34 : vector<1x1000x128xf32> to vector<1000x128xf32>
    %get3A_36 = arith.constant 0 : index
    %get3A_37 = arith.constant 0 : index
    %get3A_38 = vector.load %arg7[%get3A_36, %get3A_37] : memref<1x128xf32, #tpu.memory_space<vmem>>, vector<1x128xf32>
    %mul3A_39 = vector.broadcast %get3A_38 : vector<1x128xf32> to vector<1000x128xf32>
    %mul3A_40 = arith.mulf %get3A_35, %mul3A_39 : vector<1000x128xf32>
    %add3A_41 = arith.addf %add3A_30, %mul3A_40 : vector<1000x128xf32>
    %get3A_42 = arith.constant 0 : index
    %get3A_43 = arith.constant 0 : index
    %get3A_44 = vector.load %arg8[%get3A_42, %get3A_43] : memref<128x384xf32, #tpu.memory_space<vmem>>, vector<128x384xf32>
    %dot_general3A_45 = arith.constant dense<0.000000e+00> : vector<1000x384xf32>
    %dot_general3A_46 = tpu.matmul %add3A_41, %get3A_44, %dot_general3A_45 {dimension_numbers = #tpu.dot_dimension_numbers<[1], [0], [0], [1], [0, 0, 1, 1], [], []>, transpose_lhs_hint = false} : vector<1000x128xf32>, vector<128x384xf32>, vector<1000x384xf32> -> vector<1000x384xf32>
    %get3A_47 = arith.constant 0 : index
    %get3A_48 = arith.constant 0 : index
    %get3A_49 = vector.load %arg10[%get3A_47, %get3A_48] : memref<1x384xf32, #tpu.memory_space<vmem>>, vector<1x384xf32>
    %add3A_50 = vector.broadcast %get3A_49 : vector<1x384xf32> to vector<1000x384xf32>
    %add3A_51 = arith.addf %dot_general3A_46, %add3A_50 : vector<1000x384xf32>
    %get3A_52 = arith.constant 0 : index
    %get3A_53 = arith.constant 0 : index
    %get3A_54 = vector.load %arg9[%get3A_52, %get3A_53] : memref<128x384xf32, #tpu.memory_space<vmem>>, vector<128x384xf32>
    %dot_general3A_55 = arith.constant dense<0.000000e+00> : vector<1000x384xf32>
    %dot_general3A_56 = tpu.matmul %get3A_1, %get3A_54, %dot_general3A_55 {dimension_numbers = #tpu.dot_dimension_numbers<[1], [0], [0], [1], [0, 0, 1, 1], [], []>, transpose_lhs_hint = false} : vector<1000x128xf32>, vector<128x384xf32>, vector<1000x384xf32> -> vector<1000x384xf32>
    %get3A_57 = arith.constant 0 : index
    %get3A_58 = arith.constant 0 : index
    %get3A_59 = vector.load %arg11[%get3A_57, %get3A_58] : memref<1x384xf32, #tpu.memory_space<vmem>>, vector<1x384xf32>
    %add3A_60 = vector.broadcast %get3A_59 : vector<1x384xf32> to vector<1000x384xf32>
    %add3A_61 = arith.addf %dot_general3A_56, %add3A_60 : vector<1000x384xf32>
    %slice3A = vector.extract_strided_slice %add3A_51 {offsets = [0, 0], sizes = [1000, 128], strides = [1, 1]} : vector<1000x384xf32> to vector<1000x128xf32>
    %slice3A_62 = vector.extract_strided_slice %add3A_61 {offsets = [0, 0], sizes = [1000, 128], strides = [1, 1]} : vector<1000x384xf32> to vector<1000x128xf32>
    %add3A_63 = arith.addf %slice3A, %slice3A_62 : vector<1000x128xf32>
    %logistic3A = arith.negf %add3A_63 : vector<1000x128xf32>
    %logistic3A_64 = math.exp %logistic3A : vector<1000x128xf32>
    %logistic3A_65 = arith.constant 1.000000e+00 : f32
    %logistic3A_66 = vector.broadcast %logistic3A_65 : f32 to vector<1000x128xf32>
    %logistic3A_67 = arith.addf %logistic3A_66, %logistic3A_64 : vector<1000x128xf32>
    %logistic3A_68 = arith.divf %logistic3A_66, %logistic3A_67 : vector<1000x128xf32>
    %slice3A_69 = vector.extract_strided_slice %add3A_51 {offsets = [0, 128], sizes = [1000, 128], strides = [1, 1]} : vector<1000x384xf32> to vector<1000x128xf32>
    %slice3A_70 = vector.extract_strided_slice %add3A_61 {offsets = [0, 128], sizes = [1000, 128], strides = [1, 1]} : vector<1000x384xf32> to vector<1000x128xf32>
    %add3A_71 = arith.addf %slice3A_69, %slice3A_70 : vector<1000x128xf32>
    %logistic3A_72 = arith.negf %add3A_71 : vector<1000x128xf32>
    %logistic3A_73 = math.exp %logistic3A_72 : vector<1000x128xf32>
    %logistic3A_74 = arith.constant 1.000000e+00 : f32
    %logistic3A_75 = vector.broadcast %logistic3A_74 : f32 to vector<1000x128xf32>
    %logistic3A_76 = arith.addf %logistic3A_75, %logistic3A_73 : vector<1000x128xf32>
    %logistic3A_77 = arith.divf %logistic3A_75, %logistic3A_76 : vector<1000x128xf32>
    %slice3A_78 = vector.extract_strided_slice %add3A_51 {offsets = [0, 256], sizes = [1000, 128], strides = [1, 1]} : vector<1000x384xf32> to vector<1000x128xf32>
    %slice3A_79 = vector.extract_strided_slice %add3A_61 {offsets = [0, 256], sizes = [1000, 128], strides = [1, 1]} : vector<1000x384xf32> to vector<1000x128xf32>
    %mul3A_80 = arith.mulf %logistic3A_68, %slice3A_79 : vector<1000x128xf32>
    %add3A_81 = arith.addf %slice3A_78, %mul3A_80 : vector<1000x128xf32>
    %tanh3A = math.tanh %add3A_81 : vector<1000x128xf32>
    %sub3A = arith.constant 1.000000e+00 : f32
    %sub3A_82 = vector.broadcast %sub3A : f32 to vector<1000x128xf32>
    %sub3A_83 = arith.subf %sub3A_82, %logistic3A_77 : vector<1000x128xf32>
    %mul3A_84 = arith.mulf %sub3A_83, %tanh3A : vector<1000x128xf32>
    %mul3A_85 = arith.mulf %logistic3A_77, %get3A_1 : vector<1000x128xf32>
    %add3A_86 = arith.addf %mul3A_84, %mul3A_85 : vector<1000x128xf32>
    %swap3A = arith.constant 0 : index
    %swap3A_87 = arith.constant 0 : index
    %swap3A_88 = vector.load %arg12[%swap3A, %swap3A_87] : memref<1000x128xf32, #tpu.memory_space<vmem>>, vector<1000x128xf32>
    tpu.vector_store %arg12[%swap3A, %swap3A_87], %add3A_86 {strides = array<i32>} : memref<1000x128xf32, #tpu.memory_space<vmem>>, vector<1000x128xf32>,
    %convert_element_type3A = arith.truncf %add3A_86 : vector<1000x128xf32> to vector<1000x128xbf16>
    %convert_element_type3A_89 = arith.extf %convert_element_type3A : vector<1000x128xbf16> to vector<1000x128xf32>
    %swap3A_90 = arith.constant 0 : index
    %swap3A_91 = arith.constant 0 : index
    %swap3A_92 = vector.load %arg13[%swap3A_90, %swap3A_91] : memref<1000x128xf32, #tpu.memory_space<vmem>>, vector<1000x128xf32>
    tpu.vector_store %arg13[%swap3A_90, %swap3A_91], %convert_element_type3A_89 {strides = array<i32>} : memref<1000x128xf32, #tpu.memory_space<vmem>>, vector<1000x128xf32>,
    return
  }
  func.func @transform_0(%arg0: i32) -> (i32, i32, i32) {
    %c0_i32 = arith.constant 0 : i32
    %c0_i32_0 = arith.constant 0 : i32
    %c0_i32_1 = arith.constant 0 : i32
    return %c0_i32, %arg0, %c0_i32_0 : i32, i32, i32
  }
  func.func @transform_1(%arg0: i32) -> (i32, i32) {
    %c0_i32 = arith.constant 0 : i32
    %c0_i32_0 = arith.constant 0 : i32
    return %arg0, %c0_i32 : i32, i32
  }
  func.func @transform_2(%arg0: i32) -> (i32, i32, i32) {
    %c0_i32 = arith.constant 0 : i32
    %c0_i32_0 = arith.constant 0 : i32
    %c0_i32_1 = arith.constant 0 : i32
    return %c0_i32, %arg0, %c0_i32_0 : i32, i32, i32
  }
  func.func @transform_3(%arg0: i32) -> (i32, i32) {
    %c0_i32 = arith.constant 0 : i32
    %c0_i32_0 = arith.constant 0 : i32
    %c0_i32_1 = arith.constant 0 : i32
    return %c0_i32, %c0_i32_0 : i32, i32
  }
  func.func @transform_4(%arg0: i32) -> (i32, i32) {
    %c0_i32 = arith.constant 0 : i32
    %c0_i32_0 = arith.constant 0 : i32
    %c0_i32_1 = arith.constant 0 : i32
    return %c0_i32, %c0_i32_0 : i32, i32
  }
  func.func @transform_5(%arg0: i32) -> (i32, i32) {
    %c0_i32 = arith.constant 0 : i32
    %c0_i32_0 = arith.constant 0 : i32
    %c0_i32_1 = arith.constant 0 : i32
    return %c0_i32, %c0_i32_0 : i32, i32
  }
  func.func @transform_6(%arg0: i32) -> (i32, i32) {
    %c0_i32 = arith.constant 0 : i32
    %c0_i32_0 = arith.constant 0 : i32
    %c0_i32_1 = arith.constant 0 : i32
    return %c0_i32, %c0_i32_0 : i32, i32
  }
  func.func @transform_7(%arg0: i32) -> (i32, i32) {
    %c0_i32 = arith.constant 0 : i32
    %c0_i32_0 = arith.constant 0 : i32
    %c0_i32_1 = arith.constant 0 : i32
    return %c0_i32, %c0_i32_0 : i32, i32
  }
  func.func @transform_8(%arg0: i32) -> (i32, i32) {
    %c0_i32 = arith.constant 0 : i32
    %c0_i32_0 = arith.constant 0 : i32
    %c0_i32_1 = arith.constant 0 : i32
    return %c0_i32, %c0_i32_0 : i32, i32
  }
  func.func @transform_9(%arg0: i32) -> (i32, i32) {
    %c0_i32 = arith.constant 0 : i32
    %c0_i32_0 = arith.constant 0 : i32
    %c0_i32_1 = arith.constant 0 : i32
    return %c0_i32, %c0_i32_0 : i32, i32
  }
  func.func @transform_10(%arg0: i32) -> (i32, i32) {
    %c0_i32 = arith.constant 0 : i32
    %c0_i32_0 = arith.constant 0 : i32
    %c0_i32_1 = arith.constant 0 : i32
    return %c0_i32, %c0_i32_0 : i32, i32
  }
  func.func @transform_11(%arg0: i32) -> (i32, i32) {
    %c0_i32 = arith.constant 0 : i32
    %c0_i32_0 = arith.constant 0 : i32
    return %arg0, %c0_i32 : i32, i32
  }
  func.func @transform_12(%arg0: i32) -> (i32, i32) {
    %c0_i32 = arith.constant 0 : i32
    %c0_i32_0 = arith.constant 0 : i32
    return %arg0, %c0_i32 : i32, i32
  }
}

</mosaic_0001>

<sc_bundles>
// kernel: kernel.11.cloned.1.call-start
scs
__scs_entry_jumppad:
0x0: {  	(pc) =	sbr.rel $0x88, $3  }
0x1: {  	(tag) =	ssettag $0x0;
	lr =	simm.s32 $0x1  }
0x2: {  	[smem:$0x3F8E] =	sst lr;
	_ =	strace $0xD0000000  }
0x3: {  	_ = 	snop  }
0x4: {  	_ = 	snop  }
0x5: {  	_ = 	snop  }
0x6: {  	_ = 	snop  }
0x7: {  	_ = 	snop  }
__scs_overlays_trampoline_lowered:
0x8: {  	[smem:$0x3F9D] =	sst s0  }
0x9: {  	[smem:$0x3F9E] =	sst s1  }
0xa: {  	[smem:$0x3F9F] =	sst s2  }
0xb: {  	[smem:$0x3FA0] =	sst s3  }
0xc: {  	[smem:$0x3FA1] =	sst s4  }
0xd: {  	[smem:$0x3FA2] =	sst s5  }
0xe: {  	[smem:$0x3FA3] =	sst s6  }
0xf: {  	[smem:$0x3FA4] =	sst s7  }
0x10: {  	[smem:$0x3FA5] =	sst s8  }
0x11: {  	[smem:$0x3FA6] =	sst s9;
	s0 =	simm.s32 @!p0 $0x0  }
0x12: {  	s1 =	sld [smem:$0x3F8C];
	s0 =	simm.s32 @p0 $0x1  }
0x13: {  	[smem:$0x3FA7] =	sst s0;
	s0 =	simm.s32 @!p1 $0x0  }
0x14: {  	s2 =	sld [smem:$0x3F8B];
	s0 =	simm.s32 @p1 $0x1  }
0x15: {  	[smem:$0x3FA8] =	sst s0;
	s0 =	simm.s32 @!p2 $0x0  }
0x16: {  	s3 =	sld [smem:$0x3FDB];
	s0 =	simm.s32 @p2 $0x1  }
0x17: {  	s4 =	simm.s32 $0x1BF5;
	[smem:$0x3FAA] =	sst s0  }
0x18: {  	s0 =	sld [smem:$0x3F8D];
	_ =	swait.ge [sflag:s4], $0x0  }
0x19: {  	s7 =	sld [smem:$0x3F8E]  }
0x1a: {  	s8 =	sadd.s32 $0xFFFFE003, lr  }
0x1b: {  	s9 =	sadd.s32 $0xFFFFFEF7, lr;
	s5 =	simm.s32 $0xFFFFFFFF;
	p2 =	slt.u32 s8, $0xFFFFF086  }
0x1c: {  	p1 =	slt.u32 s9, $0xF7A;
	s5 =	simm.s32 @!p2 $0x0  }
0x1d: {  	s5 =	simm.s32 @p1 $0x1;
	p0 =	seq.s32 s7, s2  }
0x1e: {  	s7 =	smul.u32 @!p0 $0xF7A, s2;
	p2 =	seq.s32 @!p0 s5, $0x0  }
0x1f: {  	s9 =	smul.u32 $0xF7A, s1;
	s8 =	simm.s32 @!p0 $0x1BF5;
	p2 =	por !p2, p0  }
0x20: {  	[sflag:s8] =	ssyncset.s32 @!p0 $0xFFFFF086;
	s6 =	sadd.s32 @!p0 s3, s7;
	s7 =	simm.s32 @!p0 $0x108  }
0x21: {  	s3 =	sadd.s32 s3, s9;
	s6 =	sadd.s32 @!p0 $0x88, s6;
	s7 =	simm.s32 @p2 $0x1082  }
0x22: {  	[simem:s7], [sflag:s8] =	dma.local @!p0 [hbm:s6], $0xF7A  }
0x23: {  	s9 =	sor.u32 $0xD0000000, s2;
	s6 =	simm.s32 $0x108;
	_ =	swait.ge @!p0 [sflag:s8], $0x0  }
0x24: {  	s3 =	sadd.s32 $0x88, s3;
	s6 =	simm.s32 @!p1 $0x1082;
	[sflag:s4] =	ssyncset.s32 $0xFFFFF086  }
0x25: {  	[simem:s6], [sflag:s4] =	dma.local [hbm:s3], $0xF7A  }
0x26: {  	[smem:$0x3F8E] =	sst s1;
	(tag) =	ssettag s2;
	_ =	strace s9  }
0x27: {  	s1 =	sld [smem:$0x3F9E]  }
0x28: {  	s2 =	sld [smem:$0x3F9F]  }
0x29: {  	s4 =	sld [smem:$0x3FA1]  }
0x2a: {  	p0 =	seq.s32 s5, $0x0;
	s5 =	sld [smem:$0x3FA2]  }
0x2b: {  	s6 =	sld [smem:$0x3FA3]  }
0x2c: {  	s7 =	sld [smem:$0x3FA4]  }
0x2d: {  	s3 =	simm.s32 $0x108;
	s8 =	sld [smem:$0x3FA5]  }
0x2e: {  	s3 =	simm.s32 @!p0 $0x1082;
	s9 =	sld [smem:$0x3FA6]  }
0x2f: {  	lr =	sadd.s32 s0, s3;
	s0 =	sld [smem:$0x3F9D]  }
0x30: {  	s3 =	sld [smem:$0x3FA0]  }
0x31: {  	[smem:$0x3FA9] =	sst s10  }
0x32: {  	s10 =	sld [smem:$0x3FA7];
	_ =	sdelay $0x3  }
0x33: {  	p0 =	seq.s32 s10, $0x1;
	s10 =	sld [smem:$0x3FA9];
	_ =	sdelay $0x3  }
0x34: {  	[smem:$0x3FA9] =	sst s10  }
0x35: {  	s10 =	sld [smem:$0x3FA8];
	_ =	sdelay $0x3  }
0x36: {  	p1 =	seq.s32 s10, $0x1;
	s10 =	sld [smem:$0x3FA9];
	_ =	sdelay $0x3  }
0x37: {  	[smem:$0x3FA9] =	sst s10  }
0x38: {  	s10 =	sld [smem:$0x3FAA]  }
0x39: {  	_ = 	snop;
	(pc) =	sbr.ind lr, $3  }
0x3a: {  	_ = 	snop  }
0x3b: {  	_ = 	snop  }
0x3c: {  	p2 =	seq.s32 s10, $0x1;
	s10 =	sld [smem:$0x3FA9]  }
0x3d: {  	_ =	shalt  }
0x3e: {  	_ =	shalt  }
0x3f: {  	_ =	shalt  }
0x40: {  	_ =	shalt  }
0x41: {  	_ =	shalt  }
0x42: {  	_ =	shalt  }
0x43: {  	_ =	shalt  }
0x44: {  	_ =	shalt  }
0x45: {  	_ =	shalt  }
0x46: {  	_ =	shalt  }
0x47: {  	_ =	shalt  }
0x48: {  	_ =	shalt  }
0x49: {  	_ =	shalt  }
0x4a: {  	_ =	shalt  }
0x4b: {  	_ =	shalt  }
0x4c: {  	_ =	shalt  }
0x4d: {  	_ =	shalt  }
0x4e: {  	_ =	shalt  }
0x4f: {  	_ =	shalt  }
0x50: {  	_ =	shalt  }
0x51: {  	_ =	shalt  }
0x52: {  	_ =	shalt  }
0x53: {  	_ =	shalt  }
0x54: {  	_ =	shalt  }
0x55: {  	_ =	shalt  }
0x56: {  	_ =	shalt  }
0x57: {  	_ =	shalt  }
0x58: {  	_ =	shalt  }
0x59: {  	_ =	shalt  }
0x5a: {  	_ =	shalt  }
0x5b: {  	_ =	shalt  }
0x5c: {  	_ =	shalt  }
0x5d: {  	_ =	shalt  }
0x5e: {  	_ =	shalt  }
0x5f: {  	_ =	shalt  }
0x60: {  	_ =	shalt  }
0x61: {  	_ =	shalt  }
0x62: {  	_ =	shalt  }
0x63: {  	_ =	shalt  }
0x64: {  	_ =	shalt  }
0x65: {  	_ =	shalt  }
0x66: {  	_ =	shalt  }
0x67: {  	_ =	shalt  }
0x68: {  	_ =	shalt  }
0x69: {  	_ =	shalt  }
0x6a: {  	_ =	shalt  }
0x6b: {  	_ =	shalt  }
0x6c: {  	_ =	shalt  }
0x6d: {  	_ =	shalt  }
0x6e: {  	_ =	shalt  }
0x6f: {  	_ =	shalt  }
0x70: {  	_ =	shalt  }
0x71: {  	_ =	shalt  }
0x72: {  	_ =	shalt  }
0x73: {  	_ =	shalt  }
0x74: {  	_ =	shalt  }
0x75: {  	_ =	shalt  }
0x76: {  	_ =	shalt  }
0x77: {  	_ =	shalt  }
0x78: {  	_ =	shalt  }
0x79: {  	_ =	shalt  }
0x7a: {  	_ =	shalt  }
0x7b: {  	_ =	shalt  }
0x7c: {  	_ =	shalt  }
0x7d: {  	_ =	shalt  }
0x7e: {  	_ =	shalt  }
0x7f: {  	_ =	shalt  }
0x80: {  	_ =	shalt  }
0x81: {  	_ =	shalt  }
0x82: {  	_ =	shalt  }
0x83: {  	_ =	shalt  }
0x84: {  	_ =	shalt  }
0x85: {  	_ =	shalt  }
0x86: {  	_ =	shalt  }
0x87: {  	_ =	shalt  }
.Lfunc_end0:
.L_simem_size_0:
called_computation_lowered:
.L_overlay_start_0:
0x88: {  	s2 =	sld [smem:$0x3FD9]  }
0x89: {  	s3 =	sld [smem:$0x3FFE];
	_ =	sdelay $0x1  }
0x8a: {  	s1 =	srdreg.scid  }
0x8b: {  	s0 =	sand.u32 $0x1, s1  }
0x8c: {  	s17 =	sshll.u32 s0, $0xA;
	s2 =	sadd.s32 s3, s2  }
0x8d: {  	s2 =	sadd.s32 s2, s17  }
0x8e: {  	[smem:$0x3FB5] =	sst s2  }
0x8f: {  	_ = 	snop  }
0x90: {  	(tm) =	ssettm $0x1  }
0x91: {  	s18 =	sld [smem:$0x3FFB];
	_ =	sdelay $0x3  }
0x92: {  	_ =	strace s18  }
0x93: {  	s2 =	sld [smem:$0x3FFC];
	_ =	sdelay $0x3  }
0x94: {  	_ =	strace s2  }
0x95: {  	s2 =	sld [smem:$0x3FFD];
	_ =	sdelay $0x3  }
0x96: {  	_ =	strace s2  }
0x97: {  	_ =	strace $0x8FFFFFFF  }
0x98: {  	s19 =	sld [smem:$0x3FDB];
	_ =	sdelay $0x1  }
0x99: {  	s20 =	simm.s32 $_scs_section_size  }
0x9a: {  	s4 =	simm.s32 $_size__tile_overlayer_lowered;
	s5 =	simm.s32 $_tile_overlayer_lowered  }
0x9b: {  	s6 =	simm.s32 $0x1BFF;
	s21 =	sshll.u32 s5, $0x1;
	s3 =	sadd.s32 s20, s19  }
0x9c: {  	s22 =	simm.s32 $0x0;
	s4 =	sshll.u32 s4, $0x1;
	s5 =	sadd.s32 s21, s3  }
0x9d: {  	[timem:s22], [sflag:s6] =	dma.local [hbm:s5], s4  }
0x9e: {  	_ =	swait.ge [sflag:s6], s4  }
0x9f: {  	s4 =	ssub.s32 $0x0, s4;
	[sflag:s6] =	ssyncset.done $0x0  }
0xa0: {  	[sflag:s6] =	ssyncadd.s32 s4;
	_ =	sdelay $0x1  }
0xa1: {  	s23 =	simm.s32 $0x1B8B  }
0xa2: {  	_ =	swait.ge [sflag:s23], $0x1  }
0xa3: {  	[sflag:s23] =	ssyncset.done $0x0  }
0xa4: {  	[sflag:s23] =	ssyncadd.s32 $0xFFFFFFFF  }
0xa5: {  	s4 =	sld [smem:$0x0]  }
0xa6: {  	s5 =	sand.u32 $0xFFFFFFFE, s1  }
0xa7: {  	p0 =	sne.s32 s1, s5  }
0xa8: {  	s5 =	sshll.u32 @p0 s5, $0xE  }
0xa9: {  	s5 =	sadd.s32 @p0 $0x11B8D, s5;
	s6 =	sshll.u32 @p0 s4, $0x11  }
0xaa: {  	s5 =	sor.u32 @p0 s6, s5  }
0xab: {  	[sflag:s5] =	ssyncadd.remote.s32 @p0 $0x1;
	_ =	sdelay $0x1  }
0xac: {  	s5 =	simm.s32 @p0 $0x1B8D  }
0xad: {  	_ =	swait.eq @p0 [sflag:s5], $0x1  }
0xae: {  	[sflag:s5] =	ssyncadd.s32 @p0 $0xFFFFFFFF  }
0xaf: {  	s6 =	sshll.u32 @!p0 s1, $0xE  }
0xb0: {  	s6 =	sor.u32 @!p0 $0x4000, s6;
	s5 =	simm.s32 @!p0 $0x1B8D  }
0xb1: {  	s4 =	sshll.u32 @!p0 s4, $0x11;
	s6 =	sadd.s32 @!p0 $0x11B8D, s6;
	_ =	swait.eq @!p0 [sflag:s5], $0x1  }
0xb2: {  	s4 =	sor.u32 @!p0 s4, s6;
	[sflag:s5] =	ssyncadd.s32 @!p0 $0xFFFFFFFF  }
0xb3: {  	s25 =	simm.s32 $0x1B8E;
	s24 =	sld [smem:$0x3FFE];
	[sflag:s4] =	ssyncadd.remote.s32 @!p0 $0x1  }
0xb4: {  	s26 =	simm.s32 $execute0_lowered;
	[smem:$0x3FD2] =	sst s25  }
0xb5: {  	s5 =	sshll.u32 s26, $0x1;
	_ =	strace $0x80000049;
	[dreg:$0x1] =	wrdreg $0xFFFFFFFF  }
0xb6: {  	s28 =	simm.s32 $_size_execute0_lowered;
	s3 =	sadd.s32 s3, s5;
	[dreg:$0x0] =	wrdreg $0x0  }
0xb7: {  	s5 =	sshll.u32 s28, $0x1;
	[dreg:$0x2] =	wrdreg s3  }
0xb8: {  	[dreg:$0x3] =	wrdreg s5  }
0xb9: {  	[dreg:$0x4] =	wrdreg $0xC0  }
0xba: {  	_ =	task [dreg:s22], $0x5FFFF  }
0xbb: {  	[dreg:$0x1] =	wrdreg $0xFFFFFFFF  }
0xbc: {  	[dreg:$0x0] =	wrdreg $0x60  }
0xbd: {  	[dreg:$0x2] =	wrdreg s24  }
0xbe: {  	[dreg:$0x3] =	wrdreg $0x54000  }
0xbf: {  	[dreg:$0x4] =	wrdreg $0x9  }
0xc0: {  	_ =	task.clear_ibuf [dreg:s22], $0x5FFFF;
	_ =	strace $0x90000049  }
0xc1: {  	s29 =	simm.s32 $0x9;
	_ =	strace $0x8000004B  }
0xc2: {  	_ =	swait.ge [sflag:s29], $0x1  }
0xc3: {  	[sflag:s29] =	ssyncadd.s32 $0xFFFFFFFF  }
0xc4: {  	_ =	strace $0x9000004B  }
0xc5: {  	_ =	sfence  }
0xc6: {  	s30 =	sld [smem:$0x0];
	_ =	sdelay $0x2  }
0xc7: {  	s31 =	sshll.u32 s1, $0xD;
	s1 =	sshrl.u32 s1, $0x2  }
0xc8: {  	s4 =	sand.u32 $0x4000, s31;
	s1 =	sadd.s32 s1, s30  }
0xc9: {  	s0 =	sor.u32 s4, s0;
	s1 =	sshll.u32 s1, $0x11  }
0xca: {  	s0 =	sor.u32 s1, s0  }
0xcb: {  	s0 =	sadd.s32 $0x8F2B, s0  }
0xcc: {  	[sflag:s0] =	ssyncadd.remote.s32 $0x1  }
0xcd: {  	_ =	sfence.sel $0xFFFF  }
0xce: {  	[dreg:$0x0] =	wrdreg $0xFFFFFFFF;
	(pc) =	sbr.abs _section_cstart, $3  }
0xcf: {  	[dreg:$0x1] =	wrdreg $0xFFFFFFFF  }
0xd0: {  	_ =	task.clear_ibuf [dreg:s22], $0x2FFFF;
	_ =	strace $0x9FFFFFFF  }
0xd1: {  	(tm) =	ssettm $0x7FFFFFFF  }
tec
execute0_lowered:
.L_overlay_start_1:
0x0: {  	(tag) =	ssettag $0x1  }
0x1: {  	s4 =	rddreg [dreg:$0x0]  }
0x2: {  	s0 =	srdreg.scid;
	s2 =	rddreg [dreg:$0x1]  }
0x3: {  	s1 =	rddreg [dreg:$0x2];
	s5 =	sand.u32 $0x1, s0  }
0x4: {  	s3 =	simm.s32 $0x0;
	s0 =	stileid.u32;
	s6 =	smul.u32 $0x14000, s5  }
0x5: {  	s12 =	simm.s32 $0x1400;
	s13 =	simm.s32 $0x1;
	s7 =	smul.u32 $0x1400, s0  }
0x6: {  	s14 =	simm.s32 $0x80;
	[smem:$0x7FF] =	sst s3;
	s8 =	smul.u32 $0x140000, s5  }
0x7: {  	s9 =	smul.u32 $0x14000, s0;
	_ =	strace $0x8000004A;
	s5 =	ssub.s32 $0x2, s5  }
0x8: {  	s29 =	smul.u32 $0x50000, s0;
	s15 =	sshll.u32 s0, $0x6;
	s30 =	sshrl.u32 s5, $0x1  }
0x9: {  	s15 =	sor.u32 $0x1C01, s15;
	s6 =	sadd.s32 s7, s6;
	s28 =	sadd.s32 s9, s8  }
0xa: {  	s8 =	sshrl.u32 s29, $0x2;
	s6 =	sshrl.u32 s6, $0x3;
	s7 =	sshrl.u32 s28, $0x3  }
0xb: {  	s31 =	ssub.s32 s5, s30;
	s6 =	sadd.s32 s6, s4;
	s7 =	sadd.s32 s7, s4  }
0xc: {  	s4 =	sadd.s32 s8, s2;
	s5 =	sadd.s32 $0x8600, s6;
	s6 =	sadd.s32 $0x5D600, s7  }
0xd: {  	s7 =	smax.u32 s31, $0x1;
	s8 =	sadd.s32 $0x4000, s4;
	s9 =	sadd.s32 $0x8000, s4  }
0xe: {  	v0 =	vimm.f32 $0.0e+00;
	v1 =	vimm.f32 $1.000000000e+00;
	s10 =	sadd.s32 $0xC000, s4;
	s11 =	sadd.s32 $0x10000, s4;
	s16 =	sshrl.u32 s4, $0x3  }
.LBB2_1:
0xf: {  	s17 =	simm.s32 $0x0;
	s18 =	simm.s32 $0x200  }
.LBB2_2:
0x10: {  	p0 =	sne.s32 s18, $0xFE00;
	[tilespmem:s17+$0x1470] =	vst v0  }
0x11: {  	[tilespmem:s17+$0x1400] =	vst v0  }
0x12: {  	[tilespmem:s17+$0x1410] =	vst v0  }
.Ltmp0:
0x13: {  	[tilespmem:s17+$0x1420] =	vst v0;
	(pc) =	sbr.rel @p0 .LBB2_2-.Ltmp0, $4  }
0x14: {  	[tilespmem:s17+$0x1430] =	vst v0  }
0x15: {  	[tilespmem:s17+$0x1440] =	vst v0  }
0x16: {  	[tilespmem:s17+$0x1450] =	vst v0  }
0x17: {  	[tilespmem:s17+$0x1460] =	vst v0;
	s17 =	sshra.s32 s18, $0x2;
	s18 =	sadd.s32 $0x200, s18  }
0x18: {  	[tilespmem:s17+$0x1470] =	vst v0  }
0x19: {  	[tilespmem:s17+$0x1400] =	vst v0  }
0x1a: {  	[tilespmem:s17+$0x1410] =	vst v0  }
0x1b: {  	[tilespmem:s17+$0x1420] =	vst v0  }
0x1c: {  	[tilespmem:s17+$0x1430] =	vst v0  }
0x1d: {  	[tilespmem:s17+$0x1440] =	vst v0  }
0x1e: {  	[tilespmem:s17+$0x1450] =	vst v0  }
0x1f: {  	[tilespmem:s17+$0x1460] =	vst v0  }
0x20: {  	[spmem:s4] =	stream.linear.scatter [tilespmem:s12], [sflag:$0x1], $0x4000, $0x38;
	[tilespmem:$0x19400] =	vst v63  }
0x21: {  	_ =	swait.ge [sflag:s13], $0x4000  }
0x22: {  	[sflag:s13] =	ssyncset.done $0x0  }
0x23: {  	[sflag:s13] =	ssyncadd.s32 $0xFFFFC000  }
0x24: {  	[spmem:s8] =	stream.linear.scatter [tilespmem:s12], [sflag:$0x1], $0x4000, $0x38;
	[tilespmem:$0x19400] =	vst v63  }
0x25: {  	_ =	swait.ge [sflag:s13], $0x4000  }
0x26: {  	[sflag:s13] =	ssyncset.done $0x0  }
0x27: {  	[sflag:s13] =	ssyncadd.s32 $0xFFFFC000  }
0x28: {  	[spmem:s9] =	stream.linear.scatter [tilespmem:s12], [sflag:$0x1], $0x4000, $0x38;
	[tilespmem:$0x19400] =	vst v63  }
0x29: {  	_ =	swait.ge [sflag:s13], $0x4000  }
0x2a: {  	[sflag:s13] =	ssyncset.done $0x0  }
0x2b: {  	[sflag:s13] =	ssyncadd.s32 $0xFFFFC000  }
0x2c: {  	[spmem:s10] =	stream.linear.scatter [tilespmem:s12], [sflag:$0x1], $0x4000, $0x38;
	[tilespmem:$0x19400] =	vst v63  }
0x2d: {  	_ =	swait.ge [sflag:s13], $0x4000  }
0x2e: {  	[sflag:s13] =	ssyncset.done $0x0  }
0x2f: {  	[sflag:s13] =	ssyncadd.s32 $0xFFFFC000  }
0x30: {  	[spmem:s11] =	stream.linear.scatter [tilespmem:s12], [sflag:$0x1], $0x4000, $0x38;
	[tilespmem:$0x19400] =	vst v63  }
0x31: {  	_ =	swait.ge [sflag:s13], $0x4000  }
0x32: {  	[sflag:s13] =	ssyncset.done $0x0  }
0x33: {  	s17 =	simm.s32 $0x0;
	s18 =	simm.s32 $0x200;
	[sflag:s13] =	ssyncadd.s32 $0xFFFFC000  }
.LBB2_4:
0x34: {  	p0 =	sne.s32 s18, $0xFE00;
	[tilespmem:s17+$0x1470] =	vst v1  }
0x35: {  	[tilespmem:s17+$0x1400] =	vst v1  }
0x36: {  	[tilespmem:s17+$0x1410] =	vst v1  }
.Ltmp1:
0x37: {  	[tilespmem:s17+$0x1420] =	vst v1;
	(pc) =	sbr.rel @p0 .LBB2_4-.Ltmp1, $4  }
0x38: {  	[tilespmem:s17+$0x1430] =	vst v1  }
0x39: {  	[tilespmem:s17+$0x1440] =	vst v1  }
0x3a: {  	[tilespmem:s17+$0x1450] =	vst v1  }
0x3b: {  	[tilespmem:s17+$0x1460] =	vst v1;
	s17 =	sshra.s32 s18, $0x2;
	s18 =	sadd.s32 $0x200, s18  }
0x3c: {  	[tilespmem:s17+$0x1470] =	vst v1  }
0x3d: {  	[tilespmem:s17+$0x1400] =	vst v1  }
0x3e: {  	[tilespmem:s17+$0x1410] =	vst v1  }
0x3f: {  	[tilespmem:s17+$0x1420] =	vst v1  }
0x40: {  	[tilespmem:s17+$0x1430] =	vst v1  }
0x41: {  	[tilespmem:s17+$0x1440] =	vst v1  }
0x42: {  	[tilespmem:s17+$0x1450] =	vst v1  }
0x43: {  	[tilespmem:s17+$0x1460] =	vst v1  }
0x44: {  	s30 =	simm.s32 $0x0;
	[bflag:$0x0] =	sbarrier.arrive $0xFFFF  }
0x45: {  	[tilespmem:s30], [sflag:$0x1] =	stream.linear.gather [hbm4b:s5+s30], $0x1400, $0x38;
	[tilespmem:$0x19400] =	vst v63  }
0x46: {  	_ =	swait.ge [sflag:s13], $0x1400  }
0x47: {  	[sflag:s13] =	ssyncset.done $0x0  }
0x48: {  	s31 =	simm.s32 $0x0;
	[sflag:s13] =	ssyncadd.s32 $0xFFFFEC00  }
0x49: {  	[spmem:s2] =	stream.indirect.scatter.add.f32 [tilespmem:s12], [sflag:$0x1], $0x80, s31, s14, $0xb8;
	[tilespmem:$0x19400] =	vst v63  }
0x4a: {  	_ =	swait.ge [sflag:s13], $0x4000  }
0x4b: {  	s17 =	simm.s32 $0x200;
	[sflag:s13] =	ssyncset.done $0x0  }
.LBB2_6:
0x4c: {  	s18 =	sshra.s32 s17, $0x2;
	[sflag:s13] =	ssyncadd.s32 $0xFFFFC000;
	p0 =	sne.s32 s17, $0x4E00  }
0x4d: {  	[spmem:s2] =	stream.indirect.scatter.add.f32 [tilespmem:s12], [sflag:$0x1], $0x80, s18, s14, $0xb8;
	[tilespmem:$0x19400] =	vst v63  }
.Ltmp2:
0x4e: {  	_ = 	snop;
	(pc) =	sbr.rel @p0 .LBB2_6-.Ltmp2, $4  }
0x4f: {  	_ = 	snop  }
0x50: {  	s17 =	sadd.s32 $0x200, s17  }
0x51: {  	_ =	swait.ge [sflag:s13], $0x4000  }
0x52: {  	[sflag:s13] =	ssyncset.done $0x0  }
0x53: {  	s3 =	sadd.s32 $0x1, s3  }
0x54: {  	[sflag:s13] =	ssyncadd.s32 $0xFFFFC000;
	p0 =	sne.s32 s3, s7  }
.Ltmp3:
0x55: {  	[bflag:$0x0] =	sbarrier.arrive $0xFFFF;
	(pc) =	sbr.rel @p0 .LBB2_1-.Ltmp3, $4  }
0x56: {  	[hbm:s6], [sflag:s15] =	dma.local [spmem:s16], $0x2800  }
0x57: {  	_ =	swait.ge [sflag:s13], $0x2800  }
0x58: {  	[sflag:s13] =	ssyncset.done $0x0  }
0x59: {  	[sflag:s13] =	ssyncadd.s32 $0xFFFFD800  }
0x5a: {  	_ =	sfence.sel $0x180000  }
0x5b: {  	[bflag:$0x0] =	sbarrier.arrive $0xFFFF  }
0x5c: {  	p0 =	sne.s32 s0, $0x0;
	_ =	strace $0x9000004A  }
0x5d: {  	s0 =	sadd.s32 @!p0 $0x100000, s1;
	[bflag:$0x2] =	sbarrier.arrive $0xFFFF  }
0x5e: {  	[sflag:s0] =	ssyncadd.tile.s32 @!p0 $0x1;
	_ =	shalt  }
.Lfunc_end2:
_tile_overlayer_lowered:
.L_overlay_start_2:
0x5f: {  	(tag) =	ssettag $0x2  }
0x60: {  	s0 =	rddreg [dreg:$0x0];
	s2 =	stileid.u32  }
0x61: {  	s1 =	rddreg [dreg:$0x1];
	p0 =	sne.s32 s2, $0x0  }
0x62: {  	s3 =	rddreg [dreg:$0x2];
	[bflag:$0x3] =	sbarrier.arrive $0xFFFF;
	s2 =	simm.s32 @!p0 $0x1C01  }
0x63: {  	[timem:s3], [sflag:s2] =	dma.local @!p0 [hbm:s0], s1  }
0x64: {  	s0 =	simm.s32 @!p0 $0x1  }
0x65: {  	_ =	swait.ge @!p0 [sflag:s0], s1  }
0x66: {  	s1 =	ssub.s32 @!p0 $0x0, s1;
	[sflag:s0] =	ssyncset.done @!p0 $0x0  }
0x67: {  	[sflag:s0] =	ssyncadd.s32 @!p0 s1  }
0x68: {  	[bflag:$0x3] =	sbarrier.arrive $0xFFFF  }
0x69: {  	_ =	shalt  }

// kernel: kernel.14.cloned.1.call-start
scs
__scs_entry_jumppad:
0x0: {  	(pc) =	sbr.rel $0x88, $3  }
0x1: {  	(tag) =	ssettag $0x0;
	lr =	simm.s32 $0x1  }
0x2: {  	[smem:$0x3F8E] =	sst lr;
	_ =	strace $0xD0000000  }
0x3: {  	_ = 	snop  }
0x4: {  	_ = 	snop  }
0x5: {  	_ = 	snop  }
0x6: {  	_ = 	snop  }
0x7: {  	_ = 	snop  }
__scs_overlays_trampoline_lowered:
0x8: {  	[smem:$0x3F9D] =	sst s0  }
0x9: {  	[smem:$0x3F9E] =	sst s1  }
0xa: {  	[smem:$0x3F9F] =	sst s2  }
0xb: {  	[smem:$0x3FA0] =	sst s3  }
0xc: {  	[smem:$0x3FA1] =	sst s4  }
0xd: {  	[smem:$0x3FA2] =	sst s5  }
0xe: {  	[smem:$0x3FA3] =	sst s6  }
0xf: {  	[smem:$0x3FA4] =	sst s7  }
0x10: {  	[smem:$0x3FA5] =	sst s8  }
0x11: {  	[smem:$0x3FA6] =	sst s9;
	s0 =	simm.s32 @!p0 $0x0  }
0x12: {  	s1 =	sld [smem:$0x3F8C];
	s0 =	simm.s32 @p0 $0x1  }
0x13: {  	[smem:$0x3FA7] =	sst s0;
	s0 =	simm.s32 @!p1 $0x0  }
0x14: {  	s2 =	sld [smem:$0x3F8B];
	s0 =	simm.s32 @p1 $0x1  }
0x15: {  	[smem:$0x3FA8] =	sst s0;
	s0 =	simm.s32 @!p2 $0x0  }
0x16: {  	s3 =	sld [smem:$0x3FDB];
	s0 =	simm.s32 @p2 $0x1  }
0x17: {  	s4 =	simm.s32 $0x1BF5;
	[smem:$0x3FAA] =	sst s0  }
0x18: {  	s0 =	sld [smem:$0x3F8D];
	_ =	swait.ge [sflag:s4], $0x0  }
0x19: {  	s7 =	sld [smem:$0x3F8E]  }
0x1a: {  	s8 =	sadd.s32 $0xFFFFE003, lr  }
0x1b: {  	s9 =	sadd.s32 $0xFFFFFEF7, lr;
	s5 =	simm.s32 $0xFFFFFFFF;
	p2 =	slt.u32 s8, $0xFFFFF086  }
0x1c: {  	p1 =	slt.u32 s9, $0xF7A;
	s5 =	simm.s32 @!p2 $0x0  }
0x1d: {  	s5 =	simm.s32 @p1 $0x1;
	p0 =	seq.s32 s7, s2  }
0x1e: {  	s7 =	smul.u32 @!p0 $0xF7A, s2;
	p2 =	seq.s32 @!p0 s5, $0x0  }
0x1f: {  	s9 =	smul.u32 $0xF7A, s1;
	s8 =	simm.s32 @!p0 $0x1BF5;
	p2 =	por !p2, p0  }
0x20: {  	[sflag:s8] =	ssyncset.s32 @!p0 $0xFFFFF086;
	s6 =	sadd.s32 @!p0 s3, s7;
	s7 =	simm.s32 @!p0 $0x108  }
0x21: {  	s3 =	sadd.s32 s3, s9;
	s6 =	sadd.s32 @!p0 $0x88, s6;
	s7 =	simm.s32 @p2 $0x1082  }
0x22: {  	[simem:s7], [sflag:s8] =	dma.local @!p0 [hbm:s6], $0xF7A  }
0x23: {  	s9 =	sor.u32 $0xD0000000, s2;
	s6 =	simm.s32 $0x108;
	_ =	swait.ge @!p0 [sflag:s8], $0x0  }
0x24: {  	s3 =	sadd.s32 $0x88, s3;
	s6 =	simm.s32 @!p1 $0x1082;
	[sflag:s4] =	ssyncset.s32 $0xFFFFF086  }
0x25: {  	[simem:s6], [sflag:s4] =	dma.local [hbm:s3], $0xF7A  }
0x26: {  	[smem:$0x3F8E] =	sst s1;
	(tag) =	ssettag s2;
	_ =	strace s9  }
0x27: {  	s1 =	sld [smem:$0x3F9E]  }
0x28: {  	s2 =	sld [smem:$0x3F9F]  }
0x29: {  	s4 =	sld [smem:$0x3FA1]  }
0x2a: {  	p0 =	seq.s32 s5, $0x0;
	s5 =	sld [smem:$0x3FA2]  }
0x2b: {  	s6 =	sld [smem:$0x3FA3]  }
0x2c: {  	s7 =	sld [smem:$0x3FA4]  }
0x2d: {  	s3 =	simm.s32 $0x108;
	s8 =	sld [smem:$0x3FA5]  }
0x2e: {  	s3 =	simm.s32 @!p0 $0x1082;
	s9 =	sld [smem:$0x3FA6]  }
0x2f: {  	lr =	sadd.s32 s0, s3;
	s0 =	sld [smem:$0x3F9D]  }
0x30: {  	s3 =	sld [smem:$0x3FA0]  }
0x31: {  	[smem:$0x3FA9] =	sst s10  }
0x32: {  	s10 =	sld [smem:$0x3FA7];
	_ =	sdelay $0x3  }
0x33: {  	p0 =	seq.s32 s10, $0x1;
	s10 =	sld [smem:$0x3FA9];
	_ =	sdelay $0x3  }
0x34: {  	[smem:$0x3FA9] =	sst s10  }
0x35: {  	s10 =	sld [smem:$0x3FA8];
	_ =	sdelay $0x3  }
0x36: {  	p1 =	seq.s32 s10, $0x1;
	s10 =	sld [smem:$0x3FA9];
	_ =	sdelay $0x3  }
0x37: {  	[smem:$0x3FA9] =	sst s10  }
0x38: {  	s10 =	sld [smem:$0x3FAA]  }
0x39: {  	_ = 	snop;
	(pc) =	sbr.ind lr, $3  }
0x3a: {  	_ = 	snop  }
0x3b: {  	_ = 	snop  }
0x3c: {  	p2 =	seq.s32 s10, $0x1;
	s10 =	sld [smem:$0x3FA9]  }
0x3d: {  	_ =	shalt  }
0x3e: {  	_ =	shalt  }
0x3f: {  	_ =	shalt  }
0x40: {  	_ =	shalt  }
0x41: {  	_ =	shalt  }
0x42: {  	_ =	shalt  }
0x43: {  	_ =	shalt  }
0x44: {  	_ =	shalt  }
0x45: {  	_ =	shalt  }
0x46: {  	_ =	shalt  }
0x47: {  	_ =	shalt  }
0x48: {  	_ =	shalt  }
0x49: {  	_ =	shalt  }
0x4a: {  	_ =	shalt  }
0x4b: {  	_ =	shalt  }
0x4c: {  	_ =	shalt  }
0x4d: {  	_ =	shalt  }
0x4e: {  	_ =	shalt  }
0x4f: {  	_ =	shalt  }
0x50: {  	_ =	shalt  }
0x51: {  	_ =	shalt  }
0x52: {  	_ =	shalt  }
0x53: {  	_ =	shalt  }
0x54: {  	_ =	shalt  }
0x55: {  	_ =	shalt  }
0x56: {  	_ =	shalt  }
0x57: {  	_ =	shalt  }
0x58: {  	_ =	shalt  }
0x59: {  	_ =	shalt  }
0x5a: {  	_ =	shalt  }
0x5b: {  	_ =	shalt  }
0x5c: {  	_ =	shalt  }
0x5d: {  	_ =	shalt  }
0x5e: {  	_ =	shalt  }
0x5f: {  	_ =	shalt  }
0x60: {  	_ =	shalt  }
0x61: {  	_ =	shalt  }
0x62: {  	_ =	shalt  }
0x63: {  	_ =	shalt  }
0x64: {  	_ =	shalt  }
0x65: {  	_ =	shalt  }
0x66: {  	_ =	shalt  }
0x67: {  	_ =	shalt  }
0x68: {  	_ =	shalt  }
0x69: {  	_ =	shalt  }
0x6a: {  	_ =	shalt  }
0x6b: {  	_ =	shalt  }
0x6c: {  	_ =	shalt  }
0x6d: {  	_ =	shalt  }
0x6e: {  	_ =	shalt  }
0x6f: {  	_ =	shalt  }
0x70: {  	_ =	shalt  }
0x71: {  	_ =	shalt  }
0x72: {  	_ =	shalt  }
0x73: {  	_ =	shalt  }
0x74: {  	_ =	shalt  }
0x75: {  	_ =	shalt  }
0x76: {  	_ =	shalt  }
0x77: {  	_ =	shalt  }
0x78: {  	_ =	shalt  }
0x79: {  	_ =	shalt  }
0x7a: {  	_ =	shalt  }
0x7b: {  	_ =	shalt  }
0x7c: {  	_ =	shalt  }
0x7d: {  	_ =	shalt  }
0x7e: {  	_ =	shalt  }
0x7f: {  	_ =	shalt  }
0x80: {  	_ =	shalt  }
0x81: {  	_ =	shalt  }
0x82: {  	_ =	shalt  }
0x83: {  	_ =	shalt  }
0x84: {  	_ =	shalt  }
0x85: {  	_ =	shalt  }
0x86: {  	_ =	shalt  }
0x87: {  	_ =	shalt  }
.Lfunc_end0:
.L_simem_size_0:
called_computation.1_lowered:
.L_overlay_start_0:
0x88: {  	s2 =	sld [smem:$0x3FD9]  }
0x89: {  	s3 =	sld [smem:$0x3FFE];
	_ =	sdelay $0x1  }
0x8a: {  	s1 =	srdreg.scid  }
0x8b: {  	s0 =	sand.u32 $0x1, s1  }
0x8c: {  	s17 =	sshll.u32 s0, $0xA;
	s2 =	sadd.s32 s3, s2  }
0x8d: {  	s2 =	sadd.s32 s2, s17  }
0x8e: {  	[smem:$0x3FB5] =	sst s2  }
0x8f: {  	_ = 	snop  }
0x90: {  	s2 =	sld [smem:$0x3FD0];
	(tm) =	ssettm $0x1  }
0x91: {  	s18 =	sld [smem:$0x3FFB];
	_ =	sdelay $0x3  }
0x92: {  	_ =	strace s18  }
0x93: {  	s3 =	sld [smem:$0x3FFC];
	_ =	sdelay $0x3  }
0x94: {  	_ =	strace s3  }
0x95: {  	s3 =	sld [smem:$0x3FFD];
	_ =	sdelay $0x3  }
0x96: {  	_ =	strace s3  }
0x97: {  	_ =	strace $0x8FFFFFFF  }
0x98: {  	s19 =	sld [smem:$0x3FDB];
	_ =	sdelay $0x1  }
0x99: {  	s4 =	simm.s32 $_scs_section_size  }
0x9a: {  	s5 =	simm.s32 $_size__tile_overlayer_lowered;
	s6 =	simm.s32 $_tile_overlayer_lowered  }
0x9b: {  	s22 =	simm.s32 $0x1BFF;
	s21 =	sshll.u32 s6, $0x1;
	s3 =	sadd.s32 s4, s19  }
0x9c: {  	s7 =	simm.s32 $0x0;
	s20 =	sshll.u32 s5, $0x1;
	s5 =	sadd.s32 s21, s3  }
0x9d: {  	[timem:s7], [sflag:s22] =	dma.local [hbm:s5], s20  }
0x9e: {  	_ =	swait.ge [sflag:s22], s20  }
0x9f: {  	s4 =	ssub.s32 $0x0, s20;
	[sflag:s22] =	ssyncset.done $0x0  }
0xa0: {  	[sflag:s22] =	ssyncadd.s32 s4;
	_ =	sdelay $0x1  }
0xa1: {  	s23 =	simm.s32 $0x1B8B  }
0xa2: {  	_ =	swait.ge [sflag:s23], $0x1  }
0xa3: {  	[sflag:s23] =	ssyncset.done $0x0  }
0xa4: {  	s25 =	simm.s32 $0x1B8E;
	s24 =	sld [smem:$0x3FFE];
	[sflag:s23] =	ssyncadd.s32 $0xFFFFFFFF  }
0xa5: {  	s26 =	simm.s32 $execute0_lowered;
	[smem:$0x3FD2] =	sst s25  }
0xa6: {  	s5 =	sshll.u32 s26, $0x1;
	_ =	strace $0x80000046;
	[dreg:$0x1] =	wrdreg $0xFFFFFFFF  }
0xa7: {  	s28 =	simm.s32 $_size_execute0_lowered;
	s3 =	sadd.s32 s3, s5;
	[dreg:$0x0] =	wrdreg $0x0  }
0xa8: {  	s5 =	sshll.u32 s28, $0x1;
	[dreg:$0x2] =	wrdreg s3  }
0xa9: {  	[dreg:$0x3] =	wrdreg s5  }
0xaa: {  	[dreg:$0x4] =	wrdreg $0xC0  }
0xab: {  	_ =	task [dreg:s7], $0x5FFFF  }
0xac: {  	[dreg:$0x1] =	wrdreg $0xFFFFFFFF  }
0xad: {  	[dreg:$0x0] =	wrdreg $0x60  }
0xae: {  	[dreg:$0x2] =	wrdreg s2  }
0xaf: {  	[dreg:$0x3] =	wrdreg s24  }
0xb0: {  	[dreg:$0x4] =	wrdreg $0xA8000  }
0xb1: {  	[dreg:$0x5] =	wrdreg $0xA  }
0xb2: {  	_ =	task.clear_ibuf [dreg:s7], $0x6FFFF;
	_ =	strace $0x90000046  }
0xb3: {  	s29 =	simm.s32 $0xA;
	_ =	strace $0x80000048  }
0xb4: {  	_ =	swait.ge [sflag:s29], $0x1  }
0xb5: {  	[sflag:s29] =	ssyncadd.s32 $0xFFFFFFFF  }
0xb6: {  	_ =	strace $0x90000048  }
0xb7: {  	_ =	sfence  }
0xb8: {  	s30 =	sld [smem:$0x0];
	_ =	sdelay $0x2  }
0xb9: {  	s31 =	sshll.u32 s1, $0xD;
	s1 =	sshrl.u32 s1, $0x2  }
0xba: {  	s3 =	sand.u32 $0x4000, s31;
	s1 =	sadd.s32 s1, s30  }
0xbb: {  	s0 =	sor.u32 s3, s0;
	s1 =	sshll.u32 s1, $0x11  }
0xbc: {  	s0 =	sor.u32 s1, s0  }
0xbd: {  	s0 =	sadd.s32 $0x8F2B, s0  }
0xbe: {  	[sflag:s0] =	ssyncadd.remote.s32 $0x1  }
0xbf: {  	_ =	sfence.sel $0xFFFF  }
0xc0: {  	[dreg:$0x0] =	wrdreg $0xFFFFFFFF;
	(pc) =	sbr.abs _section_cstart, $3  }
0xc1: {  	[dreg:$0x1] =	wrdreg $0xFFFFFFFF  }
0xc2: {  	_ =	task.clear_ibuf [dreg:s7], $0x2FFFF;
	_ =	strace $0x9FFFFFFF  }
0xc3: {  	(tm) =	ssettm $0x7FFFFFFF  }
tec
execute0_lowered:
.L_overlay_start_1:
0x0: {  	(tag) =	ssettag $0x1  }
0x1: {  	s1 =	rddreg [dreg:$0x0]  }
0x2: {  	s5 =	rddreg [dreg:$0x1]  }
0x3: {  	s3 =	rddreg [dreg:$0x2]  }
0x4: {  	s0 =	srdreg.scid;
	s2 =	rddreg [dreg:$0x3]  }
0x5: {  	s4 =	simm.s32 $0x0;
	s14 =	simm.s32 $0x2800;
	s15 =	simm.s32 $0x3  }
0x6: {  	s16 =	simm.s32 $0x1400;
	s17 =	simm.s32 $0x80;
	s6 =	sand.u32 $0x1, s0  }
0x7: {  	s18 =	simm.s32 $0x6800;
	s0 =	stileid.u32;
	s7 =	smul.u32 $0x14000, s6  }
0x8: {  	s19 =	simm.s32 $0x1;
	s20 =	simm.s32 $0x2;
	s8 =	smul.u32 $0x1400, s0  }
0x9: {  	s21 =	simm.s32 $0x1380;
	s22 =	simm.s32 $0x2700;
	s9 =	smul.u32 $0x140000, s6  }
0xa: {  	s23 =	simm.s32 $0x2780;
	[smem:$0x7FF] =	sst s4;
	s30 =	smul.u32 $0x14000, s0  }
0xb: {  	_ =	strace $0x80000047;
	s10 =	smul.u32 $0x50000, s0;
	s6 =	ssub.s32 $0x2, s6  }
0xc: {  	s31 =	sshrl.u32 s6, $0x1;
	s7 =	sadd.s32 s8, s7;
	s8 =	sadd.s32 s30, s9  }
0xd: {  	s10 =	sshrl.u32 s10, $0x2;
	s9 =	ssub.s32 s6, s31;
	s7 =	sshrl.u32 s7, $0x3  }
0xe: {  	s8 =	sshrl.u32 s8, $0x3;
	s9 =	smax.u32 s9, $0x1;
	s7 =	sadd.s32 s7, s5  }
0xf: {  	s8 =	sadd.s32 s8, s5;
	s5 =	sadd.s32 s10, s3;
	s6 =	sadd.s32 $0x3600, s7  }
0x10: {  	s7 =	sadd.s32 $0x8600, s7;
	s8 =	sadd.s32 $0xD600, s8;
	s10 =	sadd.s32 $0x4000, s5  }
0x11: {  	v0 =	vimm.f32 $0.0e+00;
	s11 =	sadd.s32 $0x8000, s5;
	s12 =	sadd.s32 $0xC000, s5;
	s13 =	sadd.s32 $0x10000, s5  }
.LBB2_1:
0x12: {  	s24 =	simm.s32 $0x0;
	s25 =	simm.s32 $0x200  }
.LBB2_2:
0x13: {  	p0 =	sne.s32 s25, $0xFE00;
	[tilespmem:s24+$0x2870] =	vst v0  }
0x14: {  	[tilespmem:s24+$0x2800] =	vst v0  }
0x15: {  	[tilespmem:s24+$0x2810] =	vst v0  }
.Ltmp0:
0x16: {  	[tilespmem:s24+$0x2820] =	vst v0;
	(pc) =	sbr.rel @p0 .LBB2_2-.Ltmp0, $4  }
0x17: {  	[tilespmem:s24+$0x2830] =	vst v0  }
0x18: {  	[tilespmem:s24+$0x2840] =	vst v0  }
0x19: {  	[tilespmem:s24+$0x2850] =	vst v0  }
0x1a: {  	[tilespmem:s24+$0x2860] =	vst v0;
	s24 =	sshra.s32 s25, $0x2;
	s25 =	sadd.s32 $0x200, s25  }
0x1b: {  	[tilespmem:s24+$0x2870] =	vst v0  }
0x1c: {  	[tilespmem:s24+$0x2800] =	vst v0  }
0x1d: {  	[tilespmem:s24+$0x2810] =	vst v0  }
0x1e: {  	[tilespmem:s24+$0x2820] =	vst v0  }
0x1f: {  	[tilespmem:s24+$0x2830] =	vst v0  }
0x20: {  	[tilespmem:s24+$0x2840] =	vst v0  }
0x21: {  	[tilespmem:s24+$0x2850] =	vst v0  }
0x22: {  	[tilespmem:s24+$0x2860] =	vst v0  }
0x23: {  	[spmem:s5] =	stream.linear.scatter [tilespmem:s14], [sflag:$0x3], $0x4000, $0x38;
	[tilespmem:$0x1E800] =	vst v63  }
0x24: {  	_ =	swait.ge [sflag:s15], $0x4000  }
0x25: {  	[sflag:s15] =	ssyncset.done $0x0  }
0x26: {  	[sflag:s15] =	ssyncadd.s32 $0xFFFFC000  }
0x27: {  	[spmem:s10] =	stream.linear.scatter [tilespmem:s14], [sflag:$0x3], $0x4000, $0x38;
	[tilespmem:$0x1E800] =	vst v63  }
0x28: {  	_ =	swait.ge [sflag:s15], $0x4000  }
0x29: {  	[sflag:s15] =	ssyncset.done $0x0  }
0x2a: {  	[sflag:s15] =	ssyncadd.s32 $0xFFFFC000  }
0x2b: {  	[spmem:s11] =	stream.linear.scatter [tilespmem:s14], [sflag:$0x3], $0x4000, $0x38;
	[tilespmem:$0x1E800] =	vst v63  }
0x2c: {  	_ =	swait.ge [sflag:s15], $0x4000  }
0x2d: {  	[sflag:s15] =	ssyncset.done $0x0  }
0x2e: {  	[sflag:s15] =	ssyncadd.s32 $0xFFFFC000  }
0x2f: {  	[spmem:s12] =	stream.linear.scatter [tilespmem:s14], [sflag:$0x3], $0x4000, $0x38;
	[tilespmem:$0x1E800] =	vst v63  }
0x30: {  	_ =	swait.ge [sflag:s15], $0x4000  }
0x31: {  	[sflag:s15] =	ssyncset.done $0x0  }
0x32: {  	[sflag:s15] =	ssyncadd.s32 $0xFFFFC000  }
0x33: {  	[spmem:s13] =	stream.linear.scatter [tilespmem:s14], [sflag:$0x3], $0x4000, $0x38;
	[tilespmem:$0x1E800] =	vst v63  }
0x34: {  	_ =	swait.ge [sflag:s15], $0x4000  }
0x35: {  	[sflag:s15] =	ssyncset.done $0x0  }
0x36: {  	[sflag:s15] =	ssyncadd.s32 $0xFFFFC000  }
0x37: {  	s26 =	simm.s32 $0x0;
	[bflag:$0x0] =	sbarrier.arrive $0xFFFF  }
0x38: {  	[tilespmem:s26], [sflag:$0x3] =	stream.linear.gather [hbm4b:s6+s26], $0x1400, $0x38;
	[tilespmem:$0x1E800] =	vst v63  }
0x39: {  	_ =	swait.ge [sflag:s15], $0x1400  }
0x3a: {  	[sflag:s15] =	ssyncset.done $0x0  }
0x3b: {  	[sflag:s15] =	ssyncadd.s32 $0xFFFFEC00  }
0x3c: {  	[tilespmem:s16], [sflag:$0x3] =	stream.linear.gather [hbm4b:s7+s26], $0x1400, $0x38;
	[tilespmem:$0x1E800] =	vst v63  }
0x3d: {  	_ =	swait.ge [sflag:s15], $0x1400  }
0x3e: {  	[sflag:s15] =	ssyncset.done $0x0  }
0x3f: {  	[sflag:s15] =	ssyncadd.s32 $0xFFFFEC00  }
0x40: {  	[tilespmem:s14], [sflag:$0x1] =	stream.indirect.gather [hbm4b:s1+s17], $0x80, s26, s17, $0xb8;
	[tilespmem:$0x1E800] =	vst v63  }
0x41: {  	s28 =	simm.s32 $0x80  }
0x42: {  	[tilespmem:s18], [sflag:$0x2] =	stream.indirect.gather [hbm4b:s1+s17], $0x80, s28, s17, $0xb8;
	[tilespmem:$0x1E800] =	vst v63  }
0x43: {  	_ =	swait.ge [sflag:s19], $0x4000  }
0x44: {  	[sflag:s19] =	ssyncset.done $0x0  }
0x45: {  	s29 =	simm.s32 $0x1400;
	[sflag:s19] =	ssyncadd.s32 $0xFFFFC000  }
0x46: {  	[spmem:s3] =	stream.indirect.scatter.add.f32 [tilespmem:s14], [sflag:$0x3], $0x80, s29, s17, $0xb8;
	[tilespmem:$0x1E800] =	vst v63  }
0x47: {  	_ =	swait.ge [sflag:s15], $0x4000  }
0x48: {  	[sflag:s15] =	ssyncset.done $0x0  }
0x49: {  	s30 =	simm.s32 $0x100;
	[sflag:s15] =	ssyncadd.s32 $0xFFFFC000  }
0x4a: {  	[tilespmem:s14], [sflag:$0x1] =	stream.indirect.gather [hbm4b:s1+s17], $0x80, s30, s17, $0xb8;
	[tilespmem:$0x1E800] =	vst v63  }
0x4b: {  	_ =	swait.ge [sflag:s20], $0x4000  }
0x4c: {  	[sflag:s20] =	ssyncset.done $0x0  }
0x4d: {  	s31 =	simm.s32 $0x1480;
	[sflag:s20] =	ssyncadd.s32 $0xFFFFC000  }
0x4e: {  	[spmem:s3] =	stream.indirect.scatter.add.f32 [tilespmem:s18], [sflag:$0x3], $0x80, s31, s17, $0xb8;
	[tilespmem:$0x1E800] =	vst v63  }
0x4f: {  	_ =	swait.ge [sflag:s15], $0x4000  }
0x50: {  	s25 =	simm.s32 $0x800;
	s24 =	simm.s32 $0x100;
	[sflag:s15] =	ssyncset.done $0x0  }
.LBB2_4:
0x51: {  	s26 =	sadd.s32 $0x80, s24  }
0x52: {  	[sflag:s15] =	ssyncadd.s32 $0xFFFFC000;
	s28 =	smov.u32 s25;
	s29 =	sadd.s32 $0x400, s25  }
0x53: {  	[tilespmem:s18], [sflag:$0x2] =	stream.indirect.gather [hbm4b:s1+s17], $0x80, s26, s17, $0xb8;
	[tilespmem:$0x1E800] =	vst v63  }
0x54: {  	p0 =	sne.s32 s25, $0x4800;
	_ =	swait.ge [sflag:s19], $0x4000  }
0x55: {  	[sflag:s19] =	ssyncset.done $0x0  }
0x56: {  	s25 =	sadd.s32 $0x1400, s24;
	[sflag:s19] =	ssyncadd.s32 $0xFFFFC000  }
0x57: {  	[spmem:s3] =	stream.indirect.scatter.add.f32 [tilespmem:s14], [sflag:$0x3], $0x80, s25, s17, $0xb8;
	[tilespmem:$0x1E800] =	vst v63  }
0x58: {  	_ =	swait.ge [sflag:s15], $0x4000  }
0x59: {  	[sflag:s15] =	ssyncset.done $0x0  }
0x5a: {  	s25 =	sadd.s32 $0x100, s24;
	[sflag:s15] =	ssyncadd.s32 $0xFFFFC000  }
0x5b: {  	[tilespmem:s14], [sflag:$0x1] =	stream.indirect.gather [hbm4b:s1+s17], $0x80, s25, s17, $0xb8;
	[tilespmem:$0x1E800] =	vst v63  }
0x5c: {  	_ =	swait.ge [sflag:s20], $0x4000  }
.Ltmp1:
0x5d: {  	[sflag:s20] =	ssyncset.done $0x0;
	(pc) =	sbr.rel @p0 .LBB2_4-.Ltmp1, $4  }
0x5e: {  	s24 =	sadd.s32 $0x1480, s24;
	[sflag:s20] =	ssyncadd.s32 $0xFFFFC000  }
0x5f: {  	[spmem:s3] =	stream.indirect.scatter.add.f32 [tilespmem:s18], [sflag:$0x3], $0x80, s24, s17, $0xb8;
	[tilespmem:$0x1E800] =	vst v63  }
0x60: {  	_ =	swait.ge [sflag:s15], $0x4000  }
0x61: {  	s25 =	smov.u32 s29;
	s24 =	sshra.s32 s28, $0x2;
	[sflag:s15] =	ssyncset.done $0x0  }
0x62: {  	s25 =	sadd.s32 $0x80, s24;
	[sflag:s15] =	ssyncadd.s32 $0xFFFFC000  }
0x63: {  	[tilespmem:s18], [sflag:$0x2] =	stream.indirect.gather [hbm4b:s1+s17], $0x80, s25, s17, $0xb8;
	[tilespmem:$0x1E800] =	vst v63  }
0x64: {  	_ =	swait.ge [sflag:s19], $0x4000  }
0x65: {  	[sflag:s19] =	ssyncset.done $0x0  }
0x66: {  	s26 =	sadd.s32 $0x1400, s24;
	[sflag:s19] =	ssyncadd.s32 $0xFFFFC000  }
0x67: {  	[spmem:s3] =	stream.indirect.scatter.add.f32 [tilespmem:s14], [sflag:$0x3], $0x80, s26, s17, $0xb8;
	[tilespmem:$0x1E800] =	vst v63  }
0x68: {  	_ =	swait.ge [sflag:s15], $0x4000  }
0x69: {  	[sflag:s15] =	ssyncset.done $0x0  }
0x6a: {  	s28 =	sadd.s32 $0x100, s24;
	[sflag:s15] =	ssyncadd.s32 $0xFFFFC000  }
0x6b: {  	[tilespmem:s14], [sflag:$0x1] =	stream.indirect.gather [hbm4b:s1+s17], $0x80, s28, s17, $0xb8;
	[tilespmem:$0x1E800] =	vst v63  }
0x6c: {  	_ =	swait.ge [sflag:s20], $0x4000  }
0x6d: {  	[sflag:s20] =	ssyncset.done $0x0  }
0x6e: {  	s29 =	sadd.s32 $0x1480, s24;
	[sflag:s20] =	ssyncadd.s32 $0xFFFFC000  }
0x6f: {  	[spmem:s3] =	stream.indirect.scatter.add.f32 [tilespmem:s18], [sflag:$0x3], $0x80, s29, s17, $0xb8;
	[tilespmem:$0x1E800] =	vst v63  }
0x70: {  	_ =	swait.ge [sflag:s15], $0x4000  }
0x71: {  	[sflag:s15] =	ssyncset.done $0x0  }
0x72: {  	[sflag:s15] =	ssyncadd.s32 $0xFFFFC000  }
0x73: {  	[tilespmem:s18], [sflag:$0x2] =	stream.indirect.gather [hbm4b:s1+s17], $0x80, s21, s17, $0xb8;
	[tilespmem:$0x1E800] =	vst v63  }
0x74: {  	_ =	swait.ge [sflag:s19], $0x4000  }
0x75: {  	[sflag:s19] =	ssyncset.done $0x0  }
0x76: {  	[sflag:s19] =	ssyncadd.s32 $0xFFFFC000  }
0x77: {  	[spmem:s3] =	stream.indirect.scatter.add.f32 [tilespmem:s14], [sflag:$0x3], $0x80, s22, s17, $0xb8;
	[tilespmem:$0x1E800] =	vst v63  }
0x78: {  	_ =	swait.ge [sflag:s15], $0x4000  }
0x79: {  	[sflag:s15] =	ssyncset.done $0x0  }
0x7a: {  	[sflag:s15] =	ssyncadd.s32 $0xFFFFC000  }
0x7b: {  	_ =	swait.ge [sflag:s20], $0x4000  }
0x7c: {  	[sflag:s20] =	ssyncset.done $0x0  }
0x7d: {  	[sflag:s20] =	ssyncadd.s32 $0xFFFFC000  }
0x7e: {  	[spmem:s3] =	stream.indirect.scatter.add.f32 [tilespmem:s18], [sflag:$0x3], $0x80, s23, s17, $0xb8;
	[tilespmem:$0x1E800] =	vst v63  }
0x7f: {  	_ =	swait.ge [sflag:s15], $0x4000  }
0x80: {  	s30 =	sshll.u32 s0, $0x6;
	s4 =	sadd.s32 $0x1, s4;
	[sflag:s15] =	ssyncset.done $0x0  }
0x81: {  	s31 =	sshrl.u32 s5, $0x3;
	p0 =	sne.s32 s4, s9;
	[sflag:s15] =	ssyncadd.s32 $0xFFFFC000  }
.Ltmp2:
0x82: {  	s24 =	sor.u32 $0x1C03, s30;
	[bflag:$0x0] =	sbarrier.arrive $0xFFFF;
	(pc) =	sbr.rel @p0 .LBB2_1-.Ltmp2, $4  }
0x83: {  	[hbm:s8], [sflag:s24] =	dma.local [spmem:s31], $0x2800  }
0x84: {  	_ =	swait.ge [sflag:s15], $0x2800  }
0x85: {  	[sflag:s15] =	ssyncset.done $0x0  }
0x86: {  	[sflag:s15] =	ssyncadd.s32 $0xFFFFD800  }
0x87: {  	_ =	sfence.sel $0x180000  }
0x88: {  	[bflag:$0x0] =	sbarrier.arrive $0xFFFF  }
0x89: {  	p0 =	sne.s32 s0, $0x0;
	_ =	strace $0x90000047  }
0x8a: {  	s0 =	sadd.s32 @!p0 $0x100000, s2;
	[bflag:$0x2] =	sbarrier.arrive $0xFFFF  }
0x8b: {  	[sflag:s0] =	ssyncadd.tile.s32 @!p0 $0x1;
	_ =	shalt  }
.Lfunc_end2:
_tile_overlayer_lowered:
.L_overlay_start_2:
0x8c: {  	(tag) =	ssettag $0x2  }
0x8d: {  	s0 =	rddreg [dreg:$0x0];
	s2 =	stileid.u32  }
0x8e: {  	s1 =	rddreg [dreg:$0x1];
	p0 =	sne.s32 s2, $0x0  }
0x8f: {  	s3 =	rddreg [dreg:$0x2];
	[bflag:$0x3] =	sbarrier.arrive $0xFFFF;
	s2 =	simm.s32 @!p0 $0x1C03  }
0x90: {  	[timem:s3], [sflag:s2] =	dma.local @!p0 [hbm:s0], s1  }
0x91: {  	s0 =	simm.s32 @!p0 $0x3  }
0x92: {  	_ =	swait.ge @!p0 [sflag:s0], s1  }
0x93: {  	s1 =	ssub.s32 @!p0 $0x0, s1;
	[sflag:s0] =	ssyncset.done @!p0 $0x0  }
0x94: {  	[sflag:s0] =	ssyncadd.s32 @!p0 s1  }
0x95: {  	[bflag:$0x3] =	sbarrier.arrive $0xFFFF  }
0x96: {  	_ =	shalt  }

// kernel: kernel.17.cloned.1.call-start
scs
__scs_entry_jumppad:
0x0: {  	(pc) =	sbr.rel $0x88, $3  }
0x1: {  	(tag) =	ssettag $0x0;
	lr =	simm.s32 $0x1  }
0x2: {  	[smem:$0x3F8E] =	sst lr;
	_ =	strace $0xD0000000  }
0x3: {  	_ = 	snop  }
0x4: {  	_ = 	snop  }
0x5: {  	_ = 	snop  }
0x6: {  	_ = 	snop  }
0x7: {  	_ = 	snop  }
__scs_overlays_trampoline_lowered:
0x8: {  	[smem:$0x3F9D] =	sst s0  }
0x9: {  	[smem:$0x3F9E] =	sst s1  }
0xa: {  	[smem:$0x3F9F] =	sst s2  }
0xb: {  	[smem:$0x3FA0] =	sst s3  }
0xc: {  	[smem:$0x3FA1] =	sst s4  }
0xd: {  	[smem:$0x3FA2] =	sst s5  }
0xe: {  	[smem:$0x3FA3] =	sst s6  }
0xf: {  	[smem:$0x3FA4] =	sst s7  }
0x10: {  	[smem:$0x3FA5] =	sst s8  }
0x11: {  	[smem:$0x3FA6] =	sst s9;
	s0 =	simm.s32 @!p0 $0x0  }
0x12: {  	s1 =	sld [smem:$0x3F8C];
	s0 =	simm.s32 @p0 $0x1  }
0x13: {  	[smem:$0x3FA7] =	sst s0;
	s0 =	simm.s32 @!p1 $0x0  }
0x14: {  	s2 =	sld [smem:$0x3F8B];
	s0 =	simm.s32 @p1 $0x1  }
0x15: {  	[smem:$0x3FA8] =	sst s0;
	s0 =	simm.s32 @!p2 $0x0  }
0x16: {  	s3 =	sld [smem:$0x3FDB];
	s0 =	simm.s32 @p2 $0x1  }
0x17: {  	s4 =	simm.s32 $0x1BF5;
	[smem:$0x3FAA] =	sst s0  }
0x18: {  	s0 =	sld [smem:$0x3F8D];
	_ =	swait.ge [sflag:s4], $0x0  }
0x19: {  	s7 =	sld [smem:$0x3F8E]  }
0x1a: {  	s8 =	sadd.s32 $0xFFFFE003, lr  }
0x1b: {  	s9 =	sadd.s32 $0xFFFFFEF7, lr;
	s5 =	simm.s32 $0xFFFFFFFF;
	p2 =	slt.u32 s8, $0xFFFFF086  }
0x1c: {  	p1 =	slt.u32 s9, $0xF7A;
	s5 =	simm.s32 @!p2 $0x0  }
0x1d: {  	s5 =	simm.s32 @p1 $0x1;
	p0 =	seq.s32 s7, s2  }
0x1e: {  	s7 =	smul.u32 @!p0 $0xF7A, s2;
	p2 =	seq.s32 @!p0 s5, $0x0  }
0x1f: {  	s9 =	smul.u32 $0xF7A, s1;
	s8 =	simm.s32 @!p0 $0x1BF5;
	p2 =	por !p2, p0  }
0x20: {  	[sflag:s8] =	ssyncset.s32 @!p0 $0xFFFFF086;
	s6 =	sadd.s32 @!p0 s3, s7;
	s7 =	simm.s32 @!p0 $0x108  }
0x21: {  	s3 =	sadd.s32 s3, s9;
	s6 =	sadd.s32 @!p0 $0x88, s6;
	s7 =	simm.s32 @p2 $0x1082  }
0x22: {  	[simem:s7], [sflag:s8] =	dma.local @!p0 [hbm:s6], $0xF7A  }
0x23: {  	s9 =	sor.u32 $0xD0000000, s2;
	s6 =	simm.s32 $0x108;
	_ =	swait.ge @!p0 [sflag:s8], $0x0  }
0x24: {  	s3 =	sadd.s32 $0x88, s3;
	s6 =	simm.s32 @!p1 $0x1082;
	[sflag:s4] =	ssyncset.s32 $0xFFFFF086  }
0x25: {  	[simem:s6], [sflag:s4] =	dma.local [hbm:s3], $0xF7A  }
0x26: {  	[smem:$0x3F8E] =	sst s1;
	(tag) =	ssettag s2;
	_ =	strace s9  }
0x27: {  	s1 =	sld [smem:$0x3F9E]  }
0x28: {  	s2 =	sld [smem:$0x3F9F]  }
0x29: {  	s4 =	sld [smem:$0x3FA1]  }
0x2a: {  	p0 =	seq.s32 s5, $0x0;
	s5 =	sld [smem:$0x3FA2]  }
0x2b: {  	s6 =	sld [smem:$0x3FA3]  }
0x2c: {  	s7 =	sld [smem:$0x3FA4]  }
0x2d: {  	s3 =	simm.s32 $0x108;
	s8 =	sld [smem:$0x3FA5]  }
0x2e: {  	s3 =	simm.s32 @!p0 $0x1082;
	s9 =	sld [smem:$0x3FA6]  }
0x2f: {  	lr =	sadd.s32 s0, s3;
	s0 =	sld [smem:$0x3F9D]  }
0x30: {  	s3 =	sld [smem:$0x3FA0]  }
0x31: {  	[smem:$0x3FA9] =	sst s10  }
0x32: {  	s10 =	sld [smem:$0x3FA7];
	_ =	sdelay $0x3  }
0x33: {  	p0 =	seq.s32 s10, $0x1;
	s10 =	sld [smem:$0x3FA9];
	_ =	sdelay $0x3  }
0x34: {  	[smem:$0x3FA9] =	sst s10  }
0x35: {  	s10 =	sld [smem:$0x3FA8];
	_ =	sdelay $0x3  }
0x36: {  	p1 =	seq.s32 s10, $0x1;
	s10 =	sld [smem:$0x3FA9];
	_ =	sdelay $0x3  }
0x37: {  	[smem:$0x3FA9] =	sst s10  }
0x38: {  	s10 =	sld [smem:$0x3FAA]  }
0x39: {  	_ = 	snop;
	(pc) =	sbr.ind lr, $3  }
0x3a: {  	_ = 	snop  }
0x3b: {  	_ = 	snop  }
0x3c: {  	p2 =	seq.s32 s10, $0x1;
	s10 =	sld [smem:$0x3FA9]  }
0x3d: {  	_ =	shalt  }
0x3e: {  	_ =	shalt  }
0x3f: {  	_ =	shalt  }
0x40: {  	_ =	shalt  }
0x41: {  	_ =	shalt  }
0x42: {  	_ =	shalt  }
0x43: {  	_ =	shalt  }
0x44: {  	_ =	shalt  }
0x45: {  	_ =	shalt  }
0x46: {  	_ =	shalt  }
0x47: {  	_ =	shalt  }
0x48: {  	_ =	shalt  }
0x49: {  	_ =	shalt  }
0x4a: {  	_ =	shalt  }
0x4b: {  	_ =	shalt  }
0x4c: {  	_ =	shalt  }
0x4d: {  	_ =	shalt  }
0x4e: {  	_ =	shalt  }
0x4f: {  	_ =	shalt  }
0x50: {  	_ =	shalt  }
0x51: {  	_ =	shalt  }
0x52: {  	_ =	shalt  }
0x53: {  	_ =	shalt  }
0x54: {  	_ =	shalt  }
0x55: {  	_ =	shalt  }
0x56: {  	_ =	shalt  }
0x57: {  	_ =	shalt  }
0x58: {  	_ =	shalt  }
0x59: {  	_ =	shalt  }
0x5a: {  	_ =	shalt  }
0x5b: {  	_ =	shalt  }
0x5c: {  	_ =	shalt  }
0x5d: {  	_ =	shalt  }
0x5e: {  	_ =	shalt  }
0x5f: {  	_ =	shalt  }
0x60: {  	_ =	shalt  }
0x61: {  	_ =	shalt  }
0x62: {  	_ =	shalt  }
0x63: {  	_ =	shalt  }
0x64: {  	_ =	shalt  }
0x65: {  	_ =	shalt  }
0x66: {  	_ =	shalt  }
0x67: {  	_ =	shalt  }
0x68: {  	_ =	shalt  }
0x69: {  	_ =	shalt  }
0x6a: {  	_ =	shalt  }
0x6b: {  	_ =	shalt  }
0x6c: {  	_ =	shalt  }
0x6d: {  	_ =	shalt  }
0x6e: {  	_ =	shalt  }
0x6f: {  	_ =	shalt  }
0x70: {  	_ =	shalt  }
0x71: {  	_ =	shalt  }
0x72: {  	_ =	shalt  }
0x73: {  	_ =	shalt  }
0x74: {  	_ =	shalt  }
0x75: {  	_ =	shalt  }
0x76: {  	_ =	shalt  }
0x77: {  	_ =	shalt  }
0x78: {  	_ =	shalt  }
0x79: {  	_ =	shalt  }
0x7a: {  	_ =	shalt  }
0x7b: {  	_ =	shalt  }
0x7c: {  	_ =	shalt  }
0x7d: {  	_ =	shalt  }
0x7e: {  	_ =	shalt  }
0x7f: {  	_ =	shalt  }
0x80: {  	_ =	shalt  }
0x81: {  	_ =	shalt  }
0x82: {  	_ =	shalt  }
0x83: {  	_ =	shalt  }
0x84: {  	_ =	shalt  }
0x85: {  	_ =	shalt  }
0x86: {  	_ =	shalt  }
0x87: {  	_ =	shalt  }
.Lfunc_end0:
.L_simem_size_0:
called_computation.2_lowered:
.L_overlay_start_0:
0x88: {  	s2 =	sld [smem:$0x3FD9]  }
0x89: {  	s3 =	sld [smem:$0x3FFE];
	_ =	sdelay $0x1  }
0x8a: {  	s1 =	srdreg.scid  }
0x8b: {  	s0 =	sand.u32 $0x1, s1  }
0x8c: {  	s17 =	sshll.u32 s0, $0xA;
	s2 =	sadd.s32 s3, s2  }
0x8d: {  	s2 =	sadd.s32 s2, s17  }
0x8e: {  	[smem:$0x3FB5] =	sst s2  }
0x8f: {  	_ = 	snop  }
0x90: {  	s2 =	sld [smem:$0x3FD0];
	(tm) =	ssettm $0x1  }
0x91: {  	s18 =	sld [smem:$0x3FFB];
	_ =	sdelay $0x3  }
0x92: {  	_ =	strace s18  }
0x93: {  	s3 =	sld [smem:$0x3FFC];
	_ =	sdelay $0x3  }
0x94: {  	_ =	strace s3  }
0x95: {  	s3 =	sld [smem:$0x3FFD];
	_ =	sdelay $0x3  }
0x96: {  	_ =	strace s3  }
0x97: {  	_ =	strace $0x8FFFFFFF  }
0x98: {  	s19 =	sld [smem:$0x3FDB];
	_ =	sdelay $0x1  }
0x99: {  	s4 =	simm.s32 $_scs_section_size  }
0x9a: {  	s5 =	simm.s32 $_size__tile_overlayer_lowered;
	s6 =	simm.s32 $_tile_overlayer_lowered  }
0x9b: {  	s22 =	simm.s32 $0x1BFF;
	s21 =	sshll.u32 s6, $0x1;
	s3 =	sadd.s32 s4, s19  }
0x9c: {  	s7 =	simm.s32 $0x0;
	s20 =	sshll.u32 s5, $0x1;
	s5 =	sadd.s32 s21, s3  }
0x9d: {  	[timem:s7], [sflag:s22] =	dma.local [hbm:s5], s20  }
0x9e: {  	_ =	swait.ge [sflag:s22], s20  }
0x9f: {  	s4 =	ssub.s32 $0x0, s20;
	[sflag:s22] =	ssyncset.done $0x0  }
0xa0: {  	[sflag:s22] =	ssyncadd.s32 s4;
	_ =	sdelay $0x1  }
0xa1: {  	s23 =	simm.s32 $0x1B8B  }
0xa2: {  	_ =	swait.ge [sflag:s23], $0x1  }
0xa3: {  	[sflag:s23] =	ssyncset.done $0x0  }
0xa4: {  	s25 =	simm.s32 $0x1B8E;
	s24 =	sld [smem:$0x3FFE];
	[sflag:s23] =	ssyncadd.s32 $0xFFFFFFFF  }
0xa5: {  	s26 =	simm.s32 $execute0_lowered;
	[smem:$0x3FD2] =	sst s25  }
0xa6: {  	s5 =	sshll.u32 s26, $0x1;
	_ =	strace $0x8000004C;
	[dreg:$0x1] =	wrdreg $0xFFFFFFFF  }
0xa7: {  	s28 =	simm.s32 $_size_execute0_lowered;
	s3 =	sadd.s32 s3, s5;
	[dreg:$0x0] =	wrdreg $0x0  }
0xa8: {  	s5 =	sshll.u32 s28, $0x1;
	[dreg:$0x2] =	wrdreg s3  }
0xa9: {  	[dreg:$0x3] =	wrdreg s5  }
0xaa: {  	[dreg:$0x4] =	wrdreg $0xC0  }
0xab: {  	_ =	task [dreg:s7], $0x5FFFF  }
0xac: {  	[dreg:$0x1] =	wrdreg $0xFFFFFFFF  }
0xad: {  	[dreg:$0x0] =	wrdreg $0x60  }
0xae: {  	[dreg:$0x2] =	wrdreg s2  }
0xaf: {  	[dreg:$0x3] =	wrdreg s24  }
0xb0: {  	[dreg:$0x4] =	wrdreg $0xA8000  }
0xb1: {  	[dreg:$0x5] =	wrdreg $0x9  }
0xb2: {  	_ =	task.clear_ibuf [dreg:s7], $0x6FFFF;
	_ =	strace $0x9000004C  }
0xb3: {  	s29 =	simm.s32 $0x9;
	_ =	strace $0x8000004E  }
0xb4: {  	_ =	swait.ge [sflag:s29], $0x1  }
0xb5: {  	[sflag:s29] =	ssyncadd.s32 $0xFFFFFFFF  }
0xb6: {  	_ =	strace $0x9000004E  }
0xb7: {  	_ =	sfence  }
0xb8: {  	s30 =	sld [smem:$0x0];
	_ =	sdelay $0x2  }
0xb9: {  	s31 =	sshll.u32 s1, $0xD;
	s1 =	sshrl.u32 s1, $0x2  }
0xba: {  	s3 =	sand.u32 $0x4000, s31;
	s1 =	sadd.s32 s1, s30  }
0xbb: {  	s0 =	sor.u32 s3, s0;
	s1 =	sshll.u32 s1, $0x11  }
0xbc: {  	s0 =	sor.u32 s1, s0  }
0xbd: {  	s0 =	sadd.s32 $0x8F2B, s0  }
0xbe: {  	[sflag:s0] =	ssyncadd.remote.s32 $0x1  }
0xbf: {  	_ =	sfence.sel $0xFFFF  }
0xc0: {  	[dreg:$0x0] =	wrdreg $0xFFFFFFFF;
	(pc) =	sbr.abs _section_cstart, $3  }
0xc1: {  	[dreg:$0x1] =	wrdreg $0xFFFFFFFF  }
0xc2: {  	_ =	task.clear_ibuf [dreg:s7], $0x2FFFF;
	_ =	strace $0x9FFFFFFF  }
0xc3: {  	(tm) =	ssettm $0x7FFFFFFF  }
tec
execute0_lowered:
.L_overlay_start_1:
0x0: {  	(tag) =	ssettag $0x1  }
0x1: {  	s1 =	rddreg [dreg:$0x0]  }
0x2: {  	s5 =	rddreg [dreg:$0x1]  }
0x3: {  	s3 =	rddreg [dreg:$0x2]  }
0x4: {  	s0 =	srdreg.scid;
	s2 =	rddreg [dreg:$0x3]  }
0x5: {  	s4 =	simm.s32 $0x0;
	s14 =	simm.s32 $0x2800;
	s15 =	simm.s32 $0x3  }
0x6: {  	s16 =	simm.s32 $0x1400;
	s17 =	simm.s32 $0x80;
	s6 =	sand.u32 $0x1, s0  }
0x7: {  	s18 =	simm.s32 $0x6800;
	s0 =	stileid.u32;
	s7 =	smul.u32 $0x14000, s6  }
0x8: {  	s19 =	simm.s32 $0x1;
	s20 =	simm.s32 $0x2;
	s8 =	smul.u32 $0x1400, s0  }
0x9: {  	s21 =	simm.s32 $0x1380;
	s22 =	simm.s32 $0x2700;
	s9 =	smul.u32 $0x140000, s6  }
0xa: {  	s23 =	simm.s32 $0x2780;
	[smem:$0x7FF] =	sst s4;
	s30 =	smul.u32 $0x14000, s0  }
0xb: {  	_ =	strace $0x8000004D;
	s10 =	smul.u32 $0x50000, s0;
	s6 =	ssub.s32 $0x2, s6  }
0xc: {  	s31 =	sshrl.u32 s6, $0x1;
	s7 =	sadd.s32 s8, s7;
	s8 =	sadd.s32 s30, s9  }
0xd: {  	s10 =	sshrl.u32 s10, $0x2;
	s9 =	ssub.s32 s6, s31;
	s7 =	sshrl.u32 s7, $0x3  }
0xe: {  	s8 =	sshrl.u32 s8, $0x3;
	s9 =	smax.u32 s9, $0x1;
	s7 =	sadd.s32 s7, s5  }
0xf: {  	s8 =	sadd.s32 s8, s5;
	s5 =	sadd.s32 s10, s3;
	s6 =	sadd.s32 $0x3600, s7  }
0x10: {  	s7 =	sadd.s32 $0x8600, s7;
	s8 =	sadd.s32 $0xD600, s8;
	s10 =	sadd.s32 $0x4000, s5  }
0x11: {  	v0 =	vimm.f32 $0.0e+00;
	s11 =	sadd.s32 $0x8000, s5;
	s12 =	sadd.s32 $0xC000, s5;
	s13 =	sadd.s32 $0x10000, s5  }
.LBB2_1:
0x12: {  	s24 =	simm.s32 $0x0;
	s25 =	simm.s32 $0x200  }
.LBB2_2:
0x13: {  	p0 =	sne.s32 s25, $0xFE00;
	[tilespmem:s24+$0x2870] =	vst v0  }
0x14: {  	[tilespmem:s24+$0x2800] =	vst v0  }
0x15: {  	[tilespmem:s24+$0x2810] =	vst v0  }
.Ltmp0:
0x16: {  	[tilespmem:s24+$0x2820] =	vst v0;
	(pc) =	sbr.rel @p0 .LBB2_2-.Ltmp0, $4  }
0x17: {  	[tilespmem:s24+$0x2830] =	vst v0  }
0x18: {  	[tilespmem:s24+$0x2840] =	vst v0  }
0x19: {  	[tilespmem:s24+$0x2850] =	vst v0  }
0x1a: {  	[tilespmem:s24+$0x2860] =	vst v0;
	s24 =	sshra.s32 s25, $0x2;
	s25 =	sadd.s32 $0x200, s25  }
0x1b: {  	[tilespmem:s24+$0x2870] =	vst v0  }
0x1c: {  	[tilespmem:s24+$0x2800] =	vst v0  }
0x1d: {  	[tilespmem:s24+$0x2810] =	vst v0  }
0x1e: {  	[tilespmem:s24+$0x2820] =	vst v0  }
0x1f: {  	[tilespmem:s24+$0x2830] =	vst v0  }
0x20: {  	[tilespmem:s24+$0x2840] =	vst v0  }
0x21: {  	[tilespmem:s24+$0x2850] =	vst v0  }
0x22: {  	[tilespmem:s24+$0x2860] =	vst v0  }
0x23: {  	[spmem:s5] =	stream.linear.scatter [tilespmem:s14], [sflag:$0x3], $0x4000, $0x38;
	[tilespmem:$0x1E800] =	vst v63  }
0x24: {  	_ =	swait.ge [sflag:s15], $0x4000  }
0x25: {  	[sflag:s15] =	ssyncset.done $0x0  }
0x26: {  	[sflag:s15] =	ssyncadd.s32 $0xFFFFC000  }
0x27: {  	[spmem:s10] =	stream.linear.scatter [tilespmem:s14], [sflag:$0x3], $0x4000, $0x38;
	[tilespmem:$0x1E800] =	vst v63  }
0x28: {  	_ =	swait.ge [sflag:s15], $0x4000  }
0x29: {  	[sflag:s15] =	ssyncset.done $0x0  }
0x2a: {  	[sflag:s15] =	ssyncadd.s32 $0xFFFFC000  }
0x2b: {  	[spmem:s11] =	stream.linear.scatter [tilespmem:s14], [sflag:$0x3], $0x4000, $0x38;
	[tilespmem:$0x1E800] =	vst v63  }
0x2c: {  	_ =	swait.ge [sflag:s15], $0x4000  }
0x2d: {  	[sflag:s15] =	ssyncset.done $0x0  }
0x2e: {  	[sflag:s15] =	ssyncadd.s32 $0xFFFFC000  }
0x2f: {  	[spmem:s12] =	stream.linear.scatter [tilespmem:s14], [sflag:$0x3], $0x4000, $0x38;
	[tilespmem:$0x1E800] =	vst v63  }
0x30: {  	_ =	swait.ge [sflag:s15], $0x4000  }
0x31: {  	[sflag:s15] =	ssyncset.done $0x0  }
0x32: {  	[sflag:s15] =	ssyncadd.s32 $0xFFFFC000  }
0x33: {  	[spmem:s13] =	stream.linear.scatter [tilespmem:s14], [sflag:$0x3], $0x4000, $0x38;
	[tilespmem:$0x1E800] =	vst v63  }
0x34: {  	_ =	swait.ge [sflag:s15], $0x4000  }
0x35: {  	[sflag:s15] =	ssyncset.done $0x0  }
0x36: {  	[sflag:s15] =	ssyncadd.s32 $0xFFFFC000  }
0x37: {  	s26 =	simm.s32 $0x0;
	[bflag:$0x0] =	sbarrier.arrive $0xFFFF  }
0x38: {  	[tilespmem:s26], [sflag:$0x3] =	stream.linear.gather [hbm4b:s6+s26], $0x1400, $0x38;
	[tilespmem:$0x1E800] =	vst v63  }
0x39: {  	_ =	swait.ge [sflag:s15], $0x1400  }
0x3a: {  	[sflag:s15] =	ssyncset.done $0x0  }
0x3b: {  	[sflag:s15] =	ssyncadd.s32 $0xFFFFEC00  }
0x3c: {  	[tilespmem:s16], [sflag:$0x3] =	stream.linear.gather [hbm4b:s7+s26], $0x1400, $0x38;
	[tilespmem:$0x1E800] =	vst v63  }
0x3d: {  	_ =	swait.ge [sflag:s15], $0x1400  }
0x3e: {  	[sflag:s15] =	ssyncset.done $0x0  }
0x3f: {  	[sflag:s15] =	ssyncadd.s32 $0xFFFFEC00  }
0x40: {  	[tilespmem:s14], [sflag:$0x1] =	stream.indirect.gather [hbm4b:s1+s17], $0x80, s26, s17, $0xb8;
	[tilespmem:$0x1E800] =	vst v63  }
0x41: {  	s28 =	simm.s32 $0x80  }
0x42: {  	[tilespmem:s18], [sflag:$0x2] =	stream.indirect.gather [hbm4b:s1+s17], $0x80, s28, s17, $0xb8;
	[tilespmem:$0x1E800] =	vst v63  }
0x43: {  	_ =	swait.ge [sflag:s19], $0x4000  }
0x44: {  	[sflag:s19] =	ssyncset.done $0x0  }
0x45: {  	s29 =	simm.s32 $0x1400;
	[sflag:s19] =	ssyncadd.s32 $0xFFFFC000  }
0x46: {  	[spmem:s3] =	stream.indirect.scatter.add.f32 [tilespmem:s14], [sflag:$0x3], $0x80, s29, s17, $0xb8;
	[tilespmem:$0x1E800] =	vst v63  }
0x47: {  	_ =	swait.ge [sflag:s15], $0x4000  }
0x48: {  	[sflag:s15] =	ssyncset.done $0x0  }
0x49: {  	s30 =	simm.s32 $0x100;
	[sflag:s15] =	ssyncadd.s32 $0xFFFFC000  }
0x4a: {  	[tilespmem:s14], [sflag:$0x1] =	stream.indirect.gather [hbm4b:s1+s17], $0x80, s30, s17, $0xb8;
	[tilespmem:$0x1E800] =	vst v63  }
0x4b: {  	_ =	swait.ge [sflag:s20], $0x4000  }
0x4c: {  	[sflag:s20] =	ssyncset.done $0x0  }
0x4d: {  	s31 =	simm.s32 $0x1480;
	[sflag:s20] =	ssyncadd.s32 $0xFFFFC000  }
0x4e: {  	[spmem:s3] =	stream.indirect.scatter.add.f32 [tilespmem:s18], [sflag:$0x3], $0x80, s31, s17, $0xb8;
	[tilespmem:$0x1E800] =	vst v63  }
0x4f: {  	_ =	swait.ge [sflag:s15], $0x4000  }
0x50: {  	s25 =	simm.s32 $0x800;
	s24 =	simm.s32 $0x100;
	[sflag:s15] =	ssyncset.done $0x0  }
.LBB2_4:
0x51: {  	s26 =	sadd.s32 $0x80, s24  }
0x52: {  	[sflag:s15] =	ssyncadd.s32 $0xFFFFC000;
	s28 =	smov.u32 s25;
	s29 =	sadd.s32 $0x400, s25  }
0x53: {  	[tilespmem:s18], [sflag:$0x2] =	stream.indirect.gather [hbm4b:s1+s17], $0x80, s26, s17, $0xb8;
	[tilespmem:$0x1E800] =	vst v63  }
0x54: {  	p0 =	sne.s32 s25, $0x4800;
	_ =	swait.ge [sflag:s19], $0x4000  }
0x55: {  	[sflag:s19] =	ssyncset.done $0x0  }
0x56: {  	s25 =	sadd.s32 $0x1400, s24;
	[sflag:s19] =	ssyncadd.s32 $0xFFFFC000  }
0x57: {  	[spmem:s3] =	stream.indirect.scatter.add.f32 [tilespmem:s14], [sflag:$0x3], $0x80, s25, s17, $0xb8;
	[tilespmem:$0x1E800] =	vst v63  }
0x58: {  	_ =	swait.ge [sflag:s15], $0x4000  }
0x59: {  	[sflag:s15] =	ssyncset.done $0x0  }
0x5a: {  	s25 =	sadd.s32 $0x100, s24;
	[sflag:s15] =	ssyncadd.s32 $0xFFFFC000  }
0x5b: {  	[tilespmem:s14], [sflag:$0x1] =	stream.indirect.gather [hbm4b:s1+s17], $0x80, s25, s17, $0xb8;
	[tilespmem:$0x1E800] =	vst v63  }
0x5c: {  	_ =	swait.ge [sflag:s20], $0x4000  }
.Ltmp1:
0x5d: {  	[sflag:s20] =	ssyncset.done $0x0;
	(pc) =	sbr.rel @p0 .LBB2_4-.Ltmp1, $4  }
0x5e: {  	s24 =	sadd.s32 $0x1480, s24;
	[sflag:s20] =	ssyncadd.s32 $0xFFFFC000  }
0x5f: {  	[spmem:s3] =	stream.indirect.scatter.add.f32 [tilespmem:s18], [sflag:$0x3], $0x80, s24, s17, $0xb8;
	[tilespmem:$0x1E800] =	vst v63  }
0x60: {  	_ =	swait.ge [sflag:s15], $0x4000  }
0x61: {  	s25 =	smov.u32 s29;
	s24 =	sshra.s32 s28, $0x2;
	[sflag:s15] =	ssyncset.done $0x0  }
0x62: {  	s25 =	sadd.s32 $0x80, s24;
	[sflag:s15] =	ssyncadd.s32 $0xFFFFC000  }
0x63: {  	[tilespmem:s18], [sflag:$0x2] =	stream.indirect.gather [hbm4b:s1+s17], $0x80, s25, s17, $0xb8;
	[tilespmem:$0x1E800] =	vst v63  }
0x64: {  	_ =	swait.ge [sflag:s19], $0x4000  }
0x65: {  	[sflag:s19] =	ssyncset.done $0x0  }
0x66: {  	s26 =	sadd.s32 $0x1400, s24;
	[sflag:s19] =	ssyncadd.s32 $0xFFFFC000  }
0x67: {  	[spmem:s3] =	stream.indirect.scatter.add.f32 [tilespmem:s14], [sflag:$0x3], $0x80, s26, s17, $0xb8;
	[tilespmem:$0x1E800] =	vst v63  }
0x68: {  	_ =	swait.ge [sflag:s15], $0x4000  }
0x69: {  	[sflag:s15] =	ssyncset.done $0x0  }
0x6a: {  	s28 =	sadd.s32 $0x100, s24;
	[sflag:s15] =	ssyncadd.s32 $0xFFFFC000  }
0x6b: {  	[tilespmem:s14], [sflag:$0x1] =	stream.indirect.gather [hbm4b:s1+s17], $0x80, s28, s17, $0xb8;
	[tilespmem:$0x1E800] =	vst v63  }
0x6c: {  	_ =	swait.ge [sflag:s20], $0x4000  }
0x6d: {  	[sflag:s20] =	ssyncset.done $0x0  }
0x6e: {  	s29 =	sadd.s32 $0x1480, s24;
	[sflag:s20] =	ssyncadd.s32 $0xFFFFC000  }
0x6f: {  	[spmem:s3] =	stream.indirect.scatter.add.f32 [tilespmem:s18], [sflag:$0x3], $0x80, s29, s17, $0xb8;
	[tilespmem:$0x1E800] =	vst v63  }
0x70: {  	_ =	swait.ge [sflag:s15], $0x4000  }
0x71: {  	[sflag:s15] =	ssyncset.done $0x0  }
0x72: {  	[sflag:s15] =	ssyncadd.s32 $0xFFFFC000  }
0x73: {  	[tilespmem:s18], [sflag:$0x2] =	stream.indirect.gather [hbm4b:s1+s17], $0x80, s21, s17, $0xb8;
	[tilespmem:$0x1E800] =	vst v63  }
0x74: {  	_ =	swait.ge [sflag:s19], $0x4000  }
0x75: {  	[sflag:s19] =	ssyncset.done $0x0  }
0x76: {  	[sflag:s19] =	ssyncadd.s32 $0xFFFFC000  }
0x77: {  	[spmem:s3] =	stream.indirect.scatter.add.f32 [tilespmem:s14], [sflag:$0x3], $0x80, s22, s17, $0xb8;
	[tilespmem:$0x1E800] =	vst v63  }
0x78: {  	_ =	swait.ge [sflag:s15], $0x4000  }
0x79: {  	[sflag:s15] =	ssyncset.done $0x0  }
0x7a: {  	[sflag:s15] =	ssyncadd.s32 $0xFFFFC000  }
0x7b: {  	_ =	swait.ge [sflag:s20], $0x4000  }
0x7c: {  	[sflag:s20] =	ssyncset.done $0x0  }
0x7d: {  	[sflag:s20] =	ssyncadd.s32 $0xFFFFC000  }
0x7e: {  	[spmem:s3] =	stream.indirect.scatter.add.f32 [tilespmem:s18], [sflag:$0x3], $0x80, s23, s17, $0xb8;
	[tilespmem:$0x1E800] =	vst v63  }
0x7f: {  	_ =	swait.ge [sflag:s15], $0x4000  }
0x80: {  	s30 =	sshll.u32 s0, $0x6;
	s4 =	sadd.s32 $0x1, s4;
	[sflag:s15] =	ssyncset.done $0x0  }
0x81: {  	s31 =	sshrl.u32 s5, $0x3;
	p0 =	sne.s32 s4, s9;
	[sflag:s15] =	ssyncadd.s32 $0xFFFFC000  }
.Ltmp2:
0x82: {  	s24 =	sor.u32 $0x1C03, s30;
	[bflag:$0x0] =	sbarrier.arrive $0xFFFF;
	(pc) =	sbr.rel @p0 .LBB2_1-.Ltmp2, $4  }
0x83: {  	[hbm:s8], [sflag:s24] =	dma.local [spmem:s31], $0x2800  }
0x84: {  	_ =	swait.ge [sflag:s15], $0x2800  }
0x85: {  	[sflag:s15] =	ssyncset.done $0x0  }
0x86: {  	[sflag:s15] =	ssyncadd.s32 $0xFFFFD800  }
0x87: {  	_ =	sfence.sel $0x180000  }
0x88: {  	[bflag:$0x0] =	sbarrier.arrive $0xFFFF  }
0x89: {  	p0 =	sne.s32 s0, $0x0;
	_ =	strace $0x9000004D  }
0x8a: {  	s0 =	sadd.s32 @!p0 $0x100000, s2;
	[bflag:$0x2] =	sbarrier.arrive $0xFFFF  }
0x8b: {  	[sflag:s0] =	ssyncadd.tile.s32 @!p0 $0x1;
	_ =	shalt  }
.Lfunc_end2:
_tile_overlayer_lowered:
.L_overlay_start_2:
0x8c: {  	(tag) =	ssettag $0x2  }
0x8d: {  	s0 =	rddreg [dreg:$0x0];
	s2 =	stileid.u32  }
0x8e: {  	s1 =	rddreg [dreg:$0x1];
	p0 =	sne.s32 s2, $0x0  }
0x8f: {  	s3 =	rddreg [dreg:$0x2];
	[bflag:$0x3] =	sbarrier.arrive $0xFFFF;
	s2 =	simm.s32 @!p0 $0x1C03  }
0x90: {  	[timem:s3], [sflag:s2] =	dma.local @!p0 [hbm:s0], s1  }
0x91: {  	s0 =	simm.s32 @!p0 $0x3  }
0x92: {  	_ =	swait.ge @!p0 [sflag:s0], s1  }
0x93: {  	s1 =	ssub.s32 @!p0 $0x0, s1;
	[sflag:s0] =	ssyncset.done @!p0 $0x0  }
0x94: {  	[sflag:s0] =	ssyncadd.s32 @!p0 s1  }
0x95: {  	[bflag:$0x3] =	sbarrier.arrive $0xFFFF  }
0x96: {  	_ =	shalt  }

// kernel: kernel.20.cloned.1.call-start
scs
__scs_entry_jumppad:
0x0: {  	(pc) =	sbr.rel $0x88, $3  }
0x1: {  	(tag) =	ssettag $0x0;
	lr =	simm.s32 $0x1  }
0x2: {  	[smem:$0x3F8E] =	sst lr;
	_ =	strace $0xD0000000  }
0x3: {  	_ = 	snop  }
0x4: {  	_ = 	snop  }
0x5: {  	_ = 	snop  }
0x6: {  	_ = 	snop  }
0x7: {  	_ = 	snop  }
__scs_overlays_trampoline_lowered:
0x8: {  	[smem:$0x3F9D] =	sst s0  }
0x9: {  	[smem:$0x3F9E] =	sst s1  }
0xa: {  	[smem:$0x3F9F] =	sst s2  }
0xb: {  	[smem:$0x3FA0] =	sst s3  }
0xc: {  	[smem:$0x3FA1] =	sst s4  }
0xd: {  	[smem:$0x3FA2] =	sst s5  }
0xe: {  	[smem:$0x3FA3] =	sst s6  }
0xf: {  	[smem:$0x3FA4] =	sst s7  }
0x10: {  	[smem:$0x3FA5] =	sst s8  }
0x11: {  	[smem:$0x3FA6] =	sst s9;
	s0 =	simm.s32 @!p0 $0x0  }
0x12: {  	s1 =	sld [smem:$0x3F8C];
	s0 =	simm.s32 @p0 $0x1  }
0x13: {  	[smem:$0x3FA7] =	sst s0;
	s0 =	simm.s32 @!p1 $0x0  }
0x14: {  	s2 =	sld [smem:$0x3F8B];
	s0 =	simm.s32 @p1 $0x1  }
0x15: {  	[smem:$0x3FA8] =	sst s0;
	s0 =	simm.s32 @!p2 $0x0  }
0x16: {  	s3 =	sld [smem:$0x3FDB];
	s0 =	simm.s32 @p2 $0x1  }
0x17: {  	s4 =	simm.s32 $0x1BF5;
	[smem:$0x3FAA] =	sst s0  }
0x18: {  	s0 =	sld [smem:$0x3F8D];
	_ =	swait.ge [sflag:s4], $0x0  }
0x19: {  	s7 =	sld [smem:$0x3F8E]  }
0x1a: {  	s8 =	sadd.s32 $0xFFFFE003, lr  }
0x1b: {  	s9 =	sadd.s32 $0xFFFFFEF7, lr;
	s5 =	simm.s32 $0xFFFFFFFF;
	p2 =	slt.u32 s8, $0xFFFFF086  }
0x1c: {  	p1 =	slt.u32 s9, $0xF7A;
	s5 =	simm.s32 @!p2 $0x0  }
0x1d: {  	s5 =	simm.s32 @p1 $0x1;
	p0 =	seq.s32 s7, s2  }
0x1e: {  	s7 =	smul.u32 @!p0 $0xF7A, s2;
	p2 =	seq.s32 @!p0 s5, $0x0  }
0x1f: {  	s9 =	smul.u32 $0xF7A, s1;
	s8 =	simm.s32 @!p0 $0x1BF5;
	p2 =	por !p2, p0  }
0x20: {  	[sflag:s8] =	ssyncset.s32 @!p0 $0xFFFFF086;
	s6 =	sadd.s32 @!p0 s3, s7;
	s7 =	simm.s32 @!p0 $0x108  }
0x21: {  	s3 =	sadd.s32 s3, s9;
	s6 =	sadd.s32 @!p0 $0x88, s6;
	s7 =	simm.s32 @p2 $0x1082  }
0x22: {  	[simem:s7], [sflag:s8] =	dma.local @!p0 [hbm:s6], $0xF7A  }
0x23: {  	s9 =	sor.u32 $0xD0000000, s2;
	s6 =	simm.s32 $0x108;
	_ =	swait.ge @!p0 [sflag:s8], $0x0  }
0x24: {  	s3 =	sadd.s32 $0x88, s3;
	s6 =	simm.s32 @!p1 $0x1082;
	[sflag:s4] =	ssyncset.s32 $0xFFFFF086  }
0x25: {  	[simem:s6], [sflag:s4] =	dma.local [hbm:s3], $0xF7A  }
0x26: {  	[smem:$0x3F8E] =	sst s1;
	(tag) =	ssettag s2;
	_ =	strace s9  }
0x27: {  	s1 =	sld [smem:$0x3F9E]  }
0x28: {  	s2 =	sld [smem:$0x3F9F]  }
0x29: {  	s4 =	sld [smem:$0x3FA1]  }
0x2a: {  	p0 =	seq.s32 s5, $0x0;
	s5 =	sld [smem:$0x3FA2]  }
0x2b: {  	s6 =	sld [smem:$0x3FA3]  }
0x2c: {  	s7 =	sld [smem:$0x3FA4]  }
0x2d: {  	s3 =	simm.s32 $0x108;
	s8 =	sld [smem:$0x3FA5]  }
0x2e: {  	s3 =	simm.s32 @!p0 $0x1082;
	s9 =	sld [smem:$0x3FA6]  }
0x2f: {  	lr =	sadd.s32 s0, s3;
	s0 =	sld [smem:$0x3F9D]  }
0x30: {  	s3 =	sld [smem:$0x3FA0]  }
0x31: {  	[smem:$0x3FA9] =	sst s10  }
0x32: {  	s10 =	sld [smem:$0x3FA7];
	_ =	sdelay $0x3  }
0x33: {  	p0 =	seq.s32 s10, $0x1;
	s10 =	sld [smem:$0x3FA9];
	_ =	sdelay $0x3  }
0x34: {  	[smem:$0x3FA9] =	sst s10  }
0x35: {  	s10 =	sld [smem:$0x3FA8];
	_ =	sdelay $0x3  }
0x36: {  	p1 =	seq.s32 s10, $0x1;
	s10 =	sld [smem:$0x3FA9];
	_ =	sdelay $0x3  }
0x37: {  	[smem:$0x3FA9] =	sst s10  }
0x38: {  	s10 =	sld [smem:$0x3FAA]  }
0x39: {  	_ = 	snop;
	(pc) =	sbr.ind lr, $3  }
0x3a: {  	_ = 	snop  }
0x3b: {  	_ = 	snop  }
0x3c: {  	p2 =	seq.s32 s10, $0x1;
	s10 =	sld [smem:$0x3FA9]  }
0x3d: {  	_ =	shalt  }
0x3e: {  	_ =	shalt  }
0x3f: {  	_ =	shalt  }
0x40: {  	_ =	shalt  }
0x41: {  	_ =	shalt  }
0x42: {  	_ =	shalt  }
0x43: {  	_ =	shalt  }
0x44: {  	_ =	shalt  }
0x45: {  	_ =	shalt  }
0x46: {  	_ =	shalt  }
0x47: {  	_ =	shalt  }
0x48: {  	_ =	shalt  }
0x49: {  	_ =	shalt  }
0x4a: {  	_ =	shalt  }
0x4b: {  	_ =	shalt  }
0x4c: {  	_ =	shalt  }
0x4d: {  	_ =	shalt  }
0x4e: {  	_ =	shalt  }
0x4f: {  	_ =	shalt  }
0x50: {  	_ =	shalt  }
0x51: {  	_ =	shalt  }
0x52: {  	_ =	shalt  }
0x53: {  	_ =	shalt  }
0x54: {  	_ =	shalt  }
0x55: {  	_ =	shalt  }
0x56: {  	_ =	shalt  }
0x57: {  	_ =	shalt  }
0x58: {  	_ =	shalt  }
0x59: {  	_ =	shalt  }
0x5a: {  	_ =	shalt  }
0x5b: {  	_ =	shalt  }
0x5c: {  	_ =	shalt  }
0x5d: {  	_ =	shalt  }
0x5e: {  	_ =	shalt  }
0x5f: {  	_ =	shalt  }
0x60: {  	_ =	shalt  }
0x61: {  	_ =	shalt  }
0x62: {  	_ =	shalt  }
0x63: {  	_ =	shalt  }
0x64: {  	_ =	shalt  }
0x65: {  	_ =	shalt  }
0x66: {  	_ =	shalt  }
0x67: {  	_ =	shalt  }
0x68: {  	_ =	shalt  }
0x69: {  	_ =	shalt  }
0x6a: {  	_ =	shalt  }
0x6b: {  	_ =	shalt  }
0x6c: {  	_ =	shalt  }
0x6d: {  	_ =	shalt  }
0x6e: {  	_ =	shalt  }
0x6f: {  	_ =	shalt  }
0x70: {  	_ =	shalt  }
0x71: {  	_ =	shalt  }
0x72: {  	_ =	shalt  }
0x73: {  	_ =	shalt  }
0x74: {  	_ =	shalt  }
0x75: {  	_ =	shalt  }
0x76: {  	_ =	shalt  }
0x77: {  	_ =	shalt  }
0x78: {  	_ =	shalt  }
0x79: {  	_ =	shalt  }
0x7a: {  	_ =	shalt  }
0x7b: {  	_ =	shalt  }
0x7c: {  	_ =	shalt  }
0x7d: {  	_ =	shalt  }
0x7e: {  	_ =	shalt  }
0x7f: {  	_ =	shalt  }
0x80: {  	_ =	shalt  }
0x81: {  	_ =	shalt  }
0x82: {  	_ =	shalt  }
0x83: {  	_ =	shalt  }
0x84: {  	_ =	shalt  }
0x85: {  	_ =	shalt  }
0x86: {  	_ =	shalt  }
0x87: {  	_ =	shalt  }
.Lfunc_end0:
.L_simem_size_0:
called_computation.3_lowered:
.L_overlay_start_0:
0x88: {  	s2 =	sld [smem:$0x3FD9]  }
0x89: {  	s3 =	sld [smem:$0x3FFE];
	_ =	sdelay $0x1  }
0x8a: {  	s1 =	srdreg.scid  }
0x8b: {  	s0 =	sand.u32 $0x1, s1  }
0x8c: {  	s17 =	sshll.u32 s0, $0xA;
	s2 =	sadd.s32 s3, s2  }
0x8d: {  	s2 =	sadd.s32 s2, s17  }
0x8e: {  	[smem:$0x3FB5] =	sst s2  }
0x8f: {  	_ = 	snop  }
0x90: {  	s2 =	sld [smem:$0x3FD0];
	(tm) =	ssettm $0x1  }
0x91: {  	s18 =	sld [smem:$0x3FFB];
	_ =	sdelay $0x3  }
0x92: {  	_ =	strace s18  }
0x93: {  	s3 =	sld [smem:$0x3FFC];
	_ =	sdelay $0x3  }
0x94: {  	_ =	strace s3  }
0x95: {  	s3 =	sld [smem:$0x3FFD];
	_ =	sdelay $0x3  }
0x96: {  	_ =	strace s3  }
0x97: {  	_ =	strace $0x8FFFFFFF  }
0x98: {  	s19 =	sld [smem:$0x3FDB];
	_ =	sdelay $0x1  }
0x99: {  	s4 =	simm.s32 $_scs_section_size  }
0x9a: {  	s5 =	simm.s32 $_size__tile_overlayer_lowered;
	s6 =	simm.s32 $_tile_overlayer_lowered  }
0x9b: {  	s22 =	simm.s32 $0x1BFF;
	s21 =	sshll.u32 s6, $0x1;
	s3 =	sadd.s32 s4, s19  }
0x9c: {  	s7 =	simm.s32 $0x0;
	s20 =	sshll.u32 s5, $0x1;
	s5 =	sadd.s32 s21, s3  }
0x9d: {  	[timem:s7], [sflag:s22] =	dma.local [hbm:s5], s20  }
0x9e: {  	_ =	swait.ge [sflag:s22], s20  }
0x9f: {  	s4 =	ssub.s32 $0x0, s20;
	[sflag:s22] =	ssyncset.done $0x0  }
0xa0: {  	[sflag:s22] =	ssyncadd.s32 s4;
	_ =	sdelay $0x1  }
0xa1: {  	s23 =	simm.s32 $0x1B8B  }
0xa2: {  	_ =	swait.ge [sflag:s23], $0x1  }
0xa3: {  	[sflag:s23] =	ssyncset.done $0x0  }
0xa4: {  	s25 =	simm.s32 $0x1B8E;
	s24 =	sld [smem:$0x3FFE];
	[sflag:s23] =	ssyncadd.s32 $0xFFFFFFFF  }
0xa5: {  	s26 =	simm.s32 $execute0_lowered;
	[smem:$0x3FD2] =	sst s25  }
0xa6: {  	s5 =	sshll.u32 s26, $0x1;
	_ =	strace $0x8000004F;
	[dreg:$0x1] =	wrdreg $0xFFFFFFFF  }
0xa7: {  	s28 =	simm.s32 $_size_execute0_lowered;
	s3 =	sadd.s32 s3, s5;
	[dreg:$0x0] =	wrdreg $0x0  }
0xa8: {  	s5 =	sshll.u32 s28, $0x1;
	[dreg:$0x2] =	wrdreg s3  }
0xa9: {  	[dreg:$0x3] =	wrdreg s5  }
0xaa: {  	[dreg:$0x4] =	wrdreg $0xC0  }
0xab: {  	_ =	task [dreg:s7], $0x5FFFF  }
0xac: {  	[dreg:$0x1] =	wrdreg $0xFFFFFFFF  }
0xad: {  	[dreg:$0x0] =	wrdreg $0x60  }
0xae: {  	[dreg:$0x2] =	wrdreg s2  }
0xaf: {  	[dreg:$0x3] =	wrdreg s24  }
0xb0: {  	[dreg:$0x4] =	wrdreg $0xA8000  }
0xb1: {  	[dreg:$0x5] =	wrdreg $0x9  }
0xb2: {  	_ =	task.clear_ibuf [dreg:s7], $0x6FFFF;
	_ =	strace $0x9000004F  }
0xb3: {  	s29 =	simm.s32 $0x9;
	_ =	strace $0x80000051  }
0xb4: {  	_ =	swait.ge [sflag:s29], $0x1  }
0xb5: {  	[sflag:s29] =	ssyncadd.s32 $0xFFFFFFFF  }
0xb6: {  	_ =	strace $0x90000051  }
0xb7: {  	_ =	sfence  }
0xb8: {  	s30 =	sld [smem:$0x0];
	_ =	sdelay $0x2  }
0xb9: {  	s31 =	sshll.u32 s1, $0xD;
	s1 =	sshrl.u32 s1, $0x2  }
0xba: {  	s3 =	sand.u32 $0x4000, s31;
	s1 =	sadd.s32 s1, s30  }
0xbb: {  	s0 =	sor.u32 s3, s0;
	s1 =	sshll.u32 s1, $0x11  }
0xbc: {  	s0 =	sor.u32 s1, s0  }
0xbd: {  	s0 =	sadd.s32 $0x8F2B, s0  }
0xbe: {  	[sflag:s0] =	ssyncadd.remote.s32 $0x1  }
0xbf: {  	_ =	sfence.sel $0xFFFF  }
0xc0: {  	[dreg:$0x0] =	wrdreg $0xFFFFFFFF;
	(pc) =	sbr.abs _section_cstart, $3  }
0xc1: {  	[dreg:$0x1] =	wrdreg $0xFFFFFFFF  }
0xc2: {  	_ =	task.clear_ibuf [dreg:s7], $0x2FFFF;
	_ =	strace $0x9FFFFFFF  }
0xc3: {  	(tm) =	ssettm $0x7FFFFFFF  }
tec
execute0_lowered:
.L_overlay_start_1:
0x0: {  	(tag) =	ssettag $0x1  }
0x1: {  	s1 =	rddreg [dreg:$0x0]  }
0x2: {  	s5 =	rddreg [dreg:$0x1]  }
0x3: {  	s3 =	rddreg [dreg:$0x2]  }
0x4: {  	s0 =	srdreg.scid;
	s2 =	rddreg [dreg:$0x3]  }
0x5: {  	s4 =	simm.s32 $0x0;
	s14 =	simm.s32 $0x2800;
	s15 =	simm.s32 $0x3  }
0x6: {  	s16 =	simm.s32 $0x1400;
	s17 =	simm.s32 $0x80;
	s6 =	sand.u32 $0x1, s0  }
0x7: {  	s18 =	simm.s32 $0x6800;
	s0 =	stileid.u32;
	s7 =	smul.u32 $0x14000, s6  }
0x8: {  	s19 =	simm.s32 $0x1;
	s20 =	simm.s32 $0x2;
	s8 =	smul.u32 $0x1400, s0  }
0x9: {  	s21 =	simm.s32 $0x1380;
	s22 =	simm.s32 $0x2700;
	s9 =	smul.u32 $0x140000, s6  }
0xa: {  	s23 =	simm.s32 $0x2780;
	[smem:$0x7FF] =	sst s4;
	s30 =	smul.u32 $0x14000, s0  }
0xb: {  	_ =	strace $0x80000050;
	s10 =	smul.u32 $0x50000, s0;
	s6 =	ssub.s32 $0x2, s6  }
0xc: {  	s31 =	sshrl.u32 s6, $0x1;
	s7 =	sadd.s32 s8, s7;
	s8 =	sadd.s32 s30, s9  }
0xd: {  	s10 =	sshrl.u32 s10, $0x2;
	s9 =	ssub.s32 s6, s31;
	s7 =	sshrl.u32 s7, $0x3  }
0xe: {  	s8 =	sshrl.u32 s8, $0x3;
	s9 =	smax.u32 s9, $0x1;
	s7 =	sadd.s32 s7, s5  }
0xf: {  	s8 =	sadd.s32 s8, s5;
	s5 =	sadd.s32 s10, s3;
	s6 =	sadd.s32 $0x3600, s7  }
0x10: {  	s7 =	sadd.s32 $0x8600, s7;
	s8 =	sadd.s32 $0xD600, s8;
	s10 =	sadd.s32 $0x4000, s5  }
0x11: {  	v0 =	vimm.f32 $0.0e+00;
	s11 =	sadd.s32 $0x8000, s5;
	s12 =	sadd.s32 $0xC000, s5;
	s13 =	sadd.s32 $0x10000, s5  }
.LBB2_1:
0x12: {  	s24 =	simm.s32 $0x0;
	s25 =	simm.s32 $0x200  }
.LBB2_2:
0x13: {  	p0 =	sne.s32 s25, $0xFE00;
	[tilespmem:s24+$0x2870] =	vst v0  }
0x14: {  	[tilespmem:s24+$0x2800] =	vst v0  }
0x15: {  	[tilespmem:s24+$0x2810] =	vst v0  }
.Ltmp0:
0x16: {  	[tilespmem:s24+$0x2820] =	vst v0;
	(pc) =	sbr.rel @p0 .LBB2_2-.Ltmp0, $4  }
0x17: {  	[tilespmem:s24+$0x2830] =	vst v0  }
0x18: {  	[tilespmem:s24+$0x2840] =	vst v0  }
0x19: {  	[tilespmem:s24+$0x2850] =	vst v0  }
0x1a: {  	[tilespmem:s24+$0x2860] =	vst v0;
	s24 =	sshra.s32 s25, $0x2;
	s25 =	sadd.s32 $0x200, s25  }
0x1b: {  	[tilespmem:s24+$0x2870] =	vst v0  }
0x1c: {  	[tilespmem:s24+$0x2800] =	vst v0  }
0x1d: {  	[tilespmem:s24+$0x2810] =	vst v0  }
0x1e: {  	[tilespmem:s24+$0x2820] =	vst v0  }
0x1f: {  	[tilespmem:s24+$0x2830] =	vst v0  }
0x20: {  	[tilespmem:s24+$0x2840] =	vst v0  }
0x21: {  	[tilespmem:s24+$0x2850] =	vst v0  }
0x22: {  	[tilespmem:s24+$0x2860] =	vst v0  }
0x23: {  	[spmem:s5] =	stream.linear.scatter [tilespmem:s14], [sflag:$0x3], $0x4000, $0x38;
	[tilespmem:$0x1E800] =	vst v63  }
0x24: {  	_ =	swait.ge [sflag:s15], $0x4000  }
0x25: {  	[sflag:s15] =	ssyncset.done $0x0  }
0x26: {  	[sflag:s15] =	ssyncadd.s32 $0xFFFFC000  }
0x27: {  	[spmem:s10] =	stream.linear.scatter [tilespmem:s14], [sflag:$0x3], $0x4000, $0x38;
	[tilespmem:$0x1E800] =	vst v63  }
0x28: {  	_ =	swait.ge [sflag:s15], $0x4000  }
0x29: {  	[sflag:s15] =	ssyncset.done $0x0  }
0x2a: {  	[sflag:s15] =	ssyncadd.s32 $0xFFFFC000  }
0x2b: {  	[spmem:s11] =	stream.linear.scatter [tilespmem:s14], [sflag:$0x3], $0x4000, $0x38;
	[tilespmem:$0x1E800] =	vst v63  }
0x2c: {  	_ =	swait.ge [sflag:s15], $0x4000  }
0x2d: {  	[sflag:s15] =	ssyncset.done $0x0  }
0x2e: {  	[sflag:s15] =	ssyncadd.s32 $0xFFFFC000  }
0x2f: {  	[spmem:s12] =	stream.linear.scatter [tilespmem:s14], [sflag:$0x3], $0x4000, $0x38;
	[tilespmem:$0x1E800] =	vst v63  }
0x30: {  	_ =	swait.ge [sflag:s15], $0x4000  }
0x31: {  	[sflag:s15] =	ssyncset.done $0x0  }
0x32: {  	[sflag:s15] =	ssyncadd.s32 $0xFFFFC000  }
0x33: {  	[spmem:s13] =	stream.linear.scatter [tilespmem:s14], [sflag:$0x3], $0x4000, $0x38;
	[tilespmem:$0x1E800] =	vst v63  }
0x34: {  	_ =	swait.ge [sflag:s15], $0x4000  }
0x35: {  	[sflag:s15] =	ssyncset.done $0x0  }
0x36: {  	[sflag:s15] =	ssyncadd.s32 $0xFFFFC000  }
0x37: {  	s26 =	simm.s32 $0x0;
	[bflag:$0x0] =	sbarrier.arrive $0xFFFF  }
0x38: {  	[tilespmem:s26], [sflag:$0x3] =	stream.linear.gather [hbm4b:s6+s26], $0x1400, $0x38;
	[tilespmem:$0x1E800] =	vst v63  }
0x39: {  	_ =	swait.ge [sflag:s15], $0x1400  }
0x3a: {  	[sflag:s15] =	ssyncset.done $0x0  }
0x3b: {  	[sflag:s15] =	ssyncadd.s32 $0xFFFFEC00  }
0x3c: {  	[tilespmem:s16], [sflag:$0x3] =	stream.linear.gather [hbm4b:s7+s26], $0x1400, $0x38;
	[tilespmem:$0x1E800] =	vst v63  }
0x3d: {  	_ =	swait.ge [sflag:s15], $0x1400  }
0x3e: {  	[sflag:s15] =	ssyncset.done $0x0  }
0x3f: {  	[sflag:s15] =	ssyncadd.s32 $0xFFFFEC00  }
0x40: {  	[tilespmem:s14], [sflag:$0x1] =	stream.indirect.gather [hbm4b:s1+s17], $0x80, s26, s17, $0xb8;
	[tilespmem:$0x1E800] =	vst v63  }
0x41: {  	s28 =	simm.s32 $0x80  }
0x42: {  	[tilespmem:s18], [sflag:$0x2] =	stream.indirect.gather [hbm4b:s1+s17], $0x80, s28, s17, $0xb8;
	[tilespmem:$0x1E800] =	vst v63  }
0x43: {  	_ =	swait.ge [sflag:s19], $0x4000  }
0x44: {  	[sflag:s19] =	ssyncset.done $0x0  }
0x45: {  	s29 =	simm.s32 $0x1400;
	[sflag:s19] =	ssyncadd.s32 $0xFFFFC000  }
0x46: {  	[spmem:s3] =	stream.indirect.scatter.add.f32 [tilespmem:s14], [sflag:$0x3], $0x80, s29, s17, $0xb8;
	[tilespmem:$0x1E800] =	vst v63  }
0x47: {  	_ =	swait.ge [sflag:s15], $0x4000  }
0x48: {  	[sflag:s15] =	ssyncset.done $0x0  }
0x49: {  	s30 =	simm.s32 $0x100;
	[sflag:s15] =	ssyncadd.s32 $0xFFFFC000  }
0x4a: {  	[tilespmem:s14], [sflag:$0x1] =	stream.indirect.gather [hbm4b:s1+s17], $0x80, s30, s17, $0xb8;
	[tilespmem:$0x1E800] =	vst v63  }
0x4b: {  	_ =	swait.ge [sflag:s20], $0x4000  }
0x4c: {  	[sflag:s20] =	ssyncset.done $0x0  }
0x4d: {  	s31 =	simm.s32 $0x1480;
	[sflag:s20] =	ssyncadd.s32 $0xFFFFC000  }
0x4e: {  	[spmem:s3] =	stream.indirect.scatter.add.f32 [tilespmem:s18], [sflag:$0x3], $0x80, s31, s17, $0xb8;
	[tilespmem:$0x1E800] =	vst v63  }
0x4f: {  	_ =	swait.ge [sflag:s15], $0x4000  }
0x50: {  	s25 =	simm.s32 $0x800;
	s24 =	simm.s32 $0x100;
	[sflag:s15] =	ssyncset.done $0x0  }
.LBB2_4:
0x51: {  	s26 =	sadd.s32 $0x80, s24  }
0x52: {  	[sflag:s15] =	ssyncadd.s32 $0xFFFFC000;
	s28 =	smov.u32 s25;
	s29 =	sadd.s32 $0x400, s25  }
0x53: {  	[tilespmem:s18], [sflag:$0x2] =	stream.indirect.gather [hbm4b:s1+s17], $0x80, s26, s17, $0xb8;
	[tilespmem:$0x1E800] =	vst v63  }
0x54: {  	p0 =	sne.s32 s25, $0x4800;
	_ =	swait.ge [sflag:s19], $0x4000  }
0x55: {  	[sflag:s19] =	ssyncset.done $0x0  }
0x56: {  	s25 =	sadd.s32 $0x1400, s24;
	[sflag:s19] =	ssyncadd.s32 $0xFFFFC000  }
0x57: {  	[spmem:s3] =	stream.indirect.scatter.add.f32 [tilespmem:s14], [sflag:$0x3], $0x80, s25, s17, $0xb8;
	[tilespmem:$0x1E800] =	vst v63  }
0x58: {  	_ =	swait.ge [sflag:s15], $0x4000  }
0x59: {  	[sflag:s15] =	ssyncset.done $0x0  }
0x5a: {  	s25 =	sadd.s32 $0x100, s24;
	[sflag:s15] =	ssyncadd.s32 $0xFFFFC000  }
0x5b: {  	[tilespmem:s14], [sflag:$0x1] =	stream.indirect.gather [hbm4b:s1+s17], $0x80, s25, s17, $0xb8;
	[tilespmem:$0x1E800] =	vst v63  }
0x5c: {  	_ =	swait.ge [sflag:s20], $0x4000  }
.Ltmp1:
0x5d: {  	[sflag:s20] =	ssyncset.done $0x0;
	(pc) =	sbr.rel @p0 .LBB2_4-.Ltmp1, $4  }
0x5e: {  	s24 =	sadd.s32 $0x1480, s24;
	[sflag:s20] =	ssyncadd.s32 $0xFFFFC000  }
0x5f: {  	[spmem:s3] =	stream.indirect.scatter.add.f32 [tilespmem:s18], [sflag:$0x3], $0x80, s24, s17, $0xb8;
	[tilespmem:$0x1E800] =	vst v63  }
0x60: {  	_ =	swait.ge [sflag:s15], $0x4000  }
0x61: {  	s25 =	smov.u32 s29;
	s24 =	sshra.s32 s28, $0x2;
	[sflag:s15] =	ssyncset.done $0x0  }
0x62: {  	s25 =	sadd.s32 $0x80, s24;
	[sflag:s15] =	ssyncadd.s32 $0xFFFFC000  }
0x63: {  	[tilespmem:s18], [sflag:$0x2] =	stream.indirect.gather [hbm4b:s1+s17], $0x80, s25, s17, $0xb8;
	[tilespmem:$0x1E800] =	vst v63  }
0x64: {  	_ =	swait.ge [sflag:s19], $0x4000  }
0x65: {  	[sflag:s19] =	ssyncset.done $0x0  }
0x66: {  	s26 =	sadd.s32 $0x1400, s24;
	[sflag:s19] =	ssyncadd.s32 $0xFFFFC000  }
0x67: {  	[spmem:s3] =	stream.indirect.scatter.add.f32 [tilespmem:s14], [sflag:$0x3], $0x80, s26, s17, $0xb8;
	[tilespmem:$0x1E800] =	vst v63  }
0x68: {  	_ =	swait.ge [sflag:s15], $0x4000  }
0x69: {  	[sflag:s15] =	ssyncset.done $0x0  }
0x6a: {  	s28 =	sadd.s32 $0x100, s24;
	[sflag:s15] =	ssyncadd.s32 $0xFFFFC000  }
0x6b: {  	[tilespmem:s14], [sflag:$0x1] =	stream.indirect.gather [hbm4b:s1+s17], $0x80, s28, s17, $0xb8;
	[tilespmem:$0x1E800] =	vst v63  }
0x6c: {  	_ =	swait.ge [sflag:s20], $0x4000  }
0x6d: {  	[sflag:s20] =	ssyncset.done $0x0  }
0x6e: {  	s29 =	sadd.s32 $0x1480, s24;
	[sflag:s20] =	ssyncadd.s32 $0xFFFFC000  }
0x6f: {  	[spmem:s3] =	stream.indirect.scatter.add.f32 [tilespmem:s18], [sflag:$0x3], $0x80, s29, s17, $0xb8;
	[tilespmem:$0x1E800] =	vst v63  }
0x70: {  	_ =	swait.ge [sflag:s15], $0x4000  }
0x71: {  	[sflag:s15] =	ssyncset.done $0x0  }
0x72: {  	[sflag:s15] =	ssyncadd.s32 $0xFFFFC000  }
0x73: {  	[tilespmem:s18], [sflag:$0x2] =	stream.indirect.gather [hbm4b:s1+s17], $0x80, s21, s17, $0xb8;
	[tilespmem:$0x1E800] =	vst v63  }
0x74: {  	_ =	swait.ge [sflag:s19], $0x4000  }
0x75: {  	[sflag:s19] =	ssyncset.done $0x0  }
0x76: {  	[sflag:s19] =	ssyncadd.s32 $0xFFFFC000  }
0x77: {  	[spmem:s3] =	stream.indirect.scatter.add.f32 [tilespmem:s14], [sflag:$0x3], $0x80, s22, s17, $0xb8;
	[tilespmem:$0x1E800] =	vst v63  }
0x78: {  	_ =	swait.ge [sflag:s15], $0x4000  }
0x79: {  	[sflag:s15] =	ssyncset.done $0x0  }
0x7a: {  	[sflag:s15] =	ssyncadd.s32 $0xFFFFC000  }
0x7b: {  	_ =	swait.ge [sflag:s20], $0x4000  }
0x7c: {  	[sflag:s20] =	ssyncset.done $0x0  }
0x7d: {  	[sflag:s20] =	ssyncadd.s32 $0xFFFFC000  }
0x7e: {  	[spmem:s3] =	stream.indirect.scatter.add.f32 [tilespmem:s18], [sflag:$0x3], $0x80, s23, s17, $0xb8;
	[tilespmem:$0x1E800] =	vst v63  }
0x7f: {  	_ =	swait.ge [sflag:s15], $0x4000  }
0x80: {  	s30 =	sshll.u32 s0, $0x6;
	s4 =	sadd.s32 $0x1, s4;
	[sflag:s15] =	ssyncset.done $0x0  }
0x81: {  	s31 =	sshrl.u32 s5, $0x3;
	p0 =	sne.s32 s4, s9;
	[sflag:s15] =	ssyncadd.s32 $0xFFFFC000  }
.Ltmp2:
0x82: {  	s24 =	sor.u32 $0x1C03, s30;
	[bflag:$0x0] =	sbarrier.arrive $0xFFFF;
	(pc) =	sbr.rel @p0 .LBB2_1-.Ltmp2, $4  }
0x83: {  	[hbm:s8], [sflag:s24] =	dma.local [spmem:s31], $0x2800  }
0x84: {  	_ =	swait.ge [sflag:s15], $0x2800  }
0x85: {  	[sflag:s15] =	ssyncset.done $0x0  }
0x86: {  	[sflag:s15] =	ssyncadd.s32 $0xFFFFD800  }
0x87: {  	_ =	sfence.sel $0x180000  }
0x88: {  	[bflag:$0x0] =	sbarrier.arrive $0xFFFF  }
0x89: {  	p0 =	sne.s32 s0, $0x0;
	_ =	strace $0x90000050  }
0x8a: {  	s0 =	sadd.s32 @!p0 $0x100000, s2;
	[bflag:$0x2] =	sbarrier.arrive $0xFFFF  }
0x8b: {  	[sflag:s0] =	ssyncadd.tile.s32 @!p0 $0x1;
	_ =	shalt  }
.Lfunc_end2:
_tile_overlayer_lowered:
.L_overlay_start_2:
0x8c: {  	(tag) =	ssettag $0x2  }
0x8d: {  	s0 =	rddreg [dreg:$0x0];
	s2 =	stileid.u32  }
0x8e: {  	s1 =	rddreg [dreg:$0x1];
	p0 =	sne.s32 s2, $0x0  }
0x8f: {  	s3 =	rddreg [dreg:$0x2];
	[bflag:$0x3] =	sbarrier.arrive $0xFFFF;
	s2 =	simm.s32 @!p0 $0x1C03  }
0x90: {  	[timem:s3], [sflag:s2] =	dma.local @!p0 [hbm:s0], s1  }
0x91: {  	s0 =	simm.s32 @!p0 $0x3  }
0x92: {  	_ =	swait.ge @!p0 [sflag:s0], s1  }
0x93: {  	s1 =	ssub.s32 @!p0 $0x0, s1;
	[sflag:s0] =	ssyncset.done @!p0 $0x0  }
0x94: {  	[sflag:s0] =	ssyncadd.s32 @!p0 s1  }
0x95: {  	[bflag:$0x3] =	sbarrier.arrive $0xFFFF  }
0x96: {  	_ =	shalt  }

// kernel: kernel.23.cloned.1.call-start
scs
__scs_entry_jumppad:
0x0: {  	(pc) =	sbr.rel $0x88, $3  }
0x1: {  	(tag) =	ssettag $0x0;
	lr =	simm.s32 $0x1  }
0x2: {  	[smem:$0x3F8E] =	sst lr;
	_ =	strace $0xD0000000  }
0x3: {  	_ = 	snop  }
0x4: {  	_ = 	snop  }
0x5: {  	_ = 	snop  }
0x6: {  	_ = 	snop  }
0x7: {  	_ = 	snop  }
__scs_overlays_trampoline_lowered:
0x8: {  	[smem:$0x3F9D] =	sst s0  }
0x9: {  	[smem:$0x3F9E] =	sst s1  }
0xa: {  	[smem:$0x3F9F] =	sst s2  }
0xb: {  	[smem:$0x3FA0] =	sst s3  }
0xc: {  	[smem:$0x3FA1] =	sst s4  }
0xd: {  	[smem:$0x3FA2] =	sst s5  }
0xe: {  	[smem:$0x3FA3] =	sst s6  }
0xf: {  	[smem:$0x3FA4] =	sst s7  }
0x10: {  	[smem:$0x3FA5] =	sst s8  }
0x11: {  	[smem:$0x3FA6] =	sst s9;
	s0 =	simm.s32 @!p0 $0x0  }
0x12: {  	s1 =	sld [smem:$0x3F8C];
	s0 =	simm.s32 @p0 $0x1  }
0x13: {  	[smem:$0x3FA7] =	sst s0;
	s0 =	simm.s32 @!p1 $0x0  }
0x14: {  	s2 =	sld [smem:$0x3F8B];
	s0 =	simm.s32 @p1 $0x1  }
0x15: {  	[smem:$0x3FA8] =	sst s0;
	s0 =	simm.s32 @!p2 $0x0  }
0x16: {  	s3 =	sld [smem:$0x3FDB];
	s0 =	simm.s32 @p2 $0x1  }
0x17: {  	s4 =	simm.s32 $0x1BF5;
	[smem:$0x3FAA] =	sst s0  }
0x18: {  	s0 =	sld [smem:$0x3F8D];
	_ =	swait.ge [sflag:s4], $0x0  }
0x19: {  	s7 =	sld [smem:$0x3F8E]  }
0x1a: {  	s8 =	sadd.s32 $0xFFFFE003, lr  }
0x1b: {  	s9 =	sadd.s32 $0xFFFFFEF7, lr;
	s5 =	simm.s32 $0xFFFFFFFF;
	p2 =	slt.u32 s8, $0xFFFFF086  }
0x1c: {  	p1 =	slt.u32 s9, $0xF7A;
	s5 =	simm.s32 @!p2 $0x0  }
0x1d: {  	s5 =	simm.s32 @p1 $0x1;
	p0 =	seq.s32 s7, s2  }
0x1e: {  	s7 =	smul.u32 @!p0 $0xF7A, s2;
	p2 =	seq.s32 @!p0 s5, $0x0  }
0x1f: {  	s9 =	smul.u32 $0xF7A, s1;
	s8 =	simm.s32 @!p0 $0x1BF5;
	p2 =	por !p2, p0  }
0x20: {  	[sflag:s8] =	ssyncset.s32 @!p0 $0xFFFFF086;
	s6 =	sadd.s32 @!p0 s3, s7;
	s7 =	simm.s32 @!p0 $0x108  }
0x21: {  	s3 =	sadd.s32 s3, s9;
	s6 =	sadd.s32 @!p0 $0x88, s6;
	s7 =	simm.s32 @p2 $0x1082  }
0x22: {  	[simem:s7], [sflag:s8] =	dma.local @!p0 [hbm:s6], $0xF7A  }
0x23: {  	s9 =	sor.u32 $0xD0000000, s2;
	s6 =	simm.s32 $0x108;
	_ =	swait.ge @!p0 [sflag:s8], $0x0  }
0x24: {  	s3 =	sadd.s32 $0x88, s3;
	s6 =	simm.s32 @!p1 $0x1082;
	[sflag:s4] =	ssyncset.s32 $0xFFFFF086  }
0x25: {  	[simem:s6], [sflag:s4] =	dma.local [hbm:s3], $0xF7A  }
0x26: {  	[smem:$0x3F8E] =	sst s1;
	(tag) =	ssettag s2;
	_ =	strace s9  }
0x27: {  	s1 =	sld [smem:$0x3F9E]  }
0x28: {  	s2 =	sld [smem:$0x3F9F]  }
0x29: {  	s4 =	sld [smem:$0x3FA1]  }
0x2a: {  	p0 =	seq.s32 s5, $0x0;
	s5 =	sld [smem:$0x3FA2]  }
0x2b: {  	s6 =	sld [smem:$0x3FA3]  }
0x2c: {  	s7 =	sld [smem:$0x3FA4]  }
0x2d: {  	s3 =	simm.s32 $0x108;
	s8 =	sld [smem:$0x3FA5]  }
0x2e: {  	s3 =	simm.s32 @!p0 $0x1082;
	s9 =	sld [smem:$0x3FA6]  }
0x2f: {  	lr =	sadd.s32 s0, s3;
	s0 =	sld [smem:$0x3F9D]  }
0x30: {  	s3 =	sld [smem:$0x3FA0]  }
0x31: {  	[smem:$0x3FA9] =	sst s10  }
0x32: {  	s10 =	sld [smem:$0x3FA7];
	_ =	sdelay $0x3  }
0x33: {  	p0 =	seq.s32 s10, $0x1;
	s10 =	sld [smem:$0x3FA9];
	_ =	sdelay $0x3  }
0x34: {  	[smem:$0x3FA9] =	sst s10  }
0x35: {  	s10 =	sld [smem:$0x3FA8];
	_ =	sdelay $0x3  }
0x36: {  	p1 =	seq.s32 s10, $0x1;
	s10 =	sld [smem:$0x3FA9];
	_ =	sdelay $0x3  }
0x37: {  	[smem:$0x3FA9] =	sst s10  }
0x38: {  	s10 =	sld [smem:$0x3FAA]  }
0x39: {  	_ = 	snop;
	(pc) =	sbr.ind lr, $3  }
0x3a: {  	_ = 	snop  }
0x3b: {  	_ = 	snop  }
0x3c: {  	p2 =	seq.s32 s10, $0x1;
	s10 =	sld [smem:$0x3FA9]  }
0x3d: {  	_ =	shalt  }
0x3e: {  	_ =	shalt  }
0x3f: {  	_ =	shalt  }
0x40: {  	_ =	shalt  }
0x41: {  	_ =	shalt  }
0x42: {  	_ =	shalt  }
0x43: {  	_ =	shalt  }
0x44: {  	_ =	shalt  }
0x45: {  	_ =	shalt  }
0x46: {  	_ =	shalt  }
0x47: {  	_ =	shalt  }
0x48: {  	_ =	shalt  }
0x49: {  	_ =	shalt  }
0x4a: {  	_ =	shalt  }
0x4b: {  	_ =	shalt  }
0x4c: {  	_ =	shalt  }
0x4d: {  	_ =	shalt  }
0x4e: {  	_ =	shalt  }
0x4f: {  	_ =	shalt  }
0x50: {  	_ =	shalt  }
0x51: {  	_ =	shalt  }
0x52: {  	_ =	shalt  }
0x53: {  	_ =	shalt  }
0x54: {  	_ =	shalt  }
0x55: {  	_ =	shalt  }
0x56: {  	_ =	shalt  }
0x57: {  	_ =	shalt  }
0x58: {  	_ =	shalt  }
0x59: {  	_ =	shalt  }
0x5a: {  	_ =	shalt  }
0x5b: {  	_ =	shalt  }
0x5c: {  	_ =	shalt  }
0x5d: {  	_ =	shalt  }
0x5e: {  	_ =	shalt  }
0x5f: {  	_ =	shalt  }
0x60: {  	_ =	shalt  }
0x61: {  	_ =	shalt  }
0x62: {  	_ =	shalt  }
0x63: {  	_ =	shalt  }
0x64: {  	_ =	shalt  }
0x65: {  	_ =	shalt  }
0x66: {  	_ =	shalt  }
0x67: {  	_ =	shalt  }
0x68: {  	_ =	shalt  }
0x69: {  	_ =	shalt  }
0x6a: {  	_ =	shalt  }
0x6b: {  	_ =	shalt  }
0x6c: {  	_ =	shalt  }
0x6d: {  	_ =	shalt  }
0x6e: {  	_ =	shalt  }
0x6f: {  	_ =	shalt  }
0x70: {  	_ =	shalt  }
0x71: {  	_ =	shalt  }
0x72: {  	_ =	shalt  }
0x73: {  	_ =	shalt  }
0x74: {  	_ =	shalt  }
0x75: {  	_ =	shalt  }
0x76: {  	_ =	shalt  }
0x77: {  	_ =	shalt  }
0x78: {  	_ =	shalt  }
0x79: {  	_ =	shalt  }
0x7a: {  	_ =	shalt  }
0x7b: {  	_ =	shalt  }
0x7c: {  	_ =	shalt  }
0x7d: {  	_ =	shalt  }
0x7e: {  	_ =	shalt  }
0x7f: {  	_ =	shalt  }
0x80: {  	_ =	shalt  }
0x81: {  	_ =	shalt  }
0x82: {  	_ =	shalt  }
0x83: {  	_ =	shalt  }
0x84: {  	_ =	shalt  }
0x85: {  	_ =	shalt  }
0x86: {  	_ =	shalt  }
0x87: {  	_ =	shalt  }
.Lfunc_end0:
.L_simem_size_0:
called_computation.4_lowered:
.L_overlay_start_0:
0x88: {  	s2 =	sld [smem:$0x3FD9]  }
0x89: {  	s3 =	sld [smem:$0x3FFE];
	_ =	sdelay $0x1  }
0x8a: {  	s1 =	srdreg.scid  }
0x8b: {  	s0 =	sand.u32 $0x1, s1  }
0x8c: {  	s17 =	sshll.u32 s0, $0xA;
	s2 =	sadd.s32 s3, s2  }
0x8d: {  	s2 =	sadd.s32 s2, s17  }
0x8e: {  	[smem:$0x3FB5] =	sst s2  }
0x8f: {  	_ = 	snop  }
0x90: {  	s2 =	sld [smem:$0x3FD0];
	(tm) =	ssettm $0x1  }
0x91: {  	s18 =	sld [smem:$0x3FFB];
	_ =	sdelay $0x3  }
0x92: {  	_ =	strace s18  }
0x93: {  	s3 =	sld [smem:$0x3FFC];
	_ =	sdelay $0x3  }
0x94: {  	_ =	strace s3  }
0x95: {  	s3 =	sld [smem:$0x3FFD];
	_ =	sdelay $0x3  }
0x96: {  	_ =	strace s3  }
0x97: {  	_ =	strace $0x8FFFFFFF  }
0x98: {  	s19 =	sld [smem:$0x3FDB];
	_ =	sdelay $0x1  }
0x99: {  	s4 =	simm.s32 $_scs_section_size  }
0x9a: {  	s5 =	simm.s32 $_size__tile_overlayer_lowered;
	s6 =	simm.s32 $_tile_overlayer_lowered  }
0x9b: {  	s22 =	simm.s32 $0x1BFF;
	s21 =	sshll.u32 s6, $0x1;
	s3 =	sadd.s32 s4, s19  }
0x9c: {  	s7 =	simm.s32 $0x0;
	s20 =	sshll.u32 s5, $0x1;
	s5 =	sadd.s32 s21, s3  }
0x9d: {  	[timem:s7], [sflag:s22] =	dma.local [hbm:s5], s20  }
0x9e: {  	_ =	swait.ge [sflag:s22], s20  }
0x9f: {  	s4 =	ssub.s32 $0x0, s20;
	[sflag:s22] =	ssyncset.done $0x0  }
0xa0: {  	[sflag:s22] =	ssyncadd.s32 s4;
	_ =	sdelay $0x1  }
0xa1: {  	s23 =	simm.s32 $0x1B8B  }
0xa2: {  	_ =	swait.ge [sflag:s23], $0x1  }
0xa3: {  	[sflag:s23] =	ssyncset.done $0x0  }
0xa4: {  	s25 =	simm.s32 $0x1B8E;
	s24 =	sld [smem:$0x3FFE];
	[sflag:s23] =	ssyncadd.s32 $0xFFFFFFFF  }
0xa5: {  	s26 =	simm.s32 $execute0_lowered;
	[smem:$0x3FD2] =	sst s25  }
0xa6: {  	s5 =	sshll.u32 s26, $0x1;
	_ =	strace $0x80000052;
	[dreg:$0x1] =	wrdreg $0xFFFFFFFF  }
0xa7: {  	s28 =	simm.s32 $_size_execute0_lowered;
	s3 =	sadd.s32 s3, s5;
	[dreg:$0x0] =	wrdreg $0x0  }
0xa8: {  	s5 =	sshll.u32 s28, $0x1;
	[dreg:$0x2] =	wrdreg s3  }
0xa9: {  	[dreg:$0x3] =	wrdreg s5  }
0xaa: {  	[dreg:$0x4] =	wrdreg $0xC0  }
0xab: {  	_ =	task [dreg:s7], $0x5FFFF  }
0xac: {  	[dreg:$0x1] =	wrdreg $0xFFFFFFFF  }
0xad: {  	[dreg:$0x0] =	wrdreg $0x60  }
0xae: {  	[dreg:$0x2] =	wrdreg s2  }
0xaf: {  	[dreg:$0x3] =	wrdreg s24  }
0xb0: {  	[dreg:$0x4] =	wrdreg $0xA8000  }
0xb1: {  	[dreg:$0x5] =	wrdreg $0x9  }
0xb2: {  	_ =	task.clear_ibuf [dreg:s7], $0x6FFFF;
	_ =	strace $0x90000052  }
0xb3: {  	s29 =	simm.s32 $0x9;
	_ =	strace $0x80000054  }
0xb4: {  	_ =	swait.ge [sflag:s29], $0x1  }
0xb5: {  	[sflag:s29] =	ssyncadd.s32 $0xFFFFFFFF  }
0xb6: {  	_ =	strace $0x90000054  }
0xb7: {  	_ =	sfence  }
0xb8: {  	s30 =	sld [smem:$0x0];
	_ =	sdelay $0x2  }
0xb9: {  	s31 =	sshll.u32 s1, $0xD;
	s1 =	sshrl.u32 s1, $0x2  }
0xba: {  	s3 =	sand.u32 $0x4000, s31;
	s1 =	sadd.s32 s1, s30  }
0xbb: {  	s0 =	sor.u32 s3, s0;
	s1 =	sshll.u32 s1, $0x11  }
0xbc: {  	s0 =	sor.u32 s1, s0  }
0xbd: {  	s0 =	sadd.s32 $0x8F2B, s0  }
0xbe: {  	[sflag:s0] =	ssyncadd.remote.s32 $0x1  }
0xbf: {  	_ =	sfence.sel $0xFFFF  }
0xc0: {  	[dreg:$0x0] =	wrdreg $0xFFFFFFFF;
	(pc) =	sbr.abs _section_cstart, $3  }
0xc1: {  	[dreg:$0x1] =	wrdreg $0xFFFFFFFF  }
0xc2: {  	_ =	task.clear_ibuf [dreg:s7], $0x2FFFF;
	_ =	strace $0x9FFFFFFF  }
0xc3: {  	(tm) =	ssettm $0x7FFFFFFF  }
tec
execute0_lowered:
.L_overlay_start_1:
0x0: {  	(tag) =	ssettag $0x1  }
0x1: {  	s1 =	rddreg [dreg:$0x0]  }
0x2: {  	s5 =	rddreg [dreg:$0x1]  }
0x3: {  	s3 =	rddreg [dreg:$0x2]  }
0x4: {  	s0 =	srdreg.scid;
	s2 =	rddreg [dreg:$0x3]  }
0x5: {  	s4 =	simm.s32 $0x0;
	s14 =	simm.s32 $0x2800;
	s15 =	simm.s32 $0x3  }
0x6: {  	s16 =	simm.s32 $0x1400;
	s17 =	simm.s32 $0x80;
	s6 =	sand.u32 $0x1, s0  }
0x7: {  	s18 =	simm.s32 $0x6800;
	s0 =	stileid.u32;
	s7 =	smul.u32 $0x14000, s6  }
0x8: {  	s19 =	simm.s32 $0x1;
	s20 =	simm.s32 $0x2;
	s8 =	smul.u32 $0x1400, s0  }
0x9: {  	s21 =	simm.s32 $0x1380;
	s22 =	simm.s32 $0x2700;
	s9 =	smul.u32 $0x140000, s6  }
0xa: {  	s23 =	simm.s32 $0x2780;
	[smem:$0x7FF] =	sst s4;
	s30 =	smul.u32 $0x14000, s0  }
0xb: {  	_ =	strace $0x80000053;
	s10 =	smul.u32 $0x50000, s0;
	s6 =	ssub.s32 $0x2, s6  }
0xc: {  	s31 =	sshrl.u32 s6, $0x1;
	s7 =	sadd.s32 s8, s7;
	s8 =	sadd.s32 s30, s9  }
0xd: {  	s10 =	sshrl.u32 s10, $0x2;
	s9 =	ssub.s32 s6, s31;
	s7 =	sshrl.u32 s7, $0x3  }
0xe: {  	s8 =	sshrl.u32 s8, $0x3;
	s9 =	smax.u32 s9, $0x1;
	s7 =	sadd.s32 s7, s5  }
0xf: {  	s8 =	sadd.s32 s8, s5;
	s5 =	sadd.s32 s10, s3;
	s6 =	sadd.s32 $0x3600, s7  }
0x10: {  	s7 =	sadd.s32 $0x8600, s7;
	s8 =	sadd.s32 $0xD600, s8;
	s10 =	sadd.s32 $0x4000, s5  }
0x11: {  	v0 =	vimm.f32 $0.0e+00;
	s11 =	sadd.s32 $0x8000, s5;
	s12 =	sadd.s32 $0xC000, s5;
	s13 =	sadd.s32 $0x10000, s5  }
.LBB2_1:
0x12: {  	s24 =	simm.s32 $0x0;
	s25 =	simm.s32 $0x200  }
.LBB2_2:
0x13: {  	p0 =	sne.s32 s25, $0xFE00;
	[tilespmem:s24+$0x2870] =	vst v0  }
0x14: {  	[tilespmem:s24+$0x2800] =	vst v0  }
0x15: {  	[tilespmem:s24+$0x2810] =	vst v0  }
.Ltmp0:
0x16: {  	[tilespmem:s24+$0x2820] =	vst v0;
	(pc) =	sbr.rel @p0 .LBB2_2-.Ltmp0, $4  }
0x17: {  	[tilespmem:s24+$0x2830] =	vst v0  }
0x18: {  	[tilespmem:s24+$0x2840] =	vst v0  }
0x19: {  	[tilespmem:s24+$0x2850] =	vst v0  }
0x1a: {  	[tilespmem:s24+$0x2860] =	vst v0;
	s24 =	sshra.s32 s25, $0x2;
	s25 =	sadd.s32 $0x200, s25  }
0x1b: {  	[tilespmem:s24+$0x2870] =	vst v0  }
0x1c: {  	[tilespmem:s24+$0x2800] =	vst v0  }
0x1d: {  	[tilespmem:s24+$0x2810] =	vst v0  }
0x1e: {  	[tilespmem:s24+$0x2820] =	vst v0  }
0x1f: {  	[tilespmem:s24+$0x2830] =	vst v0  }
0x20: {  	[tilespmem:s24+$0x2840] =	vst v0  }
0x21: {  	[tilespmem:s24+$0x2850] =	vst v0  }
0x22: {  	[tilespmem:s24+$0x2860] =	vst v0  }
0x23: {  	[spmem:s5] =	stream.linear.scatter [tilespmem:s14], [sflag:$0x3], $0x4000, $0x38;
	[tilespmem:$0x1E800] =	vst v63  }
0x24: {  	_ =	swait.ge [sflag:s15], $0x4000  }
0x25: {  	[sflag:s15] =	ssyncset.done $0x0  }
0x26: {  	[sflag:s15] =	ssyncadd.s32 $0xFFFFC000  }
0x27: {  	[spmem:s10] =	stream.linear.scatter [tilespmem:s14], [sflag:$0x3], $0x4000, $0x38;
	[tilespmem:$0x1E800] =	vst v63  }
0x28: {  	_ =	swait.ge [sflag:s15], $0x4000  }
0x29: {  	[sflag:s15] =	ssyncset.done $0x0  }
0x2a: {  	[sflag:s15] =	ssyncadd.s32 $0xFFFFC000  }
0x2b: {  	[spmem:s11] =	stream.linear.scatter [tilespmem:s14], [sflag:$0x3], $0x4000, $0x38;
	[tilespmem:$0x1E800] =	vst v63  }
0x2c: {  	_ =	swait.ge [sflag:s15], $0x4000  }
0x2d: {  	[sflag:s15] =	ssyncset.done $0x0  }
0x2e: {  	[sflag:s15] =	ssyncadd.s32 $0xFFFFC000  }
0x2f: {  	[spmem:s12] =	stream.linear.scatter [tilespmem:s14], [sflag:$0x3], $0x4000, $0x38;
	[tilespmem:$0x1E800] =	vst v63  }
0x30: {  	_ =	swait.ge [sflag:s15], $0x4000  }
0x31: {  	[sflag:s15] =	ssyncset.done $0x0  }
0x32: {  	[sflag:s15] =	ssyncadd.s32 $0xFFFFC000  }
0x33: {  	[spmem:s13] =	stream.linear.scatter [tilespmem:s14], [sflag:$0x3], $0x4000, $0x38;
	[tilespmem:$0x1E800] =	vst v63  }
0x34: {  	_ =	swait.ge [sflag:s15], $0x4000  }
0x35: {  	[sflag:s15] =	ssyncset.done $0x0  }
0x36: {  	[sflag:s15] =	ssyncadd.s32 $0xFFFFC000  }
0x37: {  	s26 =	simm.s32 $0x0;
	[bflag:$0x0] =	sbarrier.arrive $0xFFFF  }
0x38: {  	[tilespmem:s26], [sflag:$0x3] =	stream.linear.gather [hbm4b:s6+s26], $0x1400, $0x38;
	[tilespmem:$0x1E800] =	vst v63  }
0x39: {  	_ =	swait.ge [sflag:s15], $0x1400  }
0x3a: {  	[sflag:s15] =	ssyncset.done $0x0  }
0x3b: {  	[sflag:s15] =	ssyncadd.s32 $0xFFFFEC00  }
0x3c: {  	[tilespmem:s16], [sflag:$0x3] =	stream.linear.gather [hbm4b:s7+s26], $0x1400, $0x38;
	[tilespmem:$0x1E800] =	vst v63  }
0x3d: {  	_ =	swait.ge [sflag:s15], $0x1400  }
0x3e: {  	[sflag:s15] =	ssyncset.done $0x0  }
0x3f: {  	[sflag:s15] =	ssyncadd.s32 $0xFFFFEC00  }
0x40: {  	[tilespmem:s14], [sflag:$0x1] =	stream.indirect.gather [hbm4b:s1+s17], $0x80, s26, s17, $0xb8;
	[tilespmem:$0x1E800] =	vst v63  }
0x41: {  	s28 =	simm.s32 $0x80  }
0x42: {  	[tilespmem:s18], [sflag:$0x2] =	stream.indirect.gather [hbm4b:s1+s17], $0x80, s28, s17, $0xb8;
	[tilespmem:$0x1E800] =	vst v63  }
0x43: {  	_ =	swait.ge [sflag:s19], $0x4000  }
0x44: {  	[sflag:s19] =	ssyncset.done $0x0  }
0x45: {  	s29 =	simm.s32 $0x1400;
	[sflag:s19] =	ssyncadd.s32 $0xFFFFC000  }
0x46: {  	[spmem:s3] =	stream.indirect.scatter.add.f32 [tilespmem:s14], [sflag:$0x3], $0x80, s29, s17, $0xb8;
	[tilespmem:$0x1E800] =	vst v63  }
0x47: {  	_ =	swait.ge [sflag:s15], $0x4000  }
0x48: {  	[sflag:s15] =	ssyncset.done $0x0  }
0x49: {  	s30 =	simm.s32 $0x100;
	[sflag:s15] =	ssyncadd.s32 $0xFFFFC000  }
0x4a: {  	[tilespmem:s14], [sflag:$0x1] =	stream.indirect.gather [hbm4b:s1+s17], $0x80, s30, s17, $0xb8;
	[tilespmem:$0x1E800] =	vst v63  }
0x4b: {  	_ =	swait.ge [sflag:s20], $0x4000  }
0x4c: {  	[sflag:s20] =	ssyncset.done $0x0  }
0x4d: {  	s31 =	simm.s32 $0x1480;
	[sflag:s20] =	ssyncadd.s32 $0xFFFFC000  }
0x4e: {  	[spmem:s3] =	stream.indirect.scatter.add.f32 [tilespmem:s18], [sflag:$0x3], $0x80, s31, s17, $0xb8;
	[tilespmem:$0x1E800] =	vst v63  }
0x4f: {  	_ =	swait.ge [sflag:s15], $0x4000  }
0x50: {  	s25 =	simm.s32 $0x800;
	s24 =	simm.s32 $0x100;
	[sflag:s15] =	ssyncset.done $0x0  }
.LBB2_4:
0x51: {  	s26 =	sadd.s32 $0x80, s24  }
0x52: {  	[sflag:s15] =	ssyncadd.s32 $0xFFFFC000;
	s28 =	smov.u32 s25;
	s29 =	sadd.s32 $0x400, s25  }
0x53: {  	[tilespmem:s18], [sflag:$0x2] =	stream.indirect.gather [hbm4b:s1+s17], $0x80, s26, s17, $0xb8;
	[tilespmem:$0x1E800] =	vst v63  }
0x54: {  	p0 =	sne.s32 s25, $0x4800;
	_ =	swait.ge [sflag:s19], $0x4000  }
0x55: {  	[sflag:s19] =	ssyncset.done $0x0  }
0x56: {  	s25 =	sadd.s32 $0x1400, s24;
	[sflag:s19] =	ssyncadd.s32 $0xFFFFC000  }
0x57: {  	[spmem:s3] =	stream.indirect.scatter.add.f32 [tilespmem:s14], [sflag:$0x3], $0x80, s25, s17, $0xb8;
	[tilespmem:$0x1E800] =	vst v63  }
0x58: {  	_ =	swait.ge [sflag:s15], $0x4000  }
0x59: {  	[sflag:s15] =	ssyncset.done $0x0  }
0x5a: {  	s25 =	sadd.s32 $0x100, s24;
	[sflag:s15] =	ssyncadd.s32 $0xFFFFC000  }
0x5b: {  	[tilespmem:s14], [sflag:$0x1] =	stream.indirect.gather [hbm4b:s1+s17], $0x80, s25, s17, $0xb8;
	[tilespmem:$0x1E800] =	vst v63  }
0x5c: {  	_ =	swait.ge [sflag:s20], $0x4000  }
.Ltmp1:
0x5d: {  	[sflag:s20] =	ssyncset.done $0x0;
	(pc) =	sbr.rel @p0 .LBB2_4-.Ltmp1, $4  }
0x5e: {  	s24 =	sadd.s32 $0x1480, s24;
	[sflag:s20] =	ssyncadd.s32 $0xFFFFC000  }
0x5f: {  	[spmem:s3] =	stream.indirect.scatter.add.f32 [tilespmem:s18], [sflag:$0x3], $0x80, s24, s17, $0xb8;
	[tilespmem:$0x1E800] =	vst v63  }
0x60: {  	_ =	swait.ge [sflag:s15], $0x4000  }
0x61: {  	s25 =	smov.u32 s29;
	s24 =	sshra.s32 s28, $0x2;
	[sflag:s15] =	ssyncset.done $0x0  }
0x62: {  	s25 =	sadd.s32 $0x80, s24;
	[sflag:s15] =	ssyncadd.s32 $0xFFFFC000  }
0x63: {  	[tilespmem:s18], [sflag:$0x2] =	stream.indirect.gather [hbm4b:s1+s17], $0x80, s25, s17, $0xb8;
	[tilespmem:$0x1E800] =	vst v63  }
0x64: {  	_ =	swait.ge [sflag:s19], $0x4000  }
0x65: {  	[sflag:s19] =	ssyncset.done $0x0  }
0x66: {  	s26 =	sadd.s32 $0x1400, s24;
	[sflag:s19] =	ssyncadd.s32 $0xFFFFC000  }
0x67: {  	[spmem:s3] =	stream.indirect.scatter.add.f32 [tilespmem:s14], [sflag:$0x3], $0x80, s26, s17, $0xb8;
	[tilespmem:$0x1E800] =	vst v63  }
0x68: {  	_ =	swait.ge [sflag:s15], $0x4000  }
0x69: {  	[sflag:s15] =	ssyncset.done $0x0  }
0x6a: {  	s28 =	sadd.s32 $0x100, s24;
	[sflag:s15] =	ssyncadd.s32 $0xFFFFC000  }
0x6b: {  	[tilespmem:s14], [sflag:$0x1] =	stream.indirect.gather [hbm4b:s1+s17], $0x80, s28, s17, $0xb8;
	[tilespmem:$0x1E800] =	vst v63  }
0x6c: {  	_ =	swait.ge [sflag:s20], $0x4000  }
0x6d: {  	[sflag:s20] =	ssyncset.done $0x0  }
0x6e: {  	s29 =	sadd.s32 $0x1480, s24;
	[sflag:s20] =	ssyncadd.s32 $0xFFFFC000  }
0x6f: {  	[spmem:s3] =	stream.indirect.scatter.add.f32 [tilespmem:s18], [sflag:$0x3], $0x80, s29, s17, $0xb8;
	[tilespmem:$0x1E800] =	vst v63  }
0x70: {  	_ =	swait.ge [sflag:s15], $0x4000  }
0x71: {  	[sflag:s15] =	ssyncset.done $0x0  }
0x72: {  	[sflag:s15] =	ssyncadd.s32 $0xFFFFC000  }
0x73: {  	[tilespmem:s18], [sflag:$0x2] =	stream.indirect.gather [hbm4b:s1+s17], $0x80, s21, s17, $0xb8;
	[tilespmem:$0x1E800] =	vst v63  }
0x74: {  	_ =	swait.ge [sflag:s19], $0x4000  }
0x75: {  	[sflag:s19] =	ssyncset.done $0x0  }
0x76: {  	[sflag:s19] =	ssyncadd.s32 $0xFFFFC000  }
0x77: {  	[spmem:s3] =	stream.indirect.scatter.add.f32 [tilespmem:s14], [sflag:$0x3], $0x80, s22, s17, $0xb8;
	[tilespmem:$0x1E800] =	vst v63  }
0x78: {  	_ =	swait.ge [sflag:s15], $0x4000  }
0x79: {  	[sflag:s15] =	ssyncset.done $0x0  }
0x7a: {  	[sflag:s15] =	ssyncadd.s32 $0xFFFFC000  }
0x7b: {  	_ =	swait.ge [sflag:s20], $0x4000  }
0x7c: {  	[sflag:s20] =	ssyncset.done $0x0  }
0x7d: {  	[sflag:s20] =	ssyncadd.s32 $0xFFFFC000  }
0x7e: {  	[spmem:s3] =	stream.indirect.scatter.add.f32 [tilespmem:s18], [sflag:$0x3], $0x80, s23, s17, $0xb8;
	[tilespmem:$0x1E800] =	vst v63  }
0x7f: {  	_ =	swait.ge [sflag:s15], $0x4000  }
0x80: {  	s30 =	sshll.u32 s0, $0x6;
	s4 =	sadd.s32 $0x1, s4;
	[sflag:s15] =	ssyncset.done $0x0  }
0x81: {  	s31 =	sshrl.u32 s5, $0x3;
	p0 =	sne.s32 s4, s9;
	[sflag:s15] =	ssyncadd.s32 $0xFFFFC000  }
.Ltmp2:
0x82: {  	s24 =	sor.u32 $0x1C03, s30;
	[bflag:$0x0] =	sbarrier.arrive $0xFFFF;
	(pc) =	sbr.rel @p0 .LBB2_1-.Ltmp2, $4  }
0x83: {  	[hbm:s8], [sflag:s24] =	dma.local [spmem:s31], $0x2800  }
0x84: {  	_ =	swait.ge [sflag:s15], $0x2800  }
0x85: {  	[sflag:s15] =	ssyncset.done $0x0  }
0x86: {  	[sflag:s15] =	ssyncadd.s32 $0xFFFFD800  }
0x87: {  	_ =	sfence.sel $0x180000  }
0x88: {  	[bflag:$0x0] =	sbarrier.arrive $0xFFFF  }
0x89: {  	p0 =	sne.s32 s0, $0x0;
	_ =	strace $0x90000053  }
0x8a: {  	s0 =	sadd.s32 @!p0 $0x100000, s2;
	[bflag:$0x2] =	sbarrier.arrive $0xFFFF  }
0x8b: {  	[sflag:s0] =	ssyncadd.tile.s32 @!p0 $0x1;
	_ =	shalt  }
.Lfunc_end2:
_tile_overlayer_lowered:
.L_overlay_start_2:
0x8c: {  	(tag) =	ssettag $0x2  }
0x8d: {  	s0 =	rddreg [dreg:$0x0];
	s2 =	stileid.u32  }
0x8e: {  	s1 =	rddreg [dreg:$0x1];
	p0 =	sne.s32 s2, $0x0  }
0x8f: {  	s3 =	rddreg [dreg:$0x2];
	[bflag:$0x3] =	sbarrier.arrive $0xFFFF;
	s2 =	simm.s32 @!p0 $0x1C03  }
0x90: {  	[timem:s3], [sflag:s2] =	dma.local @!p0 [hbm:s0], s1  }
0x91: {  	s0 =	simm.s32 @!p0 $0x3  }
0x92: {  	_ =	swait.ge @!p0 [sflag:s0], s1  }
0x93: {  	s1 =	ssub.s32 @!p0 $0x0, s1;
	[sflag:s0] =	ssyncset.done @!p0 $0x0  }
0x94: {  	[sflag:s0] =	ssyncadd.s32 @!p0 s1  }
0x95: {  	[bflag:$0x3] =	sbarrier.arrive $0xFFFF  }
0x96: {  	_ =	shalt  }

</sc_bundles>
